<compile_context>
chip_gen: v7x
topology: tpu7x:2x2x1
jax: 0.10.2.dev20260603
libtpu: 0.0.44.dev20260713+nightly
codegen_flags: <defaults>
</compile_context>

<pallas_src>
import functools

import jax
import jax.numpy as jnp
from jax import lax
from jax.experimental import pallas as pl
from jax.experimental.pallas import tpu as pltpu
from jax.experimental.pallas import tpu_sc as plsc

N = 10000
D = 128
E = 320000

NC = 2
NS = 16
NW = NC * NS
EPW = E // NW
CHUNK = 100
EPW_PAD = EPW
NCHUNK = EPW_PAD // CHUNK
NPAD = 10240
RPS = NPAD // NS


@functools.cache
def _make_sc_aggregate():
    mesh = plsc.VectorSubcoreMesh(
        core_axis_name="c", subcore_axis_name="s",
        num_cores=NC, num_subcores=NS,
    )
    return pl.kernel(
        _sc_aggregate_body,
        out_type=jax.ShapeDtypeStruct((NC, NPAD, D), jnp.float32),
        mesh=mesh,
        scratch_types=[
            pltpu.VMEM((2, 4, 2, CHUNK), jnp.int32),
            pltpu.VMEM((CHUNK, D), jnp.float32),
            pltpu.VMEM((CHUNK, D), jnp.float32),
            pltpu.VMEM_SHARED((NPAD, D), jnp.float32),
            [pltpu.SemaphoreType.DMA] * 2,
            pltpu.SemaphoreType.DMA,
            pltpu.SemaphoreType.DMA,
            pltpu.SemaphoreType.DMA,
        ],
    )


def _sc_aggregate_body(table_hbm, eidx_hbm, zeros_hbm, out_hbm,
                       ring, buf_a, buf_b, agg_sh, isems, gsem_a, gsem_b, zsem):
    c = lax.axis_index("c")
    s = lax.axis_index("s")
    wid = s * NC + c

    def group_fetch(group, half):
        g = jnp.minimum(group, NCHUNK // 4 - 1)
        pltpu.async_copy(eidx_hbm.at[wid, pl.ds(4 * g, 4)], ring.at[half],
                         isems[half])

    def wait_group(half):
        pltpu.make_async_copy(eidx_hbm.at[wid, pl.ds(0, 4)], ring.at[half],
                              isems[half]).wait()

    def gather(half, m, buf, gsem):
        pltpu.async_copy(table_hbm.at[ring.at[half, m, 0]], buf, gsem)

    def wait_gather(buf, gsem):
        pltpu.make_async_copy(table_hbm.at[ring.at[0, 0, 0]], buf, gsem).wait()

    def scatter(buf, half, m):
        pltpu.sync_copy(buf, agg_sh.at[ring.at[half, m, 1]], add=True)

    init_cp = pltpu.async_copy(zeros_hbm, agg_sh.at[pl.ds(s * RPS, RPS)], zsem)

    group_fetch(0, 0)
    group_fetch(1, 1)
    wait_group(0)
    gather(0, 0, buf_a, gsem_a)
    gather(0, 1, buf_b, gsem_b)
    init_cp.wait()
    plsc.subcore_barrier()

    def one_group(g, h):
        h2 = 1 - h
        wait_gather(buf_a, gsem_a)
        scatter(buf_a, h, 0)
        gather(h, 2, buf_a, gsem_a)

        wait_gather(buf_b, gsem_b)
        scatter(buf_b, h, 1)
        gather(h, 3, buf_b, gsem_b)

        wait_gather(buf_a, gsem_a)
        scatter(buf_a, h, 2)
        wait_group(h2)
        gather(h2, 0, buf_a, gsem_a)

        wait_gather(buf_b, gsem_b)
        scatter(buf_b, h, 3)
        gather(h2, 1, buf_b, gsem_b)

        group_fetch(g + 2, h)

    def body(m, _):
        one_group(2 * m, 0)
        one_group(2 * m + 1, 1)
        return 0

    lax.fori_loop(0, NCHUNK // 8, body, 0)
    one_group(NCHUNK // 4 - 1, 0)

    wait_gather(buf_a, gsem_a)
    wait_gather(buf_b, gsem_b)
    wait_group(0)

    plsc.subcore_barrier()
    pltpu.sync_copy(agg_sh.at[pl.ds(s * RPS, RPS)],
                    out_hbm.at[c, pl.ds(s * RPS, RPS)])


def _mm_relu_body(x_ref, a_ref, w_ref, b_ref, o_ref):
    xa = x_ref[...] + a_ref[0] + a_ref[1]
    h = jnp.dot(xa, w_ref[...], preferred_element_type=jnp.float32)
    o_ref[...] = jnp.maximum(h + b_ref[...], 0.0)


def _mm_lsm_body(x_ref, a_ref, w_ref, b_ref, o_ref):
    xa = x_ref[...] + a_ref[0] + a_ref[1]
    z = jnp.dot(xa, w_ref[...], preferred_element_type=jnp.float32)
    z = z + b_ref[...]
    m = jnp.max(z, axis=1, keepdims=True)
    lse = jnp.log(jnp.sum(jnp.exp(z - m), axis=1, keepdims=True)) + m
    o_ref[...] = z - lse


ROWS_BLK = 1000


def _tc_layer(body, x, aggp, wt, b):
    return pl.pallas_call(
        body,
        out_shape=jax.ShapeDtypeStruct((N, D), jnp.float32),
        grid=(N // ROWS_BLK,),
        in_specs=[
            pl.BlockSpec((ROWS_BLK, D), lambda i: (i, 0)),
            pl.BlockSpec((NC, ROWS_BLK, D), lambda i: (0, i, 0)),
            pl.BlockSpec((D, D), lambda i: (0, 0)),
            pl.BlockSpec((1, D), lambda i: (0, 0)),
        ],
        out_specs=pl.BlockSpec((ROWS_BLK, D), lambda i: (i, 0)),
    )(x, aggp, wt, b)


def kernel(x, edge_index, W1, b1, W2, b2):
    ei = edge_index.astype(jnp.int32)
    src = ei[0].reshape(NW, NCHUNK, CHUNK)
    dst = ei[1].reshape(NW, NCHUNK, CHUNK)
    eidx = jnp.stack([src, dst], axis=2)
    zeros = jnp.zeros((RPS, D), dtype=jnp.float32)

    sc_aggregate = _make_sc_aggregate()
    agg1 = sc_aggregate(x, eidx, zeros)
    h = _tc_layer(_mm_relu_body, x, agg1, W1.T, b1.reshape(1, D))
    agg2 = sc_aggregate(h, eidx, zeros)
    out = _tc_layer(_mm_lsm_body, h, agg2, W2.T, b2.reshape(1, D))
    return out

# --- scband reference (transcript-rebuilt; emitter-appended) ---
"""Pipeline reference for scband-gin-29386166239460 (READ-ONLY COPY).

The authoritative reference and input builder live on the scoring server;
editing this copy changes nothing except your own understanding.
"""

import jax, jax.numpy as jnp
import numpy as np

N = 10000
E = 320000
IN_DIM = 128
HIDDEN_DIM = 128
OUT_DIM = 128


def setup_inputs(seed: int = 0) -> dict:
    key = jax.random.key(seed)
    k_x, k_ei, k_w1, k_b1, k_w2, k_b2 = jax.random.split(key, 6)
    x = jax.random.normal(k_x, (N, IN_DIM), dtype=jnp.float32)
    edge_index = jax.random.randint(k_ei, (2, E), 0, N, dtype=jnp.int64)
    # Linear params (torch layout: weight [out, in], bias [out])
    W1 = jax.random.normal(k_w1, (HIDDEN_DIM, IN_DIM), dtype=jnp.float32) * (1.0 / np.sqrt(IN_DIM))
    b1 = jax.random.normal(k_b1, (HIDDEN_DIM,), dtype=jnp.float32) * 0.01
    W2 = jax.random.normal(k_w2, (OUT_DIM, HIDDEN_DIM), dtype=jnp.float32) * (1.0 / np.sqrt(HIDDEN_DIM))
    b2 = jax.random.normal(k_b2, (OUT_DIM,), dtype=jnp.float32) * 0.01
    return {"x": x, "edge_index": edge_index, "W1": W1, "b1": b1, "W2": W2, "b2": b2}


def reference(x, edge_index, W1, b1, W2, b2):
    src = edge_index[0]
    dst = edge_index[1]
    # GINConv1: nn((1+eps)*x + sum_{j in N(i)} x_j), eps=0 default
    agg1 = jnp.zeros((N, IN_DIM), dtype=x.dtype).at[dst].add(x[src])
    h = (x + agg1) @ W1.T + b1
    h = jax.nn.relu(h)
    # dropout is identity in eval mode
    # GINConv2
    agg2 = jnp.zeros((N, HIDDEN_DIM), dtype=h.dtype).at[dst].add(h[src])
    out = (h + agg2) @ W2.T + b2
    return jax.nn.log_softmax(out, axis=1)

if __name__ == "__main__":
    import jax
    _d = setup_inputs()
    print(jax.jit(kernel)(*tuple(_d.values())))

</pallas_src>

<mosaic_0001>
#map = affine_map<(d0, d1) -> (0, 0)>
#map1 = affine_map<(d0, d1) -> (0, 0, 0, 0)>
#map2 = affine_map<(d0, d1) -> (0, 0, 0)>
module attributes {stable_mosaic.version = 14 : i64} {
  func.func @_sc_aggregate_body(%arg0: i32, %arg1: i32, %arg2: memref<10000x128xf32, #tpu.memory_space<hbm>>, %arg3: memref<32x100x2x100xi32, #tpu.memory_space<hbm>>, %arg4: memref<640x128xf32, #tpu.memory_space<hbm>>, %arg5: memref<2x10240x128xf32, #tpu.memory_space<hbm>>, %arg6: memref<2x4x2x100xi32, #tpu.memory_space<vmem>>, %arg7: memref<100x128xf32, #tpu.memory_space<vmem>>, %arg8: memref<100x128xf32, #tpu.memory_space<vmem>>, %arg9: memref<10240x128xf32, #tpu.memory_space<vmem_shared>>, %arg10: memref<!tpu.dma_semaphore, #tpu.memory_space<semaphore_mem>>, %arg11: memref<!tpu.dma_semaphore, #tpu.memory_space<semaphore_mem>>, %arg12: memref<!tpu.dma_semaphore, #tpu.memory_space<semaphore_mem>>, %arg13: memref<!tpu.dma_semaphore, #tpu.memory_space<semaphore_mem>>, %arg14: memref<!tpu.dma_semaphore, #tpu.memory_space<semaphore_mem>>) attributes {dimension_semantics = [#tpu.dimension_semantics<core_parallel>, #tpu.dimension_semantics<subcore_parallel>], iteration_bounds = array<i64: 2, 16>, scalar_prefetch = 0 : i64, scratch_operands = 9 : i64, tpu.core_type = #tpu.core_type<sc_vector_subcore>, window_params = [{transform_indices = #map}, {transform_indices = #map1}, {transform_indices = #map}, {transform_indices = #map2}]} {
    %mul3A = arith.constant 2 : i32
    %mul3A_0 = arith.muli %arg1, %mul3A : i32
    %add3A = arith.addi %mul3A_0, %arg0 : i32
    %mul3A_1 = arith.constant 640 : i32
    %mul3A_2 = arith.muli %arg1, %mul3A_1 : i32
    %dma_start3A = arith.constant 0 : i32
    %dma_start3A_3 = tpu.memref_slice %arg9[%mul3A_2, %dma_start3A] : memref<10240x128xf32, #tpu.memory_space<vmem_shared>> -> memref<640x128xf32, #tpu.memory_space<vmem_shared>>
    tpu.enqueue_dma source(%arg4 : memref<640x128xf32, #tpu.memory_space<hbm>>) target(%dma_start3A_3 : memref<640x128xf32, #tpu.memory_space<vmem_shared>>) target_semaphore(%arg14 : memref<!tpu.dma_semaphore, #tpu.memory_space<semaphore_mem>>)
    %min3A = arith.constant 0 : i32
    %min3A_4 = arith.constant 24 : i32
    %min3A_5 = arith.minsi %min3A, %min3A_4 : i32
    %mul3A_6 = arith.constant 4 : i32
    %mul3A_7 = arith.muli %mul3A_6, %min3A_5 : i32
    %dma_start3A_8 = arith.constant 0 : i32
    %dma_start3A_9 = arith.constant 0 : i32
    %dma_start3A_10 = arith.constant 0 : i32
    %dma_start3A_11 = arith.constant 0 : i32
    %dma_start3A_12 = tpu.memref_slice %arg6[%dma_start3A_8, %dma_start3A_9, %dma_start3A_10, %dma_start3A_11] : memref<2x4x2x100xi32, #tpu.memory_space<vmem>> -> memref<1x4x2x100xi32, #tpu.memory_space<vmem>>
    %dma_start3A_13 = tpu.memref_squeeze %dma_start3A_12 : memref<1x4x2x100xi32, #tpu.memory_space<vmem>> -> memref<4x2x100xi32, #tpu.memory_space<vmem>>
    %dma_start3A_14 = arith.constant 0 : i32
    %dma_start3A_15 = arith.constant 0 : i32
    %dma_start3A_16 = tpu.memref_slice %arg3[%add3A, %mul3A_7, %dma_start3A_14, %dma_start3A_15] : memref<32x100x2x100xi32, #tpu.memory_space<hbm>> -> memref<1x4x2x100xi32, #tpu.memory_space<hbm>>
    %dma_start3A_17 = tpu.memref_squeeze %dma_start3A_16 : memref<1x4x2x100xi32, #tpu.memory_space<hbm>> -> memref<4x2x100xi32, #tpu.memory_space<hbm>>
    %dma_start3A_18 = arith.constant 0 : i32
    %dma_start3A_19 = arith.constant 0 : i32
    %dma_start3A_20 = arith.constant 0 : i32
    %dma_start3A_21 = tpu.memref_slice %arg6[%dma_start3A_8, %dma_start3A_18, %dma_start3A_19, %dma_start3A_20] : memref<2x4x2x100xi32, #tpu.memory_space<vmem>> -> memref<1x4x2x100xi32, #tpu.memory_space<vmem>>
    %dma_start3A_22 = tpu.memref_squeeze %dma_start3A_21 : memref<1x4x2x100xi32, #tpu.memory_space<vmem>> -> memref<4x2x100xi32, #tpu.memory_space<vmem>>
    %dma_start3A_23 = arith.constant 0 : i32
    %dma_start3A_24 = arith.constant 0 : i32
    %dma_start3A_25 = tpu.memref_slice %arg3[%add3A, %mul3A_7, %dma_start3A_23, %dma_start3A_24] : memref<32x100x2x100xi32, #tpu.memory_space<hbm>> -> memref<1x4x2x100xi32, #tpu.memory_space<hbm>>
    %dma_start3A_26 = tpu.memref_squeeze %dma_start3A_25 : memref<1x4x2x100xi32, #tpu.memory_space<hbm>> -> memref<4x2x100xi32, #tpu.memory_space<hbm>>
    tpu.enqueue_dma source(%dma_start3A_26 : memref<4x2x100xi32, #tpu.memory_space<hbm>>) target(%dma_start3A_22 : memref<4x2x100xi32, #tpu.memory_space<vmem>>) target_semaphore(%arg10 : memref<!tpu.dma_semaphore, #tpu.memory_space<semaphore_mem>>)
    %min3A_27 = arith.constant 1 : i32
    %min3A_28 = arith.constant 24 : i32
    %min3A_29 = arith.minsi %min3A_27, %min3A_28 : i32
    %mul3A_30 = arith.constant 4 : i32
    %mul3A_31 = arith.muli %mul3A_30, %min3A_29 : i32
    %dma_start3A_32 = arith.constant 1 : i32
    %dma_start3A_33 = arith.constant 0 : i32
    %dma_start3A_34 = arith.constant 0 : i32
    %dma_start3A_35 = arith.constant 0 : i32
    %dma_start3A_36 = tpu.memref_slice %arg6[%dma_start3A_32, %dma_start3A_33, %dma_start3A_34, %dma_start3A_35] : memref<2x4x2x100xi32, #tpu.memory_space<vmem>> -> memref<1x4x2x100xi32, #tpu.memory_space<vmem>>
    %dma_start3A_37 = tpu.memref_squeeze %dma_start3A_36 : memref<1x4x2x100xi32, #tpu.memory_space<vmem>> -> memref<4x2x100xi32, #tpu.memory_space<vmem>>
    %dma_start3A_38 = arith.constant 0 : i32
    %dma_start3A_39 = arith.constant 0 : i32
    %dma_start3A_40 = tpu.memref_slice %arg3[%add3A, %mul3A_31, %dma_start3A_38, %dma_start3A_39] : memref<32x100x2x100xi32, #tpu.memory_space<hbm>> -> memref<1x4x2x100xi32, #tpu.memory_space<hbm>>
    %dma_start3A_41 = tpu.memref_squeeze %dma_start3A_40 : memref<1x4x2x100xi32, #tpu.memory_space<hbm>> -> memref<4x2x100xi32, #tpu.memory_space<hbm>>
    %dma_start3A_42 = arith.constant 0 : i32
    %dma_start3A_43 = arith.constant 0 : i32
    %dma_start3A_44 = arith.constant 0 : i32
    %dma_start3A_45 = tpu.memref_slice %arg6[%dma_start3A_32, %dma_start3A_42, %dma_start3A_43, %dma_start3A_44] : memref<2x4x2x100xi32, #tpu.memory_space<vmem>> -> memref<1x4x2x100xi32, #tpu.memory_space<vmem>>
    %dma_start3A_46 = tpu.memref_squeeze %dma_start3A_45 : memref<1x4x2x100xi32, #tpu.memory_space<vmem>> -> memref<4x2x100xi32, #tpu.memory_space<vmem>>
    %dma_start3A_47 = arith.constant 0 : i32
    %dma_start3A_48 = arith.constant 0 : i32
    %dma_start3A_49 = tpu.memref_slice %arg3[%add3A, %mul3A_31, %dma_start3A_47, %dma_start3A_48] : memref<32x100x2x100xi32, #tpu.memory_space<hbm>> -> memref<1x4x2x100xi32, #tpu.memory_space<hbm>>
    %dma_start3A_50 = tpu.memref_squeeze %dma_start3A_49 : memref<1x4x2x100xi32, #tpu.memory_space<hbm>> -> memref<4x2x100xi32, #tpu.memory_space<hbm>>
    tpu.enqueue_dma source(%dma_start3A_50 : memref<4x2x100xi32, #tpu.memory_space<hbm>>) target(%dma_start3A_46 : memref<4x2x100xi32, #tpu.memory_space<vmem>>) target_semaphore(%arg11 : memref<!tpu.dma_semaphore, #tpu.memory_space<semaphore_mem>>)
    %dma_wait3A = arith.constant 0 : i32
    %dma_wait3A_51 = arith.constant 0 : i32
    %dma_wait3A_52 = arith.constant 0 : i32
    %dma_wait3A_53 = arith.constant 0 : i32
    %dma_wait3A_54 = tpu.memref_slice %arg6[%dma_wait3A, %dma_wait3A_51, %dma_wait3A_52, %dma_wait3A_53] : memref<2x4x2x100xi32, #tpu.memory_space<vmem>> -> memref<1x4x2x100xi32, #tpu.memory_space<vmem>>
    %dma_wait3A_55 = tpu.memref_squeeze %dma_wait3A_54 : memref<1x4x2x100xi32, #tpu.memory_space<vmem>> -> memref<4x2x100xi32, #tpu.memory_space<vmem>>
    %dma_wait3A_56 = arith.constant 0 : i32
    %dma_wait3A_57 = arith.constant 0 : i32
    %dma_wait3A_58 = arith.constant 0 : i32
    %dma_wait3A_59 = tpu.memref_slice %arg3[%add3A, %dma_wait3A_56, %dma_wait3A_57, %dma_wait3A_58] : memref<32x100x2x100xi32, #tpu.memory_space<hbm>> -> memref<1x4x2x100xi32, #tpu.memory_space<hbm>>
    %dma_wait3A_60 = tpu.memref_squeeze %dma_wait3A_59 : memref<1x4x2x100xi32, #tpu.memory_space<hbm>> -> memref<4x2x100xi32, #tpu.memory_space<hbm>>
    %dma_wait3A_61 = arith.constant 0 : i32
    %dma_wait3A_62 = arith.constant 0 : i32
    %dma_wait3A_63 = arith.constant 0 : i32
    %dma_wait3A_64 = tpu.memref_slice %arg6[%dma_wait3A, %dma_wait3A_61, %dma_wait3A_62, %dma_wait3A_63] : memref<2x4x2x100xi32, #tpu.memory_space<vmem>> -> memref<1x4x2x100xi32, #tpu.memory_space<vmem>>
    %dma_wait3A_65 = tpu.memref_squeeze %dma_wait3A_64 : memref<1x4x2x100xi32, #tpu.memory_space<vmem>> -> memref<4x2x100xi32, #tpu.memory_space<vmem>>
    %dma_wait3A_66 = arith.constant 0 : i32
    %dma_wait3A_67 = arith.constant 0 : i32
    %dma_wait3A_68 = arith.constant 0 : i32
    %dma_wait3A_69 = tpu.memref_slice %arg3[%add3A, %dma_wait3A_66, %dma_wait3A_67, %dma_wait3A_68] : memref<32x100x2x100xi32, #tpu.memory_space<hbm>> -> memref<1x4x2x100xi32, #tpu.memory_space<hbm>>
    %dma_wait3A_70 = tpu.memref_squeeze %dma_wait3A_69 : memref<1x4x2x100xi32, #tpu.memory_space<hbm>> -> memref<4x2x100xi32, #tpu.memory_space<hbm>>
    tpu.wait_dma2 semaphore(%arg10 : memref<!tpu.dma_semaphore, #tpu.memory_space<semaphore_mem>>) src(%dma_wait3A_70 : memref<4x2x100xi32, #tpu.memory_space<hbm>>) dst(%dma_wait3A_65 : memref<4x2x100xi32, #tpu.memory_space<vmem>>)
    %dma_start3A_71 = arith.constant 0 : i32
    %dma_start3A_72 = arith.constant 0 : i32
    %dma_start3A_73 = arith.constant 0 : i32
    %dma_start3A_74 = arith.constant 0 : i32
    %dma_start3A_75 = tpu.memref_slice %arg6[%dma_start3A_71, %dma_start3A_72, %dma_start3A_73, %dma_start3A_74] : memref<2x4x2x100xi32, #tpu.memory_space<vmem>> -> memref<1x1x1x100xi32, #tpu.memory_space<vmem>>
    %dma_start3A_76 = tpu.memref_squeeze %dma_start3A_75 : memref<1x1x1x100xi32, #tpu.memory_space<vmem>> -> memref<100xi32, #tpu.memory_space<vmem>>
    %dma_start3A_77 = arith.constant 0 : i32
    %dma_start3A_78 = arith.constant 0 : i32
    %dma_start3A_79 = tpu.memref_slice %arg2[%dma_start3A_77, %dma_start3A_78] : memref<10000x128xf32, #tpu.memory_space<hbm>> -> memref<10000x128xf32, #tpu.memory_space<hbm>>
    tpu.enqueue_indirect_dma source(%dma_start3A_79 : memref<10000x128xf32, #tpu.memory_space<hbm>>) target(%arg7 : memref<100x128xf32, #tpu.memory_space<vmem>>) offsets(%dma_start3A_76 : memref<100xi32, #tpu.memory_space<vmem>>) semaphore(%arg12 : memref<!tpu.dma_semaphore, #tpu.memory_space<semaphore_mem>>)
    %dma_start3A_80 = arith.constant 0 : i32
    %dma_start3A_81 = arith.constant 1 : i32
    %dma_start3A_82 = arith.constant 0 : i32
    %dma_start3A_83 = arith.constant 0 : i32
    %dma_start3A_84 = tpu.memref_slice %arg6[%dma_start3A_80, %dma_start3A_81, %dma_start3A_82, %dma_start3A_83] : memref<2x4x2x100xi32, #tpu.memory_space<vmem>> -> memref<1x1x1x100xi32, #tpu.memory_space<vmem>>
    %dma_start3A_85 = tpu.memref_squeeze %dma_start3A_84 : memref<1x1x1x100xi32, #tpu.memory_space<vmem>> -> memref<100xi32, #tpu.memory_space<vmem>>
    %dma_start3A_86 = arith.constant 0 : i32
    %dma_start3A_87 = arith.constant 0 : i32
    %dma_start3A_88 = tpu.memref_slice %arg2[%dma_start3A_86, %dma_start3A_87] : memref<10000x128xf32, #tpu.memory_space<hbm>> -> memref<10000x128xf32, #tpu.memory_space<hbm>>
    tpu.enqueue_indirect_dma source(%dma_start3A_88 : memref<10000x128xf32, #tpu.memory_space<hbm>>) target(%arg8 : memref<100x128xf32, #tpu.memory_space<vmem>>) offsets(%dma_start3A_85 : memref<100xi32, #tpu.memory_space<vmem>>) semaphore(%arg13 : memref<!tpu.dma_semaphore, #tpu.memory_space<semaphore_mem>>)
    %dma_wait3A_89 = arith.constant 0 : i32
    %dma_wait3A_90 = tpu.memref_slice %arg9[%mul3A_2, %dma_wait3A_89] : memref<10240x128xf32, #tpu.memory_space<vmem_shared>> -> memref<640x128xf32, #tpu.memory_space<vmem_shared>>
    tpu.wait_dma2 semaphore(%arg14 : memref<!tpu.dma_semaphore, #tpu.memory_space<semaphore_mem>>) src(%arg4 : memref<640x128xf32, #tpu.memory_space<hbm>>) dst(%dma_wait3A_90 : memref<640x128xf32, #tpu.memory_space<vmem_shared>>)
    %barrier3A = arith.constant 0 : index
    tpu.barrier barrier_id(%barrier3A)
    %scan3A = arith.constant 0 : i32
    %scan3A_91 = arith.constant 0 : i32
    %scan3A_92 = arith.constant 12 : i32
    %scan3A_93 = arith.addi %scan3A_91, %scan3A_92 : i32
    %scan3A_94 = arith.constant 1 : i32
    %scan3A_95 = scf.for %scan3A_269 = %scan3A_91 to %scan3A_93 step %scan3A_94 iter_args(%scan3A_270 = %scan3A) -> (i32)  : i32 {
      %mul3A_271 = arith.constant 2 : i32
      %mul3A_272 = arith.muli %mul3A_271, %scan3A_269 : i32
      %dma_wait3A_273 = arith.constant 0 : i32
      %dma_wait3A_274 = arith.constant 0 : i32
      %dma_wait3A_275 = arith.constant 0 : i32
      %dma_wait3A_276 = arith.constant 0 : i32
      %dma_wait3A_277 = tpu.memref_slice %arg6[%dma_wait3A_273, %dma_wait3A_274, %dma_wait3A_275, %dma_wait3A_276] : memref<2x4x2x100xi32, #tpu.memory_space<vmem>> -> memref<1x1x1x100xi32, #tpu.memory_space<vmem>>
      %dma_wait3A_278 = tpu.memref_squeeze %dma_wait3A_277 : memref<1x1x1x100xi32, #tpu.memory_space<vmem>> -> memref<100xi32, #tpu.memory_space<vmem>>
      %dma_wait3A_279 = arith.constant 0 : i32
      %dma_wait3A_280 = arith.constant 0 : i32
      %dma_wait3A_281 = tpu.memref_slice %arg2[%dma_wait3A_279, %dma_wait3A_280] : memref<10000x128xf32, #tpu.memory_space<hbm>> -> memref<10000x128xf32, #tpu.memory_space<hbm>>
      tpu.wait_indirect_dma semaphore(%arg12 : memref<!tpu.dma_semaphore, #tpu.memory_space<semaphore_mem>>) src(%dma_wait3A_281 : memref<10000x128xf32, #tpu.memory_space<hbm>>) dst(%arg7 : memref<100x128xf32, #tpu.memory_space<vmem>>)
      %run_scoped3A_282 = arith.constant 0 : i32
      %run_scoped3A_283 = arith.constant 0 : i32
      %run_scoped3A_284 = arith.constant 1 : i32
      "tpu.region"() ({
        %run_scoped3A_538 = tpu.sem_alloc : memref<!tpu.dma_semaphore, #tpu.memory_space<semaphore_mem>>
        %dma_start3A_539 = arith.constant 0 : i32
        %dma_start3A_540 = tpu.memref_slice %arg6[%run_scoped3A_282, %run_scoped3A_283, %run_scoped3A_284, %dma_start3A_539] : memref<2x4x2x100xi32, #tpu.memory_space<vmem>> -> memref<1x1x1x100xi32, #tpu.memory_space<vmem>>
        %dma_start3A_541 = tpu.memref_squeeze %dma_start3A_540 : memref<1x1x1x100xi32, #tpu.memory_space<vmem>> -> memref<100xi32, #tpu.memory_space<vmem>>
        %dma_start3A_542 = arith.constant 0 : i32
        %dma_start3A_543 = arith.constant 0 : i32
        %dma_start3A_544 = tpu.memref_slice %arg9[%dma_start3A_542, %dma_start3A_543] : memref<10240x128xf32, #tpu.memory_space<vmem_shared>> -> memref<10240x128xf32, #tpu.memory_space<vmem_shared>>
        tpu.enqueue_indirect_dma source(%arg7 : memref<100x128xf32, #tpu.memory_space<vmem>>) target(%dma_start3A_544 : memref<10240x128xf32, #tpu.memory_space<vmem_shared>>) offsets(%dma_start3A_541 : memref<100xi32, #tpu.memory_space<vmem>>) semaphore(%run_scoped3A_538 : memref<!tpu.dma_semaphore, #tpu.memory_space<semaphore_mem>>) {add = true}
        %dma_wait3A_545 = arith.constant 0 : i32
        %dma_wait3A_546 = tpu.memref_slice %arg6[%run_scoped3A_282, %run_scoped3A_283, %run_scoped3A_284, %dma_wait3A_545] : memref<2x4x2x100xi32, #tpu.memory_space<vmem>> -> memref<1x1x1x100xi32, #tpu.memory_space<vmem>>
        %dma_wait3A_547 = tpu.memref_squeeze %dma_wait3A_546 : memref<1x1x1x100xi32, #tpu.memory_space<vmem>> -> memref<100xi32, #tpu.memory_space<vmem>>
        %dma_wait3A_548 = arith.constant 0 : i32
        %dma_wait3A_549 = arith.constant 0 : i32
        %dma_wait3A_550 = tpu.memref_slice %arg9[%dma_wait3A_548, %dma_wait3A_549] : memref<10240x128xf32, #tpu.memory_space<vmem_shared>> -> memref<10240x128xf32, #tpu.memory_space<vmem_shared>>
        tpu.wait_indirect_dma semaphore(%run_scoped3A_538 : memref<!tpu.dma_semaphore, #tpu.memory_space<semaphore_mem>>) src(%arg7 : memref<100x128xf32, #tpu.memory_space<vmem>>) dst(%dma_wait3A_550 : memref<10240x128xf32, #tpu.memory_space<vmem_shared>>)
        tpu.yield
      }) : () -> ()
      %dma_start3A_285 = arith.constant 0 : i32
      %dma_start3A_286 = arith.constant 2 : i32
      %dma_start3A_287 = arith.constant 0 : i32
      %dma_start3A_288 = arith.constant 0 : i32
      %dma_start3A_289 = tpu.memref_slice %arg6[%dma_start3A_285, %dma_start3A_286, %dma_start3A_287, %dma_start3A_288] : memref<2x4x2x100xi32, #tpu.memory_space<vmem>> -> memref<1x1x1x100xi32, #tpu.memory_space<vmem>>
      %dma_start3A_290 = tpu.memref_squeeze %dma_start3A_289 : memref<1x1x1x100xi32, #tpu.memory_space<vmem>> -> memref<100xi32, #tpu.memory_space<vmem>>
      %dma_start3A_291 = arith.constant 0 : i32
      %dma_start3A_292 = arith.constant 0 : i32
      %dma_start3A_293 = tpu.memref_slice %arg2[%dma_start3A_291, %dma_start3A_292] : memref<10000x128xf32, #tpu.memory_space<hbm>> -> memref<10000x128xf32, #tpu.memory_space<hbm>>
      tpu.enqueue_indirect_dma source(%dma_start3A_293 : memref<10000x128xf32, #tpu.memory_space<hbm>>) target(%arg7 : memref<100x128xf32, #tpu.memory_space<vmem>>) offsets(%dma_start3A_290 : memref<100xi32, #tpu.memory_space<vmem>>) semaphore(%arg12 : memref<!tpu.dma_semaphore, #tpu.memory_space<semaphore_mem>>)
      %dma_wait3A_294 = arith.constant 0 : i32
      %dma_wait3A_295 = arith.constant 0 : i32
      %dma_wait3A_296 = arith.constant 0 : i32
      %dma_wait3A_297 = arith.constant 0 : i32
      %dma_wait3A_298 = tpu.memref_slice %arg6[%dma_wait3A_294, %dma_wait3A_295, %dma_wait3A_296, %dma_wait3A_297] : memref<2x4x2x100xi32, #tpu.memory_space<vmem>> -> memref<1x1x1x100xi32, #tpu.memory_space<vmem>>
      %dma_wait3A_299 = tpu.memref_squeeze %dma_wait3A_298 : memref<1x1x1x100xi32, #tpu.memory_space<vmem>> -> memref<100xi32, #tpu.memory_space<vmem>>
      %dma_wait3A_300 = arith.constant 0 : i32
      %dma_wait3A_301 = arith.constant 0 : i32
      %dma_wait3A_302 = tpu.memref_slice %arg2[%dma_wait3A_300, %dma_wait3A_301] : memref<10000x128xf32, #tpu.memory_space<hbm>> -> memref<10000x128xf32, #tpu.memory_space<hbm>>
      tpu.wait_indirect_dma semaphore(%arg13 : memref<!tpu.dma_semaphore, #tpu.memory_space<semaphore_mem>>) src(%dma_wait3A_302 : memref<10000x128xf32, #tpu.memory_space<hbm>>) dst(%arg8 : memref<100x128xf32, #tpu.memory_space<vmem>>)
      %run_scoped3A_303 = arith.constant 0 : i32
      %run_scoped3A_304 = arith.constant 1 : i32
      %run_scoped3A_305 = arith.constant 1 : i32
      "tpu.region"() ({
        %run_scoped3A_538 = tpu.sem_alloc : memref<!tpu.dma_semaphore, #tpu.memory_space<semaphore_mem>>
        %dma_start3A_539 = arith.constant 0 : i32
        %dma_start3A_540 = tpu.memref_slice %arg6[%run_scoped3A_303, %run_scoped3A_304, %run_scoped3A_305, %dma_start3A_539] : memref<2x4x2x100xi32, #tpu.memory_space<vmem>> -> memref<1x1x1x100xi32, #tpu.memory_space<vmem>>
        %dma_start3A_541 = tpu.memref_squeeze %dma_start3A_540 : memref<1x1x1x100xi32, #tpu.memory_space<vmem>> -> memref<100xi32, #tpu.memory_space<vmem>>
        %dma_start3A_542 = arith.constant 0 : i32
        %dma_start3A_543 = arith.constant 0 : i32
        %dma_start3A_544 = tpu.memref_slice %arg9[%dma_start3A_542, %dma_start3A_543] : memref<10240x128xf32, #tpu.memory_space<vmem_shared>> -> memref<10240x128xf32, #tpu.memory_space<vmem_shared>>
        tpu.enqueue_indirect_dma source(%arg8 : memref<100x128xf32, #tpu.memory_space<vmem>>) target(%dma_start3A_544 : memref<10240x128xf32, #tpu.memory_space<vmem_shared>>) offsets(%dma_start3A_541 : memref<100xi32, #tpu.memory_space<vmem>>) semaphore(%run_scoped3A_538 : memref<!tpu.dma_semaphore, #tpu.memory_space<semaphore_mem>>) {add = true}
        %dma_wait3A_545 = arith.constant 0 : i32
        %dma_wait3A_546 = tpu.memref_slice %arg6[%run_scoped3A_303, %run_scoped3A_304, %run_scoped3A_305, %dma_wait3A_545] : memref<2x4x2x100xi32, #tpu.memory_space<vmem>> -> memref<1x1x1x100xi32, #tpu.memory_space<vmem>>
        %dma_wait3A_547 = tpu.memref_squeeze %dma_wait3A_546 : memref<1x1x1x100xi32, #tpu.memory_space<vmem>> -> memref<100xi32, #tpu.memory_space<vmem>>
        %dma_wait3A_548 = arith.constant 0 : i32
        %dma_wait3A_549 = arith.constant 0 : i32
        %dma_wait3A_550 = tpu.memref_slice %arg9[%dma_wait3A_548, %dma_wait3A_549] : memref<10240x128xf32, #tpu.memory_space<vmem_shared>> -> memref<10240x128xf32, #tpu.memory_space<vmem_shared>>
        tpu.wait_indirect_dma semaphore(%run_scoped3A_538 : memref<!tpu.dma_semaphore, #tpu.memory_space<semaphore_mem>>) src(%arg8 : memref<100x128xf32, #tpu.memory_space<vmem>>) dst(%dma_wait3A_550 : memref<10240x128xf32, #tpu.memory_space<vmem_shared>>)
        tpu.yield
      }) : () -> ()
      %dma_start3A_306 = arith.constant 0 : i32
      %dma_start3A_307 = arith.constant 3 : i32
      %dma_start3A_308 = arith.constant 0 : i32
      %dma_start3A_309 = arith.constant 0 : i32
      %dma_start3A_310 = tpu.memref_slice %arg6[%dma_start3A_306, %dma_start3A_307, %dma_start3A_308, %dma_start3A_309] : memref<2x4x2x100xi32, #tpu.memory_space<vmem>> -> memref<1x1x1x100xi32, #tpu.memory_space<vmem>>
      %dma_start3A_311 = tpu.memref_squeeze %dma_start3A_310 : memref<1x1x1x100xi32, #tpu.memory_space<vmem>> -> memref<100xi32, #tpu.memory_space<vmem>>
      %dma_start3A_312 = arith.constant 0 : i32
      %dma_start3A_313 = arith.constant 0 : i32
      %dma_start3A_314 = tpu.memref_slice %arg2[%dma_start3A_312, %dma_start3A_313] : memref<10000x128xf32, #tpu.memory_space<hbm>> -> memref<10000x128xf32, #tpu.memory_space<hbm>>
      tpu.enqueue_indirect_dma source(%dma_start3A_314 : memref<10000x128xf32, #tpu.memory_space<hbm>>) target(%arg8 : memref<100x128xf32, #tpu.memory_space<vmem>>) offsets(%dma_start3A_311 : memref<100xi32, #tpu.memory_space<vmem>>) semaphore(%arg13 : memref<!tpu.dma_semaphore, #tpu.memory_space<semaphore_mem>>)
      %dma_wait3A_315 = arith.constant 0 : i32
      %dma_wait3A_316 = arith.constant 0 : i32
      %dma_wait3A_317 = arith.constant 0 : i32
      %dma_wait3A_318 = arith.constant 0 : i32
      %dma_wait3A_319 = tpu.memref_slice %arg6[%dma_wait3A_315, %dma_wait3A_316, %dma_wait3A_317, %dma_wait3A_318] : memref<2x4x2x100xi32, #tpu.memory_space<vmem>> -> memref<1x1x1x100xi32, #tpu.memory_space<vmem>>
      %dma_wait3A_320 = tpu.memref_squeeze %dma_wait3A_319 : memref<1x1x1x100xi32, #tpu.memory_space<vmem>> -> memref<100xi32, #tpu.memory_space<vmem>>
      %dma_wait3A_321 = arith.constant 0 : i32
      %dma_wait3A_322 = arith.constant 0 : i32
      %dma_wait3A_323 = tpu.memref_slice %arg2[%dma_wait3A_321, %dma_wait3A_322] : memref<10000x128xf32, #tpu.memory_space<hbm>> -> memref<10000x128xf32, #tpu.memory_space<hbm>>
      tpu.wait_indirect_dma semaphore(%arg12 : memref<!tpu.dma_semaphore, #tpu.memory_space<semaphore_mem>>) src(%dma_wait3A_323 : memref<10000x128xf32, #tpu.memory_space<hbm>>) dst(%arg7 : memref<100x128xf32, #tpu.memory_space<vmem>>)
      %run_scoped3A_324 = arith.constant 0 : i32
      %run_scoped3A_325 = arith.constant 2 : i32
      %run_scoped3A_326 = arith.constant 1 : i32
      "tpu.region"() ({
        %run_scoped3A_538 = tpu.sem_alloc : memref<!tpu.dma_semaphore, #tpu.memory_space<semaphore_mem>>
        %dma_start3A_539 = arith.constant 0 : i32
        %dma_start3A_540 = tpu.memref_slice %arg6[%run_scoped3A_324, %run_scoped3A_325, %run_scoped3A_326, %dma_start3A_539] : memref<2x4x2x100xi32, #tpu.memory_space<vmem>> -> memref<1x1x1x100xi32, #tpu.memory_space<vmem>>
        %dma_start3A_541 = tpu.memref_squeeze %dma_start3A_540 : memref<1x1x1x100xi32, #tpu.memory_space<vmem>> -> memref<100xi32, #tpu.memory_space<vmem>>
        %dma_start3A_542 = arith.constant 0 : i32
        %dma_start3A_543 = arith.constant 0 : i32
        %dma_start3A_544 = tpu.memref_slice %arg9[%dma_start3A_542, %dma_start3A_543] : memref<10240x128xf32, #tpu.memory_space<vmem_shared>> -> memref<10240x128xf32, #tpu.memory_space<vmem_shared>>
        tpu.enqueue_indirect_dma source(%arg7 : memref<100x128xf32, #tpu.memory_space<vmem>>) target(%dma_start3A_544 : memref<10240x128xf32, #tpu.memory_space<vmem_shared>>) offsets(%dma_start3A_541 : memref<100xi32, #tpu.memory_space<vmem>>) semaphore(%run_scoped3A_538 : memref<!tpu.dma_semaphore, #tpu.memory_space<semaphore_mem>>) {add = true}
        %dma_wait3A_545 = arith.constant 0 : i32
        %dma_wait3A_546 = tpu.memref_slice %arg6[%run_scoped3A_324, %run_scoped3A_325, %run_scoped3A_326, %dma_wait3A_545] : memref<2x4x2x100xi32, #tpu.memory_space<vmem>> -> memref<1x1x1x100xi32, #tpu.memory_space<vmem>>
        %dma_wait3A_547 = tpu.memref_squeeze %dma_wait3A_546 : memref<1x1x1x100xi32, #tpu.memory_space<vmem>> -> memref<100xi32, #tpu.memory_space<vmem>>
        %dma_wait3A_548 = arith.constant 0 : i32
        %dma_wait3A_549 = arith.constant 0 : i32
        %dma_wait3A_550 = tpu.memref_slice %arg9[%dma_wait3A_548, %dma_wait3A_549] : memref<10240x128xf32, #tpu.memory_space<vmem_shared>> -> memref<10240x128xf32, #tpu.memory_space<vmem_shared>>
        tpu.wait_indirect_dma semaphore(%run_scoped3A_538 : memref<!tpu.dma_semaphore, #tpu.memory_space<semaphore_mem>>) src(%arg7 : memref<100x128xf32, #tpu.memory_space<vmem>>) dst(%dma_wait3A_550 : memref<10240x128xf32, #tpu.memory_space<vmem_shared>>)
        tpu.yield
      }) : () -> ()
      %dma_wait3A_327 = arith.constant 1 : i32
      %dma_wait3A_328 = arith.constant 0 : i32
      %dma_wait3A_329 = arith.constant 0 : i32
      %dma_wait3A_330 = arith.constant 0 : i32
      %dma_wait3A_331 = tpu.memref_slice %arg6[%dma_wait3A_327, %dma_wait3A_328, %dma_wait3A_329, %dma_wait3A_330] : memref<2x4x2x100xi32, #tpu.memory_space<vmem>> -> memref<1x4x2x100xi32, #tpu.memory_space<vmem>>
      %dma_wait3A_332 = tpu.memref_squeeze %dma_wait3A_331 : memref<1x4x2x100xi32, #tpu.memory_space<vmem>> -> memref<4x2x100xi32, #tpu.memory_space<vmem>>
      %dma_wait3A_333 = arith.constant 0 : i32
      %dma_wait3A_334 = arith.constant 0 : i32
      %dma_wait3A_335 = arith.constant 0 : i32
      %dma_wait3A_336 = tpu.memref_slice %arg3[%add3A, %dma_wait3A_333, %dma_wait3A_334, %dma_wait3A_335] : memref<32x100x2x100xi32, #tpu.memory_space<hbm>> -> memref<1x4x2x100xi32, #tpu.memory_space<hbm>>
      %dma_wait3A_337 = tpu.memref_squeeze %dma_wait3A_336 : memref<1x4x2x100xi32, #tpu.memory_space<hbm>> -> memref<4x2x100xi32, #tpu.memory_space<hbm>>
      %dma_wait3A_338 = arith.constant 0 : i32
      %dma_wait3A_339 = arith.constant 0 : i32
      %dma_wait3A_340 = arith.constant 0 : i32
      %dma_wait3A_341 = tpu.memref_slice %arg6[%dma_wait3A_327, %dma_wait3A_338, %dma_wait3A_339, %dma_wait3A_340] : memref<2x4x2x100xi32, #tpu.memory_space<vmem>> -> memref<1x4x2x100xi32, #tpu.memory_space<vmem>>
      %dma_wait3A_342 = tpu.memref_squeeze %dma_wait3A_341 : memref<1x4x2x100xi32, #tpu.memory_space<vmem>> -> memref<4x2x100xi32, #tpu.memory_space<vmem>>
      %dma_wait3A_343 = arith.constant 0 : i32
      %dma_wait3A_344 = arith.constant 0 : i32
      %dma_wait3A_345 = arith.constant 0 : i32
      %dma_wait3A_346 = tpu.memref_slice %arg3[%add3A, %dma_wait3A_343, %dma_wait3A_344, %dma_wait3A_345] : memref<32x100x2x100xi32, #tpu.memory_space<hbm>> -> memref<1x4x2x100xi32, #tpu.memory_space<hbm>>
      %dma_wait3A_347 = tpu.memref_squeeze %dma_wait3A_346 : memref<1x4x2x100xi32, #tpu.memory_space<hbm>> -> memref<4x2x100xi32, #tpu.memory_space<hbm>>
      tpu.wait_dma2 semaphore(%arg11 : memref<!tpu.dma_semaphore, #tpu.memory_space<semaphore_mem>>) src(%dma_wait3A_347 : memref<4x2x100xi32, #tpu.memory_space<hbm>>) dst(%dma_wait3A_342 : memref<4x2x100xi32, #tpu.memory_space<vmem>>)
      %dma_start3A_348 = arith.constant 1 : i32
      %dma_start3A_349 = arith.constant 0 : i32
      %dma_start3A_350 = arith.constant 0 : i32
      %dma_start3A_351 = arith.constant 0 : i32
      %dma_start3A_352 = tpu.memref_slice %arg6[%dma_start3A_348, %dma_start3A_349, %dma_start3A_350, %dma_start3A_351] : memref<2x4x2x100xi32, #tpu.memory_space<vmem>> -> memref<1x1x1x100xi32, #tpu.memory_space<vmem>>
      %dma_start3A_353 = tpu.memref_squeeze %dma_start3A_352 : memref<1x1x1x100xi32, #tpu.memory_space<vmem>> -> memref<100xi32, #tpu.memory_space<vmem>>
      %dma_start3A_354 = arith.constant 0 : i32
      %dma_start3A_355 = arith.constant 0 : i32
      %dma_start3A_356 = tpu.memref_slice %arg2[%dma_start3A_354, %dma_start3A_355] : memref<10000x128xf32, #tpu.memory_space<hbm>> -> memref<10000x128xf32, #tpu.memory_space<hbm>>
      tpu.enqueue_indirect_dma source(%dma_start3A_356 : memref<10000x128xf32, #tpu.memory_space<hbm>>) target(%arg7 : memref<100x128xf32, #tpu.memory_space<vmem>>) offsets(%dma_start3A_353 : memref<100xi32, #tpu.memory_space<vmem>>) semaphore(%arg12 : memref<!tpu.dma_semaphore, #tpu.memory_space<semaphore_mem>>)
      %dma_wait3A_357 = arith.constant 0 : i32
      %dma_wait3A_358 = arith.constant 0 : i32
      %dma_wait3A_359 = arith.constant 0 : i32
      %dma_wait3A_360 = arith.constant 0 : i32
      %dma_wait3A_361 = tpu.memref_slice %arg6[%dma_wait3A_357, %dma_wait3A_358, %dma_wait3A_359, %dma_wait3A_360] : memref<2x4x2x100xi32, #tpu.memory_space<vmem>> -> memref<1x1x1x100xi32, #tpu.memory_space<vmem>>
      %dma_wait3A_362 = tpu.memref_squeeze %dma_wait3A_361 : memref<1x1x1x100xi32, #tpu.memory_space<vmem>> -> memref<100xi32, #tpu.memory_space<vmem>>
      %dma_wait3A_363 = arith.constant 0 : i32
      %dma_wait3A_364 = arith.constant 0 : i32
      %dma_wait3A_365 = tpu.memref_slice %arg2[%dma_wait3A_363, %dma_wait3A_364] : memref<10000x128xf32, #tpu.memory_space<hbm>> -> memref<10000x128xf32, #tpu.memory_space<hbm>>
      tpu.wait_indirect_dma semaphore(%arg13 : memref<!tpu.dma_semaphore, #tpu.memory_space<semaphore_mem>>) src(%dma_wait3A_365 : memref<10000x128xf32, #tpu.memory_space<hbm>>) dst(%arg8 : memref<100x128xf32, #tpu.memory_space<vmem>>)
      %run_scoped3A_366 = arith.constant 0 : i32
      %run_scoped3A_367 = arith.constant 3 : i32
      %run_scoped3A_368 = arith.constant 1 : i32
      "tpu.region"() ({
        %run_scoped3A_538 = tpu.sem_alloc : memref<!tpu.dma_semaphore, #tpu.memory_space<semaphore_mem>>
        %dma_start3A_539 = arith.constant 0 : i32
        %dma_start3A_540 = tpu.memref_slice %arg6[%run_scoped3A_366, %run_scoped3A_367, %run_scoped3A_368, %dma_start3A_539] : memref<2x4x2x100xi32, #tpu.memory_space<vmem>> -> memref<1x1x1x100xi32, #tpu.memory_space<vmem>>
        %dma_start3A_541 = tpu.memref_squeeze %dma_start3A_540 : memref<1x1x1x100xi32, #tpu.memory_space<vmem>> -> memref<100xi32, #tpu.memory_space<vmem>>
        %dma_start3A_542 = arith.constant 0 : i32
        %dma_start3A_543 = arith.constant 0 : i32
        %dma_start3A_544 = tpu.memref_slice %arg9[%dma_start3A_542, %dma_start3A_543] : memref<10240x128xf32, #tpu.memory_space<vmem_shared>> -> memref<10240x128xf32, #tpu.memory_space<vmem_shared>>
        tpu.enqueue_indirect_dma source(%arg8 : memref<100x128xf32, #tpu.memory_space<vmem>>) target(%dma_start3A_544 : memref<10240x128xf32, #tpu.memory_space<vmem_shared>>) offsets(%dma_start3A_541 : memref<100xi32, #tpu.memory_space<vmem>>) semaphore(%run_scoped3A_538 : memref<!tpu.dma_semaphore, #tpu.memory_space<semaphore_mem>>) {add = true}
        %dma_wait3A_545 = arith.constant 0 : i32
        %dma_wait3A_546 = tpu.memref_slice %arg6[%run_scoped3A_366, %run_scoped3A_367, %run_scoped3A_368, %dma_wait3A_545] : memref<2x4x2x100xi32, #tpu.memory_space<vmem>> -> memref<1x1x1x100xi32, #tpu.memory_space<vmem>>
        %dma_wait3A_547 = tpu.memref_squeeze %dma_wait3A_546 : memref<1x1x1x100xi32, #tpu.memory_space<vmem>> -> memref<100xi32, #tpu.memory_space<vmem>>
        %dma_wait3A_548 = arith.constant 0 : i32
        %dma_wait3A_549 = arith.constant 0 : i32
        %dma_wait3A_550 = tpu.memref_slice %arg9[%dma_wait3A_548, %dma_wait3A_549] : memref<10240x128xf32, #tpu.memory_space<vmem_shared>> -> memref<10240x128xf32, #tpu.memory_space<vmem_shared>>
        tpu.wait_indirect_dma semaphore(%run_scoped3A_538 : memref<!tpu.dma_semaphore, #tpu.memory_space<semaphore_mem>>) src(%arg8 : memref<100x128xf32, #tpu.memory_space<vmem>>) dst(%dma_wait3A_550 : memref<10240x128xf32, #tpu.memory_space<vmem_shared>>)
        tpu.yield
      }) : () -> ()
      %dma_start3A_369 = arith.constant 1 : i32
      %dma_start3A_370 = arith.constant 1 : i32
      %dma_start3A_371 = arith.constant 0 : i32
      %dma_start3A_372 = arith.constant 0 : i32
      %dma_start3A_373 = tpu.memref_slice %arg6[%dma_start3A_369, %dma_start3A_370, %dma_start3A_371, %dma_start3A_372] : memref<2x4x2x100xi32, #tpu.memory_space<vmem>> -> memref<1x1x1x100xi32, #tpu.memory_space<vmem>>
      %dma_start3A_374 = tpu.memref_squeeze %dma_start3A_373 : memref<1x1x1x100xi32, #tpu.memory_space<vmem>> -> memref<100xi32, #tpu.memory_space<vmem>>
      %dma_start3A_375 = arith.constant 0 : i32
      %dma_start3A_376 = arith.constant 0 : i32
      %dma_start3A_377 = tpu.memref_slice %arg2[%dma_start3A_375, %dma_start3A_376] : memref<10000x128xf32, #tpu.memory_space<hbm>> -> memref<10000x128xf32, #tpu.memory_space<hbm>>
      tpu.enqueue_indirect_dma source(%dma_start3A_377 : memref<10000x128xf32, #tpu.memory_space<hbm>>) target(%arg8 : memref<100x128xf32, #tpu.memory_space<vmem>>) offsets(%dma_start3A_374 : memref<100xi32, #tpu.memory_space<vmem>>) semaphore(%arg13 : memref<!tpu.dma_semaphore, #tpu.memory_space<semaphore_mem>>)
      %add3A_378 = arith.constant 2 : i32
      %add3A_379 = arith.addi %mul3A_272, %add3A_378 : i32
      %min3A_380 = arith.constant 24 : i32
      %min3A_381 = arith.minsi %add3A_379, %min3A_380 : i32
      %mul3A_382 = arith.constant 4 : i32
      %mul3A_383 = arith.muli %mul3A_382, %min3A_381 : i32
      %dma_start3A_384 = arith.constant 0 : i32
      %dma_start3A_385 = arith.constant 0 : i32
      %dma_start3A_386 = arith.constant 0 : i32
      %dma_start3A_387 = arith.constant 0 : i32
      %dma_start3A_388 = tpu.memref_slice %arg6[%dma_start3A_384, %dma_start3A_385, %dma_start3A_386, %dma_start3A_387] : memref<2x4x2x100xi32, #tpu.memory_space<vmem>> -> memref<1x4x2x100xi32, #tpu.memory_space<vmem>>
      %dma_start3A_389 = tpu.memref_squeeze %dma_start3A_388 : memref<1x4x2x100xi32, #tpu.memory_space<vmem>> -> memref<4x2x100xi32, #tpu.memory_space<vmem>>
      %dma_start3A_390 = arith.constant 0 : i32
      %dma_start3A_391 = arith.constant 0 : i32
      %dma_start3A_392 = tpu.memref_slice %arg3[%add3A, %mul3A_383, %dma_start3A_390, %dma_start3A_391] : memref<32x100x2x100xi32, #tpu.memory_space<hbm>> -> memref<1x4x2x100xi32, #tpu.memory_space<hbm>>
      %dma_start3A_393 = tpu.memref_squeeze %dma_start3A_392 : memref<1x4x2x100xi32, #tpu.memory_space<hbm>> -> memref<4x2x100xi32, #tpu.memory_space<hbm>>
      %dma_start3A_394 = arith.constant 0 : i32
      %dma_start3A_395 = arith.constant 0 : i32
      %dma_start3A_396 = arith.constant 0 : i32
      %dma_start3A_397 = tpu.memref_slice %arg6[%dma_start3A_384, %dma_start3A_394, %dma_start3A_395, %dma_start3A_396] : memref<2x4x2x100xi32, #tpu.memory_space<vmem>> -> memref<1x4x2x100xi32, #tpu.memory_space<vmem>>
      %dma_start3A_398 = tpu.memref_squeeze %dma_start3A_397 : memref<1x4x2x100xi32, #tpu.memory_space<vmem>> -> memref<4x2x100xi32, #tpu.memory_space<vmem>>
      %dma_start3A_399 = arith.constant 0 : i32
      %dma_start3A_400 = arith.constant 0 : i32
      %dma_start3A_401 = tpu.memref_slice %arg3[%add3A, %mul3A_383, %dma_start3A_399, %dma_start3A_400] : memref<32x100x2x100xi32, #tpu.memory_space<hbm>> -> memref<1x4x2x100xi32, #tpu.memory_space<hbm>>
      %dma_start3A_402 = tpu.memref_squeeze %dma_start3A_401 : memref<1x4x2x100xi32, #tpu.memory_space<hbm>> -> memref<4x2x100xi32, #tpu.memory_space<hbm>>
      tpu.enqueue_dma source(%dma_start3A_402 : memref<4x2x100xi32, #tpu.memory_space<hbm>>) target(%dma_start3A_398 : memref<4x2x100xi32, #tpu.memory_space<vmem>>) target_semaphore(%arg10 : memref<!tpu.dma_semaphore, #tpu.memory_space<semaphore_mem>>)
      %mul3A_403 = arith.constant 2 : i32
      %mul3A_404 = arith.muli %mul3A_403, %scan3A_269 : i32
      %add3A_405 = arith.constant 1 : i32
      %add3A_406 = arith.addi %mul3A_404, %add3A_405 : i32
      %dma_wait3A_407 = arith.constant 0 : i32
      %dma_wait3A_408 = arith.constant 0 : i32
      %dma_wait3A_409 = arith.constant 0 : i32
      %dma_wait3A_410 = arith.constant 0 : i32
      %dma_wait3A_411 = tpu.memref_slice %arg6[%dma_wait3A_407, %dma_wait3A_408, %dma_wait3A_409, %dma_wait3A_410] : memref<2x4x2x100xi32, #tpu.memory_space<vmem>> -> memref<1x1x1x100xi32, #tpu.memory_space<vmem>>
      %dma_wait3A_412 = tpu.memref_squeeze %dma_wait3A_411 : memref<1x1x1x100xi32, #tpu.memory_space<vmem>> -> memref<100xi32, #tpu.memory_space<vmem>>
      %dma_wait3A_413 = arith.constant 0 : i32
      %dma_wait3A_414 = arith.constant 0 : i32
      %dma_wait3A_415 = tpu.memref_slice %arg2[%dma_wait3A_413, %dma_wait3A_414] : memref<10000x128xf32, #tpu.memory_space<hbm>> -> memref<10000x128xf32, #tpu.memory_space<hbm>>
      tpu.wait_indirect_dma semaphore(%arg12 : memref<!tpu.dma_semaphore, #tpu.memory_space<semaphore_mem>>) src(%dma_wait3A_415 : memref<10000x128xf32, #tpu.memory_space<hbm>>) dst(%arg7 : memref<100x128xf32, #tpu.memory_space<vmem>>)
      %run_scoped3A_416 = arith.constant 1 : i32
      %run_scoped3A_417 = arith.constant 0 : i32
      %run_scoped3A_418 = arith.constant 1 : i32
      "tpu.region"() ({
        %run_scoped3A_538 = tpu.sem_alloc : memref<!tpu.dma_semaphore, #tpu.memory_space<semaphore_mem>>
        %dma_start3A_539 = arith.constant 0 : i32
        %dma_start3A_540 = tpu.memref_slice %arg6[%run_scoped3A_416, %run_scoped3A_417, %run_scoped3A_418, %dma_start3A_539] : memref<2x4x2x100xi32, #tpu.memory_space<vmem>> -> memref<1x1x1x100xi32, #tpu.memory_space<vmem>>
        %dma_start3A_541 = tpu.memref_squeeze %dma_start3A_540 : memref<1x1x1x100xi32, #tpu.memory_space<vmem>> -> memref<100xi32, #tpu.memory_space<vmem>>
        %dma_start3A_542 = arith.constant 0 : i32
        %dma_start3A_543 = arith.constant 0 : i32
        %dma_start3A_544 = tpu.memref_slice %arg9[%dma_start3A_542, %dma_start3A_543] : memref<10240x128xf32, #tpu.memory_space<vmem_shared>> -> memref<10240x128xf32, #tpu.memory_space<vmem_shared>>
        tpu.enqueue_indirect_dma source(%arg7 : memref<100x128xf32, #tpu.memory_space<vmem>>) target(%dma_start3A_544 : memref<10240x128xf32, #tpu.memory_space<vmem_shared>>) offsets(%dma_start3A_541 : memref<100xi32, #tpu.memory_space<vmem>>) semaphore(%run_scoped3A_538 : memref<!tpu.dma_semaphore, #tpu.memory_space<semaphore_mem>>) {add = true}
        %dma_wait3A_545 = arith.constant 0 : i32
        %dma_wait3A_546 = tpu.memref_slice %arg6[%run_scoped3A_416, %run_scoped3A_417, %run_scoped3A_418, %dma_wait3A_545] : memref<2x4x2x100xi32, #tpu.memory_space<vmem>> -> memref<1x1x1x100xi32, #tpu.memory_space<vmem>>
        %dma_wait3A_547 = tpu.memref_squeeze %dma_wait3A_546 : memref<1x1x1x100xi32, #tpu.memory_space<vmem>> -> memref<100xi32, #tpu.memory_space<vmem>>
        %dma_wait3A_548 = arith.constant 0 : i32
        %dma_wait3A_549 = arith.constant 0 : i32
        %dma_wait3A_550 = tpu.memref_slice %arg9[%dma_wait3A_548, %dma_wait3A_549] : memref<10240x128xf32, #tpu.memory_space<vmem_shared>> -> memref<10240x128xf32, #tpu.memory_space<vmem_shared>>
        tpu.wait_indirect_dma semaphore(%run_scoped3A_538 : memref<!tpu.dma_semaphore, #tpu.memory_space<semaphore_mem>>) src(%arg7 : memref<100x128xf32, #tpu.memory_space<vmem>>) dst(%dma_wait3A_550 : memref<10240x128xf32, #tpu.memory_space<vmem_shared>>)
        tpu.yield
      }) : () -> ()
      %dma_start3A_419 = arith.constant 1 : i32
      %dma_start3A_420 = arith.constant 2 : i32
      %dma_start3A_421 = arith.constant 0 : i32
      %dma_start3A_422 = arith.constant 0 : i32
      %dma_start3A_423 = tpu.memref_slice %arg6[%dma_start3A_419, %dma_start3A_420, %dma_start3A_421, %dma_start3A_422] : memref<2x4x2x100xi32, #tpu.memory_space<vmem>> -> memref<1x1x1x100xi32, #tpu.memory_space<vmem>>
      %dma_start3A_424 = tpu.memref_squeeze %dma_start3A_423 : memref<1x1x1x100xi32, #tpu.memory_space<vmem>> -> memref<100xi32, #tpu.memory_space<vmem>>
      %dma_start3A_425 = arith.constant 0 : i32
      %dma_start3A_426 = arith.constant 0 : i32
      %dma_start3A_427 = tpu.memref_slice %arg2[%dma_start3A_425, %dma_start3A_426] : memref<10000x128xf32, #tpu.memory_space<hbm>> -> memref<10000x128xf32, #tpu.memory_space<hbm>>
      tpu.enqueue_indirect_dma source(%dma_start3A_427 : memref<10000x128xf32, #tpu.memory_space<hbm>>) target(%arg7 : memref<100x128xf32, #tpu.memory_space<vmem>>) offsets(%dma_start3A_424 : memref<100xi32, #tpu.memory_space<vmem>>) semaphore(%arg12 : memref<!tpu.dma_semaphore, #tpu.memory_space<semaphore_mem>>)
      %dma_wait3A_428 = arith.constant 0 : i32
      %dma_wait3A_429 = arith.constant 0 : i32
      %dma_wait3A_430 = arith.constant 0 : i32
      %dma_wait3A_431 = arith.constant 0 : i32
      %dma_wait3A_432 = tpu.memref_slice %arg6[%dma_wait3A_428, %dma_wait3A_429, %dma_wait3A_430, %dma_wait3A_431] : memref<2x4x2x100xi32, #tpu.memory_space<vmem>> -> memref<1x1x1x100xi32, #tpu.memory_space<vmem>>
      %dma_wait3A_433 = tpu.memref_squeeze %dma_wait3A_432 : memref<1x1x1x100xi32, #tpu.memory_space<vmem>> -> memref<100xi32, #tpu.memory_space<vmem>>
      %dma_wait3A_434 = arith.constant 0 : i32
      %dma_wait3A_435 = arith.constant 0 : i32
      %dma_wait3A_436 = tpu.memref_slice %arg2[%dma_wait3A_434, %dma_wait3A_435] : memref<10000x128xf32, #tpu.memory_space<hbm>> -> memref<10000x128xf32, #tpu.memory_space<hbm>>
      tpu.wait_indirect_dma semaphore(%arg13 : memref<!tpu.dma_semaphore, #tpu.memory_space<semaphore_mem>>) src(%dma_wait3A_436 : memref<10000x128xf32, #tpu.memory_space<hbm>>) dst(%arg8 : memref<100x128xf32, #tpu.memory_space<vmem>>)
      %run_scoped3A_437 = arith.constant 1 : i32
      %run_scoped3A_438 = arith.constant 1 : i32
      %run_scoped3A_439 = arith.constant 1 : i32
      "tpu.region"() ({
        %run_scoped3A_538 = tpu.sem_alloc : memref<!tpu.dma_semaphore, #tpu.memory_space<semaphore_mem>>
        %dma_start3A_539 = arith.constant 0 : i32
        %dma_start3A_540 = tpu.memref_slice %arg6[%run_scoped3A_437, %run_scoped3A_438, %run_scoped3A_439, %dma_start3A_539] : memref<2x4x2x100xi32, #tpu.memory_space<vmem>> -> memref<1x1x1x100xi32, #tpu.memory_space<vmem>>
        %dma_start3A_541 = tpu.memref_squeeze %dma_start3A_540 : memref<1x1x1x100xi32, #tpu.memory_space<vmem>> -> memref<100xi32, #tpu.memory_space<vmem>>
        %dma_start3A_542 = arith.constant 0 : i32
        %dma_start3A_543 = arith.constant 0 : i32
        %dma_start3A_544 = tpu.memref_slice %arg9[%dma_start3A_542, %dma_start3A_543] : memref<10240x128xf32, #tpu.memory_space<vmem_shared>> -> memref<10240x128xf32, #tpu.memory_space<vmem_shared>>
        tpu.enqueue_indirect_dma source(%arg8 : memref<100x128xf32, #tpu.memory_space<vmem>>) target(%dma_start3A_544 : memref<10240x128xf32, #tpu.memory_space<vmem_shared>>) offsets(%dma_start3A_541 : memref<100xi32, #tpu.memory_space<vmem>>) semaphore(%run_scoped3A_538 : memref<!tpu.dma_semaphore, #tpu.memory_space<semaphore_mem>>) {add = true}
        %dma_wait3A_545 = arith.constant 0 : i32
        %dma_wait3A_546 = tpu.memref_slice %arg6[%run_scoped3A_437, %run_scoped3A_438, %run_scoped3A_439, %dma_wait3A_545] : memref<2x4x2x100xi32, #tpu.memory_space<vmem>> -> memref<1x1x1x100xi32, #tpu.memory_space<vmem>>
        %dma_wait3A_547 = tpu.memref_squeeze %dma_wait3A_546 : memref<1x1x1x100xi32, #tpu.memory_space<vmem>> -> memref<100xi32, #tpu.memory_space<vmem>>
        %dma_wait3A_548 = arith.constant 0 : i32
        %dma_wait3A_549 = arith.constant 0 : i32
        %dma_wait3A_550 = tpu.memref_slice %arg9[%dma_wait3A_548, %dma_wait3A_549] : memref<10240x128xf32, #tpu.memory_space<vmem_shared>> -> memref<10240x128xf32, #tpu.memory_space<vmem_shared>>
        tpu.wait_indirect_dma semaphore(%run_scoped3A_538 : memref<!tpu.dma_semaphore, #tpu.memory_space<semaphore_mem>>) src(%arg8 : memref<100x128xf32, #tpu.memory_space<vmem>>) dst(%dma_wait3A_550 : memref<10240x128xf32, #tpu.memory_space<vmem_shared>>)
        tpu.yield
      }) : () -> ()
      %dma_start3A_440 = arith.constant 1 : i32
      %dma_start3A_441 = arith.constant 3 : i32
      %dma_start3A_442 = arith.constant 0 : i32
      %dma_start3A_443 = arith.constant 0 : i32
      %dma_start3A_444 = tpu.memref_slice %arg6[%dma_start3A_440, %dma_start3A_441, %dma_start3A_442, %dma_start3A_443] : memref<2x4x2x100xi32, #tpu.memory_space<vmem>> -> memref<1x1x1x100xi32, #tpu.memory_space<vmem>>
      %dma_start3A_445 = tpu.memref_squeeze %dma_start3A_444 : memref<1x1x1x100xi32, #tpu.memory_space<vmem>> -> memref<100xi32, #tpu.memory_space<vmem>>
      %dma_start3A_446 = arith.constant 0 : i32
      %dma_start3A_447 = arith.constant 0 : i32
      %dma_start3A_448 = tpu.memref_slice %arg2[%dma_start3A_446, %dma_start3A_447] : memref<10000x128xf32, #tpu.memory_space<hbm>> -> memref<10000x128xf32, #tpu.memory_space<hbm>>
      tpu.enqueue_indirect_dma source(%dma_start3A_448 : memref<10000x128xf32, #tpu.memory_space<hbm>>) target(%arg8 : memref<100x128xf32, #tpu.memory_space<vmem>>) offsets(%dma_start3A_445 : memref<100xi32, #tpu.memory_space<vmem>>) semaphore(%arg13 : memref<!tpu.dma_semaphore, #tpu.memory_space<semaphore_mem>>)
      %dma_wait3A_449 = arith.constant 0 : i32
      %dma_wait3A_450 = arith.constant 0 : i32
      %dma_wait3A_451 = arith.constant 0 : i32
      %dma_wait3A_452 = arith.constant 0 : i32
      %dma_wait3A_453 = tpu.memref_slice %arg6[%dma_wait3A_449, %dma_wait3A_450, %dma_wait3A_451, %dma_wait3A_452] : memref<2x4x2x100xi32, #tpu.memory_space<vmem>> -> memref<1x1x1x100xi32, #tpu.memory_space<vmem>>
      %dma_wait3A_454 = tpu.memref_squeeze %dma_wait3A_453 : memref<1x1x1x100xi32, #tpu.memory_space<vmem>> -> memref<100xi32, #tpu.memory_space<vmem>>
      %dma_wait3A_455 = arith.constant 0 : i32
      %dma_wait3A_456 = arith.constant 0 : i32
      %dma_wait3A_457 = tpu.memref_slice %arg2[%dma_wait3A_455, %dma_wait3A_456] : memref<10000x128xf32, #tpu.memory_space<hbm>> -> memref<10000x128xf32, #tpu.memory_space<hbm>>
      tpu.wait_indirect_dma semaphore(%arg12 : memref<!tpu.dma_semaphore, #tpu.memory_space<semaphore_mem>>) src(%dma_wait3A_457 : memref<10000x128xf32, #tpu.memory_space<hbm>>) dst(%arg7 : memref<100x128xf32, #tpu.memory_space<vmem>>)
      %run_scoped3A_458 = arith.constant 1 : i32
      %run_scoped3A_459 = arith.constant 2 : i32
      %run_scoped3A_460 = arith.constant 1 : i32
      "tpu.region"() ({
        %run_scoped3A_538 = tpu.sem_alloc : memref<!tpu.dma_semaphore, #tpu.memory_space<semaphore_mem>>
        %dma_start3A_539 = arith.constant 0 : i32
        %dma_start3A_540 = tpu.memref_slice %arg6[%run_scoped3A_458, %run_scoped3A_459, %run_scoped3A_460, %dma_start3A_539] : memref<2x4x2x100xi32, #tpu.memory_space<vmem>> -> memref<1x1x1x100xi32, #tpu.memory_space<vmem>>
        %dma_start3A_541 = tpu.memref_squeeze %dma_start3A_540 : memref<1x1x1x100xi32, #tpu.memory_space<vmem>> -> memref<100xi32, #tpu.memory_space<vmem>>
        %dma_start3A_542 = arith.constant 0 : i32
        %dma_start3A_543 = arith.constant 0 : i32
        %dma_start3A_544 = tpu.memref_slice %arg9[%dma_start3A_542, %dma_start3A_543] : memref<10240x128xf32, #tpu.memory_space<vmem_shared>> -> memref<10240x128xf32, #tpu.memory_space<vmem_shared>>
        tpu.enqueue_indirect_dma source(%arg7 : memref<100x128xf32, #tpu.memory_space<vmem>>) target(%dma_start3A_544 : memref<10240x128xf32, #tpu.memory_space<vmem_shared>>) offsets(%dma_start3A_541 : memref<100xi32, #tpu.memory_space<vmem>>) semaphore(%run_scoped3A_538 : memref<!tpu.dma_semaphore, #tpu.memory_space<semaphore_mem>>) {add = true}
        %dma_wait3A_545 = arith.constant 0 : i32
        %dma_wait3A_546 = tpu.memref_slice %arg6[%run_scoped3A_458, %run_scoped3A_459, %run_scoped3A_460, %dma_wait3A_545] : memref<2x4x2x100xi32, #tpu.memory_space<vmem>> -> memref<1x1x1x100xi32, #tpu.memory_space<vmem>>
        %dma_wait3A_547 = tpu.memref_squeeze %dma_wait3A_546 : memref<1x1x1x100xi32, #tpu.memory_space<vmem>> -> memref<100xi32, #tpu.memory_space<vmem>>
        %dma_wait3A_548 = arith.constant 0 : i32
        %dma_wait3A_549 = arith.constant 0 : i32
        %dma_wait3A_550 = tpu.memref_slice %arg9[%dma_wait3A_548, %dma_wait3A_549] : memref<10240x128xf32, #tpu.memory_space<vmem_shared>> -> memref<10240x128xf32, #tpu.memory_space<vmem_shared>>
        tpu.wait_indirect_dma semaphore(%run_scoped3A_538 : memref<!tpu.dma_semaphore, #tpu.memory_space<semaphore_mem>>) src(%arg7 : memref<100x128xf32, #tpu.memory_space<vmem>>) dst(%dma_wait3A_550 : memref<10240x128xf32, #tpu.memory_space<vmem_shared>>)
        tpu.yield
      }) : () -> ()
      %dma_wait3A_461 = arith.constant 0 : i32
      %dma_wait3A_462 = arith.constant 0 : i32
      %dma_wait3A_463 = arith.constant 0 : i32
      %dma_wait3A_464 = arith.constant 0 : i32
      %dma_wait3A_465 = tpu.memref_slice %arg6[%dma_wait3A_461, %dma_wait3A_462, %dma_wait3A_463, %dma_wait3A_464] : memref<2x4x2x100xi32, #tpu.memory_space<vmem>> -> memref<1x4x2x100xi32, #tpu.memory_space<vmem>>
      %dma_wait3A_466 = tpu.memref_squeeze %dma_wait3A_465 : memref<1x4x2x100xi32, #tpu.memory_space<vmem>> -> memref<4x2x100xi32, #tpu.memory_space<vmem>>
      %dma_wait3A_467 = arith.constant 0 : i32
      %dma_wait3A_468 = arith.constant 0 : i32
      %dma_wait3A_469 = arith.constant 0 : i32
      %dma_wait3A_470 = tpu.memref_slice %arg3[%add3A, %dma_wait3A_467, %dma_wait3A_468, %dma_wait3A_469] : memref<32x100x2x100xi32, #tpu.memory_space<hbm>> -> memref<1x4x2x100xi32, #tpu.memory_space<hbm>>
      %dma_wait3A_471 = tpu.memref_squeeze %dma_wait3A_470 : memref<1x4x2x100xi32, #tpu.memory_space<hbm>> -> memref<4x2x100xi32, #tpu.memory_space<hbm>>
      %dma_wait3A_472 = arith.constant 0 : i32
      %dma_wait3A_473 = arith.constant 0 : i32
      %dma_wait3A_474 = arith.constant 0 : i32
      %dma_wait3A_475 = tpu.memref_slice %arg6[%dma_wait3A_461, %dma_wait3A_472, %dma_wait3A_473, %dma_wait3A_474] : memref<2x4x2x100xi32, #tpu.memory_space<vmem>> -> memref<1x4x2x100xi32, #tpu.memory_space<vmem>>
      %dma_wait3A_476 = tpu.memref_squeeze %dma_wait3A_475 : memref<1x4x2x100xi32, #tpu.memory_space<vmem>> -> memref<4x2x100xi32, #tpu.memory_space<vmem>>
      %dma_wait3A_477 = arith.constant 0 : i32
      %dma_wait3A_478 = arith.constant 0 : i32
      %dma_wait3A_479 = arith.constant 0 : i32
      %dma_wait3A_480 = tpu.memref_slice %arg3[%add3A, %dma_wait3A_477, %dma_wait3A_478, %dma_wait3A_479] : memref<32x100x2x100xi32, #tpu.memory_space<hbm>> -> memref<1x4x2x100xi32, #tpu.memory_space<hbm>>
      %dma_wait3A_481 = tpu.memref_squeeze %dma_wait3A_480 : memref<1x4x2x100xi32, #tpu.memory_space<hbm>> -> memref<4x2x100xi32, #tpu.memory_space<hbm>>
      tpu.wait_dma2 semaphore(%arg10 : memref<!tpu.dma_semaphore, #tpu.memory_space<semaphore_mem>>) src(%dma_wait3A_481 : memref<4x2x100xi32, #tpu.memory_space<hbm>>) dst(%dma_wait3A_476 : memref<4x2x100xi32, #tpu.memory_space<vmem>>)
      %dma_start3A_482 = arith.constant 0 : i32
      %dma_start3A_483 = arith.constant 0 : i32
      %dma_start3A_484 = arith.constant 0 : i32
      %dma_start3A_485 = arith.constant 0 : i32
      %dma_start3A_486 = tpu.memref_slice %arg6[%dma_start3A_482, %dma_start3A_483, %dma_start3A_484, %dma_start3A_485] : memref<2x4x2x100xi32, #tpu.memory_space<vmem>> -> memref<1x1x1x100xi32, #tpu.memory_space<vmem>>
      %dma_start3A_487 = tpu.memref_squeeze %dma_start3A_486 : memref<1x1x1x100xi32, #tpu.memory_space<vmem>> -> memref<100xi32, #tpu.memory_space<vmem>>
      %dma_start3A_488 = arith.constant 0 : i32
      %dma_start3A_489 = arith.constant 0 : i32
      %dma_start3A_490 = tpu.memref_slice %arg2[%dma_start3A_488, %dma_start3A_489] : memref<10000x128xf32, #tpu.memory_space<hbm>> -> memref<10000x128xf32, #tpu.memory_space<hbm>>
      tpu.enqueue_indirect_dma source(%dma_start3A_490 : memref<10000x128xf32, #tpu.memory_space<hbm>>) target(%arg7 : memref<100x128xf32, #tpu.memory_space<vmem>>) offsets(%dma_start3A_487 : memref<100xi32, #tpu.memory_space<vmem>>) semaphore(%arg12 : memref<!tpu.dma_semaphore, #tpu.memory_space<semaphore_mem>>)
      %dma_wait3A_491 = arith.constant 0 : i32
      %dma_wait3A_492 = arith.constant 0 : i32
      %dma_wait3A_493 = arith.constant 0 : i32
      %dma_wait3A_494 = arith.constant 0 : i32
      %dma_wait3A_495 = tpu.memref_slice %arg6[%dma_wait3A_491, %dma_wait3A_492, %dma_wait3A_493, %dma_wait3A_494] : memref<2x4x2x100xi32, #tpu.memory_space<vmem>> -> memref<1x1x1x100xi32, #tpu.memory_space<vmem>>
      %dma_wait3A_496 = tpu.memref_squeeze %dma_wait3A_495 : memref<1x1x1x100xi32, #tpu.memory_space<vmem>> -> memref<100xi32, #tpu.memory_space<vmem>>
      %dma_wait3A_497 = arith.constant 0 : i32
      %dma_wait3A_498 = arith.constant 0 : i32
      %dma_wait3A_499 = tpu.memref_slice %arg2[%dma_wait3A_497, %dma_wait3A_498] : memref<10000x128xf32, #tpu.memory_space<hbm>> -> memref<10000x128xf32, #tpu.memory_space<hbm>>
      tpu.wait_indirect_dma semaphore(%arg13 : memref<!tpu.dma_semaphore, #tpu.memory_space<semaphore_mem>>) src(%dma_wait3A_499 : memref<10000x128xf32, #tpu.memory_space<hbm>>) dst(%arg8 : memref<100x128xf32, #tpu.memory_space<vmem>>)
      %run_scoped3A_500 = arith.constant 1 : i32
      %run_scoped3A_501 = arith.constant 3 : i32
      %run_scoped3A_502 = arith.constant 1 : i32
      "tpu.region"() ({
        %run_scoped3A_538 = tpu.sem_alloc : memref<!tpu.dma_semaphore, #tpu.memory_space<semaphore_mem>>
        %dma_start3A_539 = arith.constant 0 : i32
        %dma_start3A_540 = tpu.memref_slice %arg6[%run_scoped3A_500, %run_scoped3A_501, %run_scoped3A_502, %dma_start3A_539] : memref<2x4x2x100xi32, #tpu.memory_space<vmem>> -> memref<1x1x1x100xi32, #tpu.memory_space<vmem>>
        %dma_start3A_541 = tpu.memref_squeeze %dma_start3A_540 : memref<1x1x1x100xi32, #tpu.memory_space<vmem>> -> memref<100xi32, #tpu.memory_space<vmem>>
        %dma_start3A_542 = arith.constant 0 : i32
        %dma_start3A_543 = arith.constant 0 : i32
        %dma_start3A_544 = tpu.memref_slice %arg9[%dma_start3A_542, %dma_start3A_543] : memref<10240x128xf32, #tpu.memory_space<vmem_shared>> -> memref<10240x128xf32, #tpu.memory_space<vmem_shared>>
        tpu.enqueue_indirect_dma source(%arg8 : memref<100x128xf32, #tpu.memory_space<vmem>>) target(%dma_start3A_544 : memref<10240x128xf32, #tpu.memory_space<vmem_shared>>) offsets(%dma_start3A_541 : memref<100xi32, #tpu.memory_space<vmem>>) semaphore(%run_scoped3A_538 : memref<!tpu.dma_semaphore, #tpu.memory_space<semaphore_mem>>) {add = true}
        %dma_wait3A_545 = arith.constant 0 : i32
        %dma_wait3A_546 = tpu.memref_slice %arg6[%run_scoped3A_500, %run_scoped3A_501, %run_scoped3A_502, %dma_wait3A_545] : memref<2x4x2x100xi32, #tpu.memory_space<vmem>> -> memref<1x1x1x100xi32, #tpu.memory_space<vmem>>
        %dma_wait3A_547 = tpu.memref_squeeze %dma_wait3A_546 : memref<1x1x1x100xi32, #tpu.memory_space<vmem>> -> memref<100xi32, #tpu.memory_space<vmem>>
        %dma_wait3A_548 = arith.constant 0 : i32
        %dma_wait3A_549 = arith.constant 0 : i32
        %dma_wait3A_550 = tpu.memref_slice %arg9[%dma_wait3A_548, %dma_wait3A_549] : memref<10240x128xf32, #tpu.memory_space<vmem_shared>> -> memref<10240x128xf32, #tpu.memory_space<vmem_shared>>
        tpu.wait_indirect_dma semaphore(%run_scoped3A_538 : memref<!tpu.dma_semaphore, #tpu.memory_space<semaphore_mem>>) src(%arg8 : memref<100x128xf32, #tpu.memory_space<vmem>>) dst(%dma_wait3A_550 : memref<10240x128xf32, #tpu.memory_space<vmem_shared>>)
        tpu.yield
      }) : () -> ()
      %dma_start3A_503 = arith.constant 0 : i32
      %dma_start3A_504 = arith.constant 1 : i32
      %dma_start3A_505 = arith.constant 0 : i32
      %dma_start3A_506 = arith.constant 0 : i32
      %dma_start3A_507 = tpu.memref_slice %arg6[%dma_start3A_503, %dma_start3A_504, %dma_start3A_505, %dma_start3A_506] : memref<2x4x2x100xi32, #tpu.memory_space<vmem>> -> memref<1x1x1x100xi32, #tpu.memory_space<vmem>>
      %dma_start3A_508 = tpu.memref_squeeze %dma_start3A_507 : memref<1x1x1x100xi32, #tpu.memory_space<vmem>> -> memref<100xi32, #tpu.memory_space<vmem>>
      %dma_start3A_509 = arith.constant 0 : i32
      %dma_start3A_510 = arith.constant 0 : i32
      %dma_start3A_511 = tpu.memref_slice %arg2[%dma_start3A_509, %dma_start3A_510] : memref<10000x128xf32, #tpu.memory_space<hbm>> -> memref<10000x128xf32, #tpu.memory_space<hbm>>
      tpu.enqueue_indirect_dma source(%dma_start3A_511 : memref<10000x128xf32, #tpu.memory_space<hbm>>) target(%arg8 : memref<100x128xf32, #tpu.memory_space<vmem>>) offsets(%dma_start3A_508 : memref<100xi32, #tpu.memory_space<vmem>>) semaphore(%arg13 : memref<!tpu.dma_semaphore, #tpu.memory_space<semaphore_mem>>)
      %add3A_512 = arith.constant 2 : i32
      %add3A_513 = arith.addi %add3A_406, %add3A_512 : i32
      %min3A_514 = arith.constant 24 : i32
      %min3A_515 = arith.minsi %add3A_513, %min3A_514 : i32
      %mul3A_516 = arith.constant 4 : i32
      %mul3A_517 = arith.muli %mul3A_516, %min3A_515 : i32
      %dma_start3A_518 = arith.constant 1 : i32
      %dma_start3A_519 = arith.constant 0 : i32
      %dma_start3A_520 = arith.constant 0 : i32
      %dma_start3A_521 = arith.constant 0 : i32
      %dma_start3A_522 = tpu.memref_slice %arg6[%dma_start3A_518, %dma_start3A_519, %dma_start3A_520, %dma_start3A_521] : memref<2x4x2x100xi32, #tpu.memory_space<vmem>> -> memref<1x4x2x100xi32, #tpu.memory_space<vmem>>
      %dma_start3A_523 = tpu.memref_squeeze %dma_start3A_522 : memref<1x4x2x100xi32, #tpu.memory_space<vmem>> -> memref<4x2x100xi32, #tpu.memory_space<vmem>>
      %dma_start3A_524 = arith.constant 0 : i32
      %dma_start3A_525 = arith.constant 0 : i32
      %dma_start3A_526 = tpu.memref_slice %arg3[%add3A, %mul3A_517, %dma_start3A_524, %dma_start3A_525] : memref<32x100x2x100xi32, #tpu.memory_space<hbm>> -> memref<1x4x2x100xi32, #tpu.memory_space<hbm>>
      %dma_start3A_527 = tpu.memref_squeeze %dma_start3A_526 : memref<1x4x2x100xi32, #tpu.memory_space<hbm>> -> memref<4x2x100xi32, #tpu.memory_space<hbm>>
      %dma_start3A_528 = arith.constant 0 : i32
      %dma_start3A_529 = arith.constant 0 : i32
      %dma_start3A_530 = arith.constant 0 : i32
      %dma_start3A_531 = tpu.memref_slice %arg6[%dma_start3A_518, %dma_start3A_528, %dma_start3A_529, %dma_start3A_530] : memref<2x4x2x100xi32, #tpu.memory_space<vmem>> -> memref<1x4x2x100xi32, #tpu.memory_space<vmem>>
      %dma_start3A_532 = tpu.memref_squeeze %dma_start3A_531 : memref<1x4x2x100xi32, #tpu.memory_space<vmem>> -> memref<4x2x100xi32, #tpu.memory_space<vmem>>
      %dma_start3A_533 = arith.constant 0 : i32
      %dma_start3A_534 = arith.constant 0 : i32
      %dma_start3A_535 = tpu.memref_slice %arg3[%add3A, %mul3A_517, %dma_start3A_533, %dma_start3A_534] : memref<32x100x2x100xi32, #tpu.memory_space<hbm>> -> memref<1x4x2x100xi32, #tpu.memory_space<hbm>>
      %dma_start3A_536 = tpu.memref_squeeze %dma_start3A_535 : memref<1x4x2x100xi32, #tpu.memory_space<hbm>> -> memref<4x2x100xi32, #tpu.memory_space<hbm>>
      tpu.enqueue_dma source(%dma_start3A_536 : memref<4x2x100xi32, #tpu.memory_space<hbm>>) target(%dma_start3A_532 : memref<4x2x100xi32, #tpu.memory_space<vmem>>) target_semaphore(%arg11 : memref<!tpu.dma_semaphore, #tpu.memory_space<semaphore_mem>>)
      %scan3A_537 = arith.constant 0 : i32
      scf.yield %scan3A_537 : i32
    }
    %scan3A_96 = arith.constant 12 : i32
    %dma_wait3A_97 = arith.constant 0 : i32
    %dma_wait3A_98 = arith.constant 0 : i32
    %dma_wait3A_99 = arith.constant 0 : i32
    %dma_wait3A_100 = arith.constant 0 : i32
    %dma_wait3A_101 = tpu.memref_slice %arg6[%dma_wait3A_97, %dma_wait3A_98, %dma_wait3A_99, %dma_wait3A_100] : memref<2x4x2x100xi32, #tpu.memory_space<vmem>> -> memref<1x1x1x100xi32, #tpu.memory_space<vmem>>
    %dma_wait3A_102 = tpu.memref_squeeze %dma_wait3A_101 : memref<1x1x1x100xi32, #tpu.memory_space<vmem>> -> memref<100xi32, #tpu.memory_space<vmem>>
    %dma_wait3A_103 = arith.constant 0 : i32
    %dma_wait3A_104 = arith.constant 0 : i32
    %dma_wait3A_105 = tpu.memref_slice %arg2[%dma_wait3A_103, %dma_wait3A_104] : memref<10000x128xf32, #tpu.memory_space<hbm>> -> memref<10000x128xf32, #tpu.memory_space<hbm>>
    tpu.wait_indirect_dma semaphore(%arg12 : memref<!tpu.dma_semaphore, #tpu.memory_space<semaphore_mem>>) src(%dma_wait3A_105 : memref<10000x128xf32, #tpu.memory_space<hbm>>) dst(%arg7 : memref<100x128xf32, #tpu.memory_space<vmem>>)
    %run_scoped3A = arith.constant 0 : i32
    %run_scoped3A_106 = arith.constant 0 : i32
    %run_scoped3A_107 = arith.constant 1 : i32
    "tpu.region"() ({
      %run_scoped3A_269 = tpu.sem_alloc : memref<!tpu.dma_semaphore, #tpu.memory_space<semaphore_mem>>
      %dma_start3A_270 = arith.constant 0 : i32
      %dma_start3A_271 = tpu.memref_slice %arg6[%run_scoped3A, %run_scoped3A_106, %run_scoped3A_107, %dma_start3A_270] : memref<2x4x2x100xi32, #tpu.memory_space<vmem>> -> memref<1x1x1x100xi32, #tpu.memory_space<vmem>>
      %dma_start3A_272 = tpu.memref_squeeze %dma_start3A_271 : memref<1x1x1x100xi32, #tpu.memory_space<vmem>> -> memref<100xi32, #tpu.memory_space<vmem>>
      %dma_start3A_273 = arith.constant 0 : i32
      %dma_start3A_274 = arith.constant 0 : i32
      %dma_start3A_275 = tpu.memref_slice %arg9[%dma_start3A_273, %dma_start3A_274] : memref<10240x128xf32, #tpu.memory_space<vmem_shared>> -> memref<10240x128xf32, #tpu.memory_space<vmem_shared>>
      tpu.enqueue_indirect_dma source(%arg7 : memref<100x128xf32, #tpu.memory_space<vmem>>) target(%dma_start3A_275 : memref<10240x128xf32, #tpu.memory_space<vmem_shared>>) offsets(%dma_start3A_272 : memref<100xi32, #tpu.memory_space<vmem>>) semaphore(%run_scoped3A_269 : memref<!tpu.dma_semaphore, #tpu.memory_space<semaphore_mem>>) {add = true}
      %dma_wait3A_276 = arith.constant 0 : i32
      %dma_wait3A_277 = tpu.memref_slice %arg6[%run_scoped3A, %run_scoped3A_106, %run_scoped3A_107, %dma_wait3A_276] : memref<2x4x2x100xi32, #tpu.memory_space<vmem>> -> memref<1x1x1x100xi32, #tpu.memory_space<vmem>>
      %dma_wait3A_278 = tpu.memref_squeeze %dma_wait3A_277 : memref<1x1x1x100xi32, #tpu.memory_space<vmem>> -> memref<100xi32, #tpu.memory_space<vmem>>
      %dma_wait3A_279 = arith.constant 0 : i32
      %dma_wait3A_280 = arith.constant 0 : i32
      %dma_wait3A_281 = tpu.memref_slice %arg9[%dma_wait3A_279, %dma_wait3A_280] : memref<10240x128xf32, #tpu.memory_space<vmem_shared>> -> memref<10240x128xf32, #tpu.memory_space<vmem_shared>>
      tpu.wait_indirect_dma semaphore(%run_scoped3A_269 : memref<!tpu.dma_semaphore, #tpu.memory_space<semaphore_mem>>) src(%arg7 : memref<100x128xf32, #tpu.memory_space<vmem>>) dst(%dma_wait3A_281 : memref<10240x128xf32, #tpu.memory_space<vmem_shared>>)
      tpu.yield
    }) : () -> ()
    %dma_start3A_108 = arith.constant 0 : i32
    %dma_start3A_109 = arith.constant 2 : i32
    %dma_start3A_110 = arith.constant 0 : i32
    %dma_start3A_111 = arith.constant 0 : i32
    %dma_start3A_112 = tpu.memref_slice %arg6[%dma_start3A_108, %dma_start3A_109, %dma_start3A_110, %dma_start3A_111] : memref<2x4x2x100xi32, #tpu.memory_space<vmem>> -> memref<1x1x1x100xi32, #tpu.memory_space<vmem>>
    %dma_start3A_113 = tpu.memref_squeeze %dma_start3A_112 : memref<1x1x1x100xi32, #tpu.memory_space<vmem>> -> memref<100xi32, #tpu.memory_space<vmem>>
    %dma_start3A_114 = arith.constant 0 : i32
    %dma_start3A_115 = arith.constant 0 : i32
    %dma_start3A_116 = tpu.memref_slice %arg2[%dma_start3A_114, %dma_start3A_115] : memref<10000x128xf32, #tpu.memory_space<hbm>> -> memref<10000x128xf32, #tpu.memory_space<hbm>>
    tpu.enqueue_indirect_dma source(%dma_start3A_116 : memref<10000x128xf32, #tpu.memory_space<hbm>>) target(%arg7 : memref<100x128xf32, #tpu.memory_space<vmem>>) offsets(%dma_start3A_113 : memref<100xi32, #tpu.memory_space<vmem>>) semaphore(%arg12 : memref<!tpu.dma_semaphore, #tpu.memory_space<semaphore_mem>>)
    %dma_wait3A_117 = arith.constant 0 : i32
    %dma_wait3A_118 = arith.constant 0 : i32
    %dma_wait3A_119 = arith.constant 0 : i32
    %dma_wait3A_120 = arith.constant 0 : i32
    %dma_wait3A_121 = tpu.memref_slice %arg6[%dma_wait3A_117, %dma_wait3A_118, %dma_wait3A_119, %dma_wait3A_120] : memref<2x4x2x100xi32, #tpu.memory_space<vmem>> -> memref<1x1x1x100xi32, #tpu.memory_space<vmem>>
    %dma_wait3A_122 = tpu.memref_squeeze %dma_wait3A_121 : memref<1x1x1x100xi32, #tpu.memory_space<vmem>> -> memref<100xi32, #tpu.memory_space<vmem>>
    %dma_wait3A_123 = arith.constant 0 : i32
    %dma_wait3A_124 = arith.constant 0 : i32
    %dma_wait3A_125 = tpu.memref_slice %arg2[%dma_wait3A_123, %dma_wait3A_124] : memref<10000x128xf32, #tpu.memory_space<hbm>> -> memref<10000x128xf32, #tpu.memory_space<hbm>>
    tpu.wait_indirect_dma semaphore(%arg13 : memref<!tpu.dma_semaphore, #tpu.memory_space<semaphore_mem>>) src(%dma_wait3A_125 : memref<10000x128xf32, #tpu.memory_space<hbm>>) dst(%arg8 : memref<100x128xf32, #tpu.memory_space<vmem>>)
    %run_scoped3A_126 = arith.constant 0 : i32
    %run_scoped3A_127 = arith.constant 1 : i32
    %run_scoped3A_128 = arith.constant 1 : i32
    "tpu.region"() ({
      %run_scoped3A_269 = tpu.sem_alloc : memref<!tpu.dma_semaphore, #tpu.memory_space<semaphore_mem>>
      %dma_start3A_270 = arith.constant 0 : i32
      %dma_start3A_271 = tpu.memref_slice %arg6[%run_scoped3A_126, %run_scoped3A_127, %run_scoped3A_128, %dma_start3A_270] : memref<2x4x2x100xi32, #tpu.memory_space<vmem>> -> memref<1x1x1x100xi32, #tpu.memory_space<vmem>>
      %dma_start3A_272 = tpu.memref_squeeze %dma_start3A_271 : memref<1x1x1x100xi32, #tpu.memory_space<vmem>> -> memref<100xi32, #tpu.memory_space<vmem>>
      %dma_start3A_273 = arith.constant 0 : i32
      %dma_start3A_274 = arith.constant 0 : i32
      %dma_start3A_275 = tpu.memref_slice %arg9[%dma_start3A_273, %dma_start3A_274] : memref<10240x128xf32, #tpu.memory_space<vmem_shared>> -> memref<10240x128xf32, #tpu.memory_space<vmem_shared>>
      tpu.enqueue_indirect_dma source(%arg8 : memref<100x128xf32, #tpu.memory_space<vmem>>) target(%dma_start3A_275 : memref<10240x128xf32, #tpu.memory_space<vmem_shared>>) offsets(%dma_start3A_272 : memref<100xi32, #tpu.memory_space<vmem>>) semaphore(%run_scoped3A_269 : memref<!tpu.dma_semaphore, #tpu.memory_space<semaphore_mem>>) {add = true}
      %dma_wait3A_276 = arith.constant 0 : i32
      %dma_wait3A_277 = tpu.memref_slice %arg6[%run_scoped3A_126, %run_scoped3A_127, %run_scoped3A_128, %dma_wait3A_276] : memref<2x4x2x100xi32, #tpu.memory_space<vmem>> -> memref<1x1x1x100xi32, #tpu.memory_space<vmem>>
      %dma_wait3A_278 = tpu.memref_squeeze %dma_wait3A_277 : memref<1x1x1x100xi32, #tpu.memory_space<vmem>> -> memref<100xi32, #tpu.memory_space<vmem>>
      %dma_wait3A_279 = arith.constant 0 : i32
      %dma_wait3A_280 = arith.constant 0 : i32
      %dma_wait3A_281 = tpu.memref_slice %arg9[%dma_wait3A_279, %dma_wait3A_280] : memref<10240x128xf32, #tpu.memory_space<vmem_shared>> -> memref<10240x128xf32, #tpu.memory_space<vmem_shared>>
      tpu.wait_indirect_dma semaphore(%run_scoped3A_269 : memref<!tpu.dma_semaphore, #tpu.memory_space<semaphore_mem>>) src(%arg8 : memref<100x128xf32, #tpu.memory_space<vmem>>) dst(%dma_wait3A_281 : memref<10240x128xf32, #tpu.memory_space<vmem_shared>>)
      tpu.yield
    }) : () -> ()
    %dma_start3A_129 = arith.constant 0 : i32
    %dma_start3A_130 = arith.constant 3 : i32
    %dma_start3A_131 = arith.constant 0 : i32
    %dma_start3A_132 = arith.constant 0 : i32
    %dma_start3A_133 = tpu.memref_slice %arg6[%dma_start3A_129, %dma_start3A_130, %dma_start3A_131, %dma_start3A_132] : memref<2x4x2x100xi32, #tpu.memory_space<vmem>> -> memref<1x1x1x100xi32, #tpu.memory_space<vmem>>
    %dma_start3A_134 = tpu.memref_squeeze %dma_start3A_133 : memref<1x1x1x100xi32, #tpu.memory_space<vmem>> -> memref<100xi32, #tpu.memory_space<vmem>>
    %dma_start3A_135 = arith.constant 0 : i32
    %dma_start3A_136 = arith.constant 0 : i32
    %dma_start3A_137 = tpu.memref_slice %arg2[%dma_start3A_135, %dma_start3A_136] : memref<10000x128xf32, #tpu.memory_space<hbm>> -> memref<10000x128xf32, #tpu.memory_space<hbm>>
    tpu.enqueue_indirect_dma source(%dma_start3A_137 : memref<10000x128xf32, #tpu.memory_space<hbm>>) target(%arg8 : memref<100x128xf32, #tpu.memory_space<vmem>>) offsets(%dma_start3A_134 : memref<100xi32, #tpu.memory_space<vmem>>) semaphore(%arg13 : memref<!tpu.dma_semaphore, #tpu.memory_space<semaphore_mem>>)
    %dma_wait3A_138 = arith.constant 0 : i32
    %dma_wait3A_139 = arith.constant 0 : i32
    %dma_wait3A_140 = arith.constant 0 : i32
    %dma_wait3A_141 = arith.constant 0 : i32
    %dma_wait3A_142 = tpu.memref_slice %arg6[%dma_wait3A_138, %dma_wait3A_139, %dma_wait3A_140, %dma_wait3A_141] : memref<2x4x2x100xi32, #tpu.memory_space<vmem>> -> memref<1x1x1x100xi32, #tpu.memory_space<vmem>>
    %dma_wait3A_143 = tpu.memref_squeeze %dma_wait3A_142 : memref<1x1x1x100xi32, #tpu.memory_space<vmem>> -> memref<100xi32, #tpu.memory_space<vmem>>
    %dma_wait3A_144 = arith.constant 0 : i32
    %dma_wait3A_145 = arith.constant 0 : i32
    %dma_wait3A_146 = tpu.memref_slice %arg2[%dma_wait3A_144, %dma_wait3A_145] : memref<10000x128xf32, #tpu.memory_space<hbm>> -> memref<10000x128xf32, #tpu.memory_space<hbm>>
    tpu.wait_indirect_dma semaphore(%arg12 : memref<!tpu.dma_semaphore, #tpu.memory_space<semaphore_mem>>) src(%dma_wait3A_146 : memref<10000x128xf32, #tpu.memory_space<hbm>>) dst(%arg7 : memref<100x128xf32, #tpu.memory_space<vmem>>)
    %run_scoped3A_147 = arith.constant 0 : i32
    %run_scoped3A_148 = arith.constant 2 : i32
    %run_scoped3A_149 = arith.constant 1 : i32
    "tpu.region"() ({
      %run_scoped3A_269 = tpu.sem_alloc : memref<!tpu.dma_semaphore, #tpu.memory_space<semaphore_mem>>
      %dma_start3A_270 = arith.constant 0 : i32
      %dma_start3A_271 = tpu.memref_slice %arg6[%run_scoped3A_147, %run_scoped3A_148, %run_scoped3A_149, %dma_start3A_270] : memref<2x4x2x100xi32, #tpu.memory_space<vmem>> -> memref<1x1x1x100xi32, #tpu.memory_space<vmem>>
      %dma_start3A_272 = tpu.memref_squeeze %dma_start3A_271 : memref<1x1x1x100xi32, #tpu.memory_space<vmem>> -> memref<100xi32, #tpu.memory_space<vmem>>
      %dma_start3A_273 = arith.constant 0 : i32
      %dma_start3A_274 = arith.constant 0 : i32
      %dma_start3A_275 = tpu.memref_slice %arg9[%dma_start3A_273, %dma_start3A_274] : memref<10240x128xf32, #tpu.memory_space<vmem_shared>> -> memref<10240x128xf32, #tpu.memory_space<vmem_shared>>
      tpu.enqueue_indirect_dma source(%arg7 : memref<100x128xf32, #tpu.memory_space<vmem>>) target(%dma_start3A_275 : memref<10240x128xf32, #tpu.memory_space<vmem_shared>>) offsets(%dma_start3A_272 : memref<100xi32, #tpu.memory_space<vmem>>) semaphore(%run_scoped3A_269 : memref<!tpu.dma_semaphore, #tpu.memory_space<semaphore_mem>>) {add = true}
      %dma_wait3A_276 = arith.constant 0 : i32
      %dma_wait3A_277 = tpu.memref_slice %arg6[%run_scoped3A_147, %run_scoped3A_148, %run_scoped3A_149, %dma_wait3A_276] : memref<2x4x2x100xi32, #tpu.memory_space<vmem>> -> memref<1x1x1x100xi32, #tpu.memory_space<vmem>>
      %dma_wait3A_278 = tpu.memref_squeeze %dma_wait3A_277 : memref<1x1x1x100xi32, #tpu.memory_space<vmem>> -> memref<100xi32, #tpu.memory_space<vmem>>
      %dma_wait3A_279 = arith.constant 0 : i32
      %dma_wait3A_280 = arith.constant 0 : i32
      %dma_wait3A_281 = tpu.memref_slice %arg9[%dma_wait3A_279, %dma_wait3A_280] : memref<10240x128xf32, #tpu.memory_space<vmem_shared>> -> memref<10240x128xf32, #tpu.memory_space<vmem_shared>>
      tpu.wait_indirect_dma semaphore(%run_scoped3A_269 : memref<!tpu.dma_semaphore, #tpu.memory_space<semaphore_mem>>) src(%arg7 : memref<100x128xf32, #tpu.memory_space<vmem>>) dst(%dma_wait3A_281 : memref<10240x128xf32, #tpu.memory_space<vmem_shared>>)
      tpu.yield
    }) : () -> ()
    %dma_wait3A_150 = arith.constant 1 : i32
    %dma_wait3A_151 = arith.constant 0 : i32
    %dma_wait3A_152 = arith.constant 0 : i32
    %dma_wait3A_153 = arith.constant 0 : i32
    %dma_wait3A_154 = tpu.memref_slice %arg6[%dma_wait3A_150, %dma_wait3A_151, %dma_wait3A_152, %dma_wait3A_153] : memref<2x4x2x100xi32, #tpu.memory_space<vmem>> -> memref<1x4x2x100xi32, #tpu.memory_space<vmem>>
    %dma_wait3A_155 = tpu.memref_squeeze %dma_wait3A_154 : memref<1x4x2x100xi32, #tpu.memory_space<vmem>> -> memref<4x2x100xi32, #tpu.memory_space<vmem>>
    %dma_wait3A_156 = arith.constant 0 : i32
    %dma_wait3A_157 = arith.constant 0 : i32
    %dma_wait3A_158 = arith.constant 0 : i32
    %dma_wait3A_159 = tpu.memref_slice %arg3[%add3A, %dma_wait3A_156, %dma_wait3A_157, %dma_wait3A_158] : memref<32x100x2x100xi32, #tpu.memory_space<hbm>> -> memref<1x4x2x100xi32, #tpu.memory_space<hbm>>
    %dma_wait3A_160 = tpu.memref_squeeze %dma_wait3A_159 : memref<1x4x2x100xi32, #tpu.memory_space<hbm>> -> memref<4x2x100xi32, #tpu.memory_space<hbm>>
    %dma_wait3A_161 = arith.constant 0 : i32
    %dma_wait3A_162 = arith.constant 0 : i32
    %dma_wait3A_163 = arith.constant 0 : i32
    %dma_wait3A_164 = tpu.memref_slice %arg6[%dma_wait3A_150, %dma_wait3A_161, %dma_wait3A_162, %dma_wait3A_163] : memref<2x4x2x100xi32, #tpu.memory_space<vmem>> -> memref<1x4x2x100xi32, #tpu.memory_space<vmem>>
    %dma_wait3A_165 = tpu.memref_squeeze %dma_wait3A_164 : memref<1x4x2x100xi32, #tpu.memory_space<vmem>> -> memref<4x2x100xi32, #tpu.memory_space<vmem>>
    %dma_wait3A_166 = arith.constant 0 : i32
    %dma_wait3A_167 = arith.constant 0 : i32
    %dma_wait3A_168 = arith.constant 0 : i32
    %dma_wait3A_169 = tpu.memref_slice %arg3[%add3A, %dma_wait3A_166, %dma_wait3A_167, %dma_wait3A_168] : memref<32x100x2x100xi32, #tpu.memory_space<hbm>> -> memref<1x4x2x100xi32, #tpu.memory_space<hbm>>
    %dma_wait3A_170 = tpu.memref_squeeze %dma_wait3A_169 : memref<1x4x2x100xi32, #tpu.memory_space<hbm>> -> memref<4x2x100xi32, #tpu.memory_space<hbm>>
    tpu.wait_dma2 semaphore(%arg11 : memref<!tpu.dma_semaphore, #tpu.memory_space<semaphore_mem>>) src(%dma_wait3A_170 : memref<4x2x100xi32, #tpu.memory_space<hbm>>) dst(%dma_wait3A_165 : memref<4x2x100xi32, #tpu.memory_space<vmem>>)
    %dma_start3A_171 = arith.constant 1 : i32
    %dma_start3A_172 = arith.constant 0 : i32
    %dma_start3A_173 = arith.constant 0 : i32
    %dma_start3A_174 = arith.constant 0 : i32
    %dma_start3A_175 = tpu.memref_slice %arg6[%dma_start3A_171, %dma_start3A_172, %dma_start3A_173, %dma_start3A_174] : memref<2x4x2x100xi32, #tpu.memory_space<vmem>> -> memref<1x1x1x100xi32, #tpu.memory_space<vmem>>
    %dma_start3A_176 = tpu.memref_squeeze %dma_start3A_175 : memref<1x1x1x100xi32, #tpu.memory_space<vmem>> -> memref<100xi32, #tpu.memory_space<vmem>>
    %dma_start3A_177 = arith.constant 0 : i32
    %dma_start3A_178 = arith.constant 0 : i32
    %dma_start3A_179 = tpu.memref_slice %arg2[%dma_start3A_177, %dma_start3A_178] : memref<10000x128xf32, #tpu.memory_space<hbm>> -> memref<10000x128xf32, #tpu.memory_space<hbm>>
    tpu.enqueue_indirect_dma source(%dma_start3A_179 : memref<10000x128xf32, #tpu.memory_space<hbm>>) target(%arg7 : memref<100x128xf32, #tpu.memory_space<vmem>>) offsets(%dma_start3A_176 : memref<100xi32, #tpu.memory_space<vmem>>) semaphore(%arg12 : memref<!tpu.dma_semaphore, #tpu.memory_space<semaphore_mem>>)
    %dma_wait3A_180 = arith.constant 0 : i32
    %dma_wait3A_181 = arith.constant 0 : i32
    %dma_wait3A_182 = arith.constant 0 : i32
    %dma_wait3A_183 = arith.constant 0 : i32
    %dma_wait3A_184 = tpu.memref_slice %arg6[%dma_wait3A_180, %dma_wait3A_181, %dma_wait3A_182, %dma_wait3A_183] : memref<2x4x2x100xi32, #tpu.memory_space<vmem>> -> memref<1x1x1x100xi32, #tpu.memory_space<vmem>>
    %dma_wait3A_185 = tpu.memref_squeeze %dma_wait3A_184 : memref<1x1x1x100xi32, #tpu.memory_space<vmem>> -> memref<100xi32, #tpu.memory_space<vmem>>
    %dma_wait3A_186 = arith.constant 0 : i32
    %dma_wait3A_187 = arith.constant 0 : i32
    %dma_wait3A_188 = tpu.memref_slice %arg2[%dma_wait3A_186, %dma_wait3A_187] : memref<10000x128xf32, #tpu.memory_space<hbm>> -> memref<10000x128xf32, #tpu.memory_space<hbm>>
    tpu.wait_indirect_dma semaphore(%arg13 : memref<!tpu.dma_semaphore, #tpu.memory_space<semaphore_mem>>) src(%dma_wait3A_188 : memref<10000x128xf32, #tpu.memory_space<hbm>>) dst(%arg8 : memref<100x128xf32, #tpu.memory_space<vmem>>)
    %run_scoped3A_189 = arith.constant 0 : i32
    %run_scoped3A_190 = arith.constant 3 : i32
    %run_scoped3A_191 = arith.constant 1 : i32
    "tpu.region"() ({
      %run_scoped3A_269 = tpu.sem_alloc : memref<!tpu.dma_semaphore, #tpu.memory_space<semaphore_mem>>
      %dma_start3A_270 = arith.constant 0 : i32
      %dma_start3A_271 = tpu.memref_slice %arg6[%run_scoped3A_189, %run_scoped3A_190, %run_scoped3A_191, %dma_start3A_270] : memref<2x4x2x100xi32, #tpu.memory_space<vmem>> -> memref<1x1x1x100xi32, #tpu.memory_space<vmem>>
      %dma_start3A_272 = tpu.memref_squeeze %dma_start3A_271 : memref<1x1x1x100xi32, #tpu.memory_space<vmem>> -> memref<100xi32, #tpu.memory_space<vmem>>
      %dma_start3A_273 = arith.constant 0 : i32
      %dma_start3A_274 = arith.constant 0 : i32
      %dma_start3A_275 = tpu.memref_slice %arg9[%dma_start3A_273, %dma_start3A_274] : memref<10240x128xf32, #tpu.memory_space<vmem_shared>> -> memref<10240x128xf32, #tpu.memory_space<vmem_shared>>
      tpu.enqueue_indirect_dma source(%arg8 : memref<100x128xf32, #tpu.memory_space<vmem>>) target(%dma_start3A_275 : memref<10240x128xf32, #tpu.memory_space<vmem_shared>>) offsets(%dma_start3A_272 : memref<100xi32, #tpu.memory_space<vmem>>) semaphore(%run_scoped3A_269 : memref<!tpu.dma_semaphore, #tpu.memory_space<semaphore_mem>>) {add = true}
      %dma_wait3A_276 = arith.constant 0 : i32
      %dma_wait3A_277 = tpu.memref_slice %arg6[%run_scoped3A_189, %run_scoped3A_190, %run_scoped3A_191, %dma_wait3A_276] : memref<2x4x2x100xi32, #tpu.memory_space<vmem>> -> memref<1x1x1x100xi32, #tpu.memory_space<vmem>>
      %dma_wait3A_278 = tpu.memref_squeeze %dma_wait3A_277 : memref<1x1x1x100xi32, #tpu.memory_space<vmem>> -> memref<100xi32, #tpu.memory_space<vmem>>
      %dma_wait3A_279 = arith.constant 0 : i32
      %dma_wait3A_280 = arith.constant 0 : i32
      %dma_wait3A_281 = tpu.memref_slice %arg9[%dma_wait3A_279, %dma_wait3A_280] : memref<10240x128xf32, #tpu.memory_space<vmem_shared>> -> memref<10240x128xf32, #tpu.memory_space<vmem_shared>>
      tpu.wait_indirect_dma semaphore(%run_scoped3A_269 : memref<!tpu.dma_semaphore, #tpu.memory_space<semaphore_mem>>) src(%arg8 : memref<100x128xf32, #tpu.memory_space<vmem>>) dst(%dma_wait3A_281 : memref<10240x128xf32, #tpu.memory_space<vmem_shared>>)
      tpu.yield
    }) : () -> ()
    %dma_start3A_192 = arith.constant 1 : i32
    %dma_start3A_193 = arith.constant 1 : i32
    %dma_start3A_194 = arith.constant 0 : i32
    %dma_start3A_195 = arith.constant 0 : i32
    %dma_start3A_196 = tpu.memref_slice %arg6[%dma_start3A_192, %dma_start3A_193, %dma_start3A_194, %dma_start3A_195] : memref<2x4x2x100xi32, #tpu.memory_space<vmem>> -> memref<1x1x1x100xi32, #tpu.memory_space<vmem>>
    %dma_start3A_197 = tpu.memref_squeeze %dma_start3A_196 : memref<1x1x1x100xi32, #tpu.memory_space<vmem>> -> memref<100xi32, #tpu.memory_space<vmem>>
    %dma_start3A_198 = arith.constant 0 : i32
    %dma_start3A_199 = arith.constant 0 : i32
    %dma_start3A_200 = tpu.memref_slice %arg2[%dma_start3A_198, %dma_start3A_199] : memref<10000x128xf32, #tpu.memory_space<hbm>> -> memref<10000x128xf32, #tpu.memory_space<hbm>>
    tpu.enqueue_indirect_dma source(%dma_start3A_200 : memref<10000x128xf32, #tpu.memory_space<hbm>>) target(%arg8 : memref<100x128xf32, #tpu.memory_space<vmem>>) offsets(%dma_start3A_197 : memref<100xi32, #tpu.memory_space<vmem>>) semaphore(%arg13 : memref<!tpu.dma_semaphore, #tpu.memory_space<semaphore_mem>>)
    %min3A_201 = arith.constant 26 : i32
    %min3A_202 = arith.constant 24 : i32
    %min3A_203 = arith.minsi %min3A_201, %min3A_202 : i32
    %mul3A_204 = arith.constant 4 : i32
    %mul3A_205 = arith.muli %mul3A_204, %min3A_203 : i32
    %dma_start3A_206 = arith.constant 0 : i32
    %dma_start3A_207 = arith.constant 0 : i32
    %dma_start3A_208 = arith.constant 0 : i32
    %dma_start3A_209 = arith.constant 0 : i32
    %dma_start3A_210 = tpu.memref_slice %arg6[%dma_start3A_206, %dma_start3A_207, %dma_start3A_208, %dma_start3A_209] : memref<2x4x2x100xi32, #tpu.memory_space<vmem>> -> memref<1x4x2x100xi32, #tpu.memory_space<vmem>>
    %dma_start3A_211 = tpu.memref_squeeze %dma_start3A_210 : memref<1x4x2x100xi32, #tpu.memory_space<vmem>> -> memref<4x2x100xi32, #tpu.memory_space<vmem>>
    %dma_start3A_212 = arith.constant 0 : i32
    %dma_start3A_213 = arith.constant 0 : i32
    %dma_start3A_214 = tpu.memref_slice %arg3[%add3A, %mul3A_205, %dma_start3A_212, %dma_start3A_213] : memref<32x100x2x100xi32, #tpu.memory_space<hbm>> -> memref<1x4x2x100xi32, #tpu.memory_space<hbm>>
    %dma_start3A_215 = tpu.memref_squeeze %dma_start3A_214 : memref<1x4x2x100xi32, #tpu.memory_space<hbm>> -> memref<4x2x100xi32, #tpu.memory_space<hbm>>
    %dma_start3A_216 = arith.constant 0 : i32
    %dma_start3A_217 = arith.constant 0 : i32
    %dma_start3A_218 = arith.constant 0 : i32
    %dma_start3A_219 = tpu.memref_slice %arg6[%dma_start3A_206, %dma_start3A_216, %dma_start3A_217, %dma_start3A_218] : memref<2x4x2x100xi32, #tpu.memory_space<vmem>> -> memref<1x4x2x100xi32, #tpu.memory_space<vmem>>
    %dma_start3A_220 = tpu.memref_squeeze %dma_start3A_219 : memref<1x4x2x100xi32, #tpu.memory_space<vmem>> -> memref<4x2x100xi32, #tpu.memory_space<vmem>>
    %dma_start3A_221 = arith.constant 0 : i32
    %dma_start3A_222 = arith.constant 0 : i32
    %dma_start3A_223 = tpu.memref_slice %arg3[%add3A, %mul3A_205, %dma_start3A_221, %dma_start3A_222] : memref<32x100x2x100xi32, #tpu.memory_space<hbm>> -> memref<1x4x2x100xi32, #tpu.memory_space<hbm>>
    %dma_start3A_224 = tpu.memref_squeeze %dma_start3A_223 : memref<1x4x2x100xi32, #tpu.memory_space<hbm>> -> memref<4x2x100xi32, #tpu.memory_space<hbm>>
    tpu.enqueue_dma source(%dma_start3A_224 : memref<4x2x100xi32, #tpu.memory_space<hbm>>) target(%dma_start3A_220 : memref<4x2x100xi32, #tpu.memory_space<vmem>>) target_semaphore(%arg10 : memref<!tpu.dma_semaphore, #tpu.memory_space<semaphore_mem>>)
    %dma_wait3A_225 = arith.constant 0 : i32
    %dma_wait3A_226 = arith.constant 0 : i32
    %dma_wait3A_227 = arith.constant 0 : i32
    %dma_wait3A_228 = arith.constant 0 : i32
    %dma_wait3A_229 = tpu.memref_slice %arg6[%dma_wait3A_225, %dma_wait3A_226, %dma_wait3A_227, %dma_wait3A_228] : memref<2x4x2x100xi32, #tpu.memory_space<vmem>> -> memref<1x1x1x100xi32, #tpu.memory_space<vmem>>
    %dma_wait3A_230 = tpu.memref_squeeze %dma_wait3A_229 : memref<1x1x1x100xi32, #tpu.memory_space<vmem>> -> memref<100xi32, #tpu.memory_space<vmem>>
    %dma_wait3A_231 = arith.constant 0 : i32
    %dma_wait3A_232 = arith.constant 0 : i32
    %dma_wait3A_233 = tpu.memref_slice %arg2[%dma_wait3A_231, %dma_wait3A_232] : memref<10000x128xf32, #tpu.memory_space<hbm>> -> memref<10000x128xf32, #tpu.memory_space<hbm>>
    tpu.wait_indirect_dma semaphore(%arg12 : memref<!tpu.dma_semaphore, #tpu.memory_space<semaphore_mem>>) src(%dma_wait3A_233 : memref<10000x128xf32, #tpu.memory_space<hbm>>) dst(%arg7 : memref<100x128xf32, #tpu.memory_space<vmem>>)
    %dma_wait3A_234 = arith.constant 0 : i32
    %dma_wait3A_235 = arith.constant 0 : i32
    %dma_wait3A_236 = arith.constant 0 : i32
    %dma_wait3A_237 = arith.constant 0 : i32
    %dma_wait3A_238 = tpu.memref_slice %arg6[%dma_wait3A_234, %dma_wait3A_235, %dma_wait3A_236, %dma_wait3A_237] : memref<2x4x2x100xi32, #tpu.memory_space<vmem>> -> memref<1x1x1x100xi32, #tpu.memory_space<vmem>>
    %dma_wait3A_239 = tpu.memref_squeeze %dma_wait3A_238 : memref<1x1x1x100xi32, #tpu.memory_space<vmem>> -> memref<100xi32, #tpu.memory_space<vmem>>
    %dma_wait3A_240 = arith.constant 0 : i32
    %dma_wait3A_241 = arith.constant 0 : i32
    %dma_wait3A_242 = tpu.memref_slice %arg2[%dma_wait3A_240, %dma_wait3A_241] : memref<10000x128xf32, #tpu.memory_space<hbm>> -> memref<10000x128xf32, #tpu.memory_space<hbm>>
    tpu.wait_indirect_dma semaphore(%arg13 : memref<!tpu.dma_semaphore, #tpu.memory_space<semaphore_mem>>) src(%dma_wait3A_242 : memref<10000x128xf32, #tpu.memory_space<hbm>>) dst(%arg8 : memref<100x128xf32, #tpu.memory_space<vmem>>)
    %dma_wait3A_243 = arith.constant 0 : i32
    %dma_wait3A_244 = arith.constant 0 : i32
    %dma_wait3A_245 = arith.constant 0 : i32
    %dma_wait3A_246 = arith.constant 0 : i32
    %dma_wait3A_247 = tpu.memref_slice %arg6[%dma_wait3A_243, %dma_wait3A_244, %dma_wait3A_245, %dma_wait3A_246] : memref<2x4x2x100xi32, #tpu.memory_space<vmem>> -> memref<1x4x2x100xi32, #tpu.memory_space<vmem>>
    %dma_wait3A_248 = tpu.memref_squeeze %dma_wait3A_247 : memref<1x4x2x100xi32, #tpu.memory_space<vmem>> -> memref<4x2x100xi32, #tpu.memory_space<vmem>>
    %dma_wait3A_249 = arith.constant 0 : i32
    %dma_wait3A_250 = arith.constant 0 : i32
    %dma_wait3A_251 = arith.constant 0 : i32
    %dma_wait3A_252 = tpu.memref_slice %arg3[%add3A, %dma_wait3A_249, %dma_wait3A_250, %dma_wait3A_251] : memref<32x100x2x100xi32, #tpu.memory_space<hbm>> -> memref<1x4x2x100xi32, #tpu.memory_space<hbm>>
    %dma_wait3A_253 = tpu.memref_squeeze %dma_wait3A_252 : memref<1x4x2x100xi32, #tpu.memory_space<hbm>> -> memref<4x2x100xi32, #tpu.memory_space<hbm>>
    %dma_wait3A_254 = arith.constant 0 : i32
    %dma_wait3A_255 = arith.constant 0 : i32
    %dma_wait3A_256 = arith.constant 0 : i32
    %dma_wait3A_257 = tpu.memref_slice %arg6[%dma_wait3A_243, %dma_wait3A_254, %dma_wait3A_255, %dma_wait3A_256] : memref<2x4x2x100xi32, #tpu.memory_space<vmem>> -> memref<1x4x2x100xi32, #tpu.memory_space<vmem>>
    %dma_wait3A_258 = tpu.memref_squeeze %dma_wait3A_257 : memref<1x4x2x100xi32, #tpu.memory_space<vmem>> -> memref<4x2x100xi32, #tpu.memory_space<vmem>>
    %dma_wait3A_259 = arith.constant 0 : i32
    %dma_wait3A_260 = arith.constant 0 : i32
    %dma_wait3A_261 = arith.constant 0 : i32
    %dma_wait3A_262 = tpu.memref_slice %arg3[%add3A, %dma_wait3A_259, %dma_wait3A_260, %dma_wait3A_261] : memref<32x100x2x100xi32, #tpu.memory_space<hbm>> -> memref<1x4x2x100xi32, #tpu.memory_space<hbm>>
    %dma_wait3A_263 = tpu.memref_squeeze %dma_wait3A_262 : memref<1x4x2x100xi32, #tpu.memory_space<hbm>> -> memref<4x2x100xi32, #tpu.memory_space<hbm>>
    tpu.wait_dma2 semaphore(%arg10 : memref<!tpu.dma_semaphore, #tpu.memory_space<semaphore_mem>>) src(%dma_wait3A_263 : memref<4x2x100xi32, #tpu.memory_space<hbm>>) dst(%dma_wait3A_258 : memref<4x2x100xi32, #tpu.memory_space<vmem>>)
    %barrier3A_264 = arith.constant 0 : index
    tpu.barrier barrier_id(%barrier3A_264)
    %mul3A_265 = arith.constant 640 : i32
    %mul3A_266 = arith.muli %arg1, %mul3A_265 : i32
    %mul3A_267 = arith.constant 640 : i32
    %mul3A_268 = arith.muli %arg1, %mul3A_267 : i32
    "tpu.region"() ({
      %run_scoped3A_269 = tpu.sem_alloc : memref<!tpu.dma_semaphore, #tpu.memory_space<semaphore_mem>>
      %dma_start3A_270 = arith.constant 0 : i32
      %dma_start3A_271 = tpu.memref_slice %arg5[%arg0, %mul3A_268, %dma_start3A_270] : memref<2x10240x128xf32, #tpu.memory_space<hbm>> -> memref<1x640x128xf32, #tpu.memory_space<hbm>>
      %dma_start3A_272 = tpu.memref_squeeze %dma_start3A_271 : memref<1x640x128xf32, #tpu.memory_space<hbm>> -> memref<640x128xf32, #tpu.memory_space<hbm>>
      %dma_start3A_273 = arith.constant 0 : i32
      %dma_start3A_274 = tpu.memref_slice %arg9[%mul3A_266, %dma_start3A_273] : memref<10240x128xf32, #tpu.memory_space<vmem_shared>> -> memref<640x128xf32, #tpu.memory_space<vmem_shared>>
      tpu.enqueue_dma source(%dma_start3A_274 : memref<640x128xf32, #tpu.memory_space<vmem_shared>>) target(%dma_start3A_272 : memref<640x128xf32, #tpu.memory_space<hbm>>) target_semaphore(%run_scoped3A_269 : memref<!tpu.dma_semaphore, #tpu.memory_space<semaphore_mem>>)
      %dma_wait3A_275 = arith.constant 0 : i32
      %dma_wait3A_276 = tpu.memref_slice %arg5[%arg0, %mul3A_268, %dma_wait3A_275] : memref<2x10240x128xf32, #tpu.memory_space<hbm>> -> memref<1x640x128xf32, #tpu.memory_space<hbm>>
      %dma_wait3A_277 = tpu.memref_squeeze %dma_wait3A_276 : memref<1x640x128xf32, #tpu.memory_space<hbm>> -> memref<640x128xf32, #tpu.memory_space<hbm>>
      %dma_wait3A_278 = arith.constant 0 : i32
      %dma_wait3A_279 = tpu.memref_slice %arg9[%mul3A_266, %dma_wait3A_278] : memref<10240x128xf32, #tpu.memory_space<vmem_shared>> -> memref<640x128xf32, #tpu.memory_space<vmem_shared>>
      tpu.wait_dma2 semaphore(%run_scoped3A_269 : memref<!tpu.dma_semaphore, #tpu.memory_space<semaphore_mem>>) src(%dma_wait3A_279 : memref<640x128xf32, #tpu.memory_space<vmem_shared>>) dst(%dma_wait3A_277 : memref<640x128xf32, #tpu.memory_space<hbm>>)
      tpu.yield
    }) : () -> ()
    return
  }
}

#map = affine_map<(d0, d1) -> (0, 0)>
#map1 = affine_map<(d0, d1) -> (0, 0, 0, 0)>
#map2 = affine_map<(d0, d1) -> (0, 0, 0)>
module attributes {stable_mosaic.version = 14 : i64} {
  func.func @_sc_aggregate_body(%arg0: i32, %arg1: i32, %arg2: memref<10000x128xf32, #tpu.memory_space<hbm>>, %arg3: memref<32x100x2x100xi32, #tpu.memory_space<hbm>>, %arg4: memref<640x128xf32, #tpu.memory_space<hbm>>, %arg5: memref<2x10240x128xf32, #tpu.memory_space<hbm>>, %arg6: memref<2x4x2x100xi32, #tpu.memory_space<vmem>>, %arg7: memref<100x128xf32, #tpu.memory_space<vmem>>, %arg8: memref<100x128xf32, #tpu.memory_space<vmem>>, %arg9: memref<10240x128xf32, #tpu.memory_space<vmem_shared>>, %arg10: memref<!tpu.dma_semaphore, #tpu.memory_space<semaphore_mem>>, %arg11: memref<!tpu.dma_semaphore, #tpu.memory_space<semaphore_mem>>, %arg12: memref<!tpu.dma_semaphore, #tpu.memory_space<semaphore_mem>>, %arg13: memref<!tpu.dma_semaphore, #tpu.memory_space<semaphore_mem>>, %arg14: memref<!tpu.dma_semaphore, #tpu.memory_space<semaphore_mem>>) attributes {dimension_semantics = [#tpu.dimension_semantics<core_parallel>, #tpu.dimension_semantics<subcore_parallel>], iteration_bounds = array<i64: 2, 16>, scalar_prefetch = 0 : i64, scratch_operands = 9 : i64, tpu.core_type = #tpu.core_type<sc_vector_subcore>, window_params = [{transform_indices = #map}, {transform_indices = #map1}, {transform_indices = #map}, {transform_indices = #map2}]} {
    %mul3A = arith.constant 2 : i32
    %mul3A_0 = arith.muli %arg1, %mul3A : i32
    %add3A = arith.addi %mul3A_0, %arg0 : i32
    %mul3A_1 = arith.constant 640 : i32
    %mul3A_2 = arith.muli %arg1, %mul3A_1 : i32
    %dma_start3A = arith.constant 0 : i32
    %dma_start3A_3 = tpu.memref_slice %arg9[%mul3A_2, %dma_start3A] : memref<10240x128xf32, #tpu.memory_space<vmem_shared>> -> memref<640x128xf32, #tpu.memory_space<vmem_shared>>
    tpu.enqueue_dma source(%arg4 : memref<640x128xf32, #tpu.memory_space<hbm>>) target(%dma_start3A_3 : memref<640x128xf32, #tpu.memory_space<vmem_shared>>) target_semaphore(%arg14 : memref<!tpu.dma_semaphore, #tpu.memory_space<semaphore_mem>>)
    %min3A = arith.constant 0 : i32
    %min3A_4 = arith.constant 24 : i32
    %min3A_5 = arith.minsi %min3A, %min3A_4 : i32
    %mul3A_6 = arith.constant 4 : i32
    %mul3A_7 = arith.muli %mul3A_6, %min3A_5 : i32
    %dma_start3A_8 = arith.constant 0 : i32
    %dma_start3A_9 = arith.constant 0 : i32
    %dma_start3A_10 = arith.constant 0 : i32
    %dma_start3A_11 = arith.constant 0 : i32
    %dma_start3A_12 = tpu.memref_slice %arg6[%dma_start3A_8, %dma_start3A_9, %dma_start3A_10, %dma_start3A_11] : memref<2x4x2x100xi32, #tpu.memory_space<vmem>> -> memref<1x4x2x100xi32, #tpu.memory_space<vmem>>
    %dma_start3A_13 = tpu.memref_squeeze %dma_start3A_12 : memref<1x4x2x100xi32, #tpu.memory_space<vmem>> -> memref<4x2x100xi32, #tpu.memory_space<vmem>>
    %dma_start3A_14 = arith.constant 0 : i32
    %dma_start3A_15 = arith.constant 0 : i32
    %dma_start3A_16 = tpu.memref_slice %arg3[%add3A, %mul3A_7, %dma_start3A_14, %dma_start3A_15] : memref<32x100x2x100xi32, #tpu.memory_space<hbm>> -> memref<1x4x2x100xi32, #tpu.memory_space<hbm>>
    %dma_start3A_17 = tpu.memref_squeeze %dma_start3A_16 : memref<1x4x2x100xi32, #tpu.memory_space<hbm>> -> memref<4x2x100xi32, #tpu.memory_space<hbm>>
    %dma_start3A_18 = arith.constant 0 : i32
    %dma_start3A_19 = arith.constant 0 : i32
    %dma_start3A_20 = arith.constant 0 : i32
    %dma_start3A_21 = tpu.memref_slice %arg6[%dma_start3A_8, %dma_start3A_18, %dma_start3A_19, %dma_start3A_20] : memref<2x4x2x100xi32, #tpu.memory_space<vmem>> -> memref<1x4x2x100xi32, #tpu.memory_space<vmem>>
    %dma_start3A_22 = tpu.memref_squeeze %dma_start3A_21 : memref<1x4x2x100xi32, #tpu.memory_space<vmem>> -> memref<4x2x100xi32, #tpu.memory_space<vmem>>
    %dma_start3A_23 = arith.constant 0 : i32
    %dma_start3A_24 = arith.constant 0 : i32
    %dma_start3A_25 = tpu.memref_slice %arg3[%add3A, %mul3A_7, %dma_start3A_23, %dma_start3A_24] : memref<32x100x2x100xi32, #tpu.memory_space<hbm>> -> memref<1x4x2x100xi32, #tpu.memory_space<hbm>>
    %dma_start3A_26 = tpu.memref_squeeze %dma_start3A_25 : memref<1x4x2x100xi32, #tpu.memory_space<hbm>> -> memref<4x2x100xi32, #tpu.memory_space<hbm>>
    tpu.enqueue_dma source(%dma_start3A_26 : memref<4x2x100xi32, #tpu.memory_space<hbm>>) target(%dma_start3A_22 : memref<4x2x100xi32, #tpu.memory_space<vmem>>) target_semaphore(%arg10 : memref<!tpu.dma_semaphore, #tpu.memory_space<semaphore_mem>>)
    %min3A_27 = arith.constant 1 : i32
    %min3A_28 = arith.constant 24 : i32
    %min3A_29 = arith.minsi %min3A_27, %min3A_28 : i32
    %mul3A_30 = arith.constant 4 : i32
    %mul3A_31 = arith.muli %mul3A_30, %min3A_29 : i32
    %dma_start3A_32 = arith.constant 1 : i32
    %dma_start3A_33 = arith.constant 0 : i32
    %dma_start3A_34 = arith.constant 0 : i32
    %dma_start3A_35 = arith.constant 0 : i32
    %dma_start3A_36 = tpu.memref_slice %arg6[%dma_start3A_32, %dma_start3A_33, %dma_start3A_34, %dma_start3A_35] : memref<2x4x2x100xi32, #tpu.memory_space<vmem>> -> memref<1x4x2x100xi32, #tpu.memory_space<vmem>>
    %dma_start3A_37 = tpu.memref_squeeze %dma_start3A_36 : memref<1x4x2x100xi32, #tpu.memory_space<vmem>> -> memref<4x2x100xi32, #tpu.memory_space<vmem>>
    %dma_start3A_38 = arith.constant 0 : i32
    %dma_start3A_39 = arith.constant 0 : i32
    %dma_start3A_40 = tpu.memref_slice %arg3[%add3A, %mul3A_31, %dma_start3A_38, %dma_start3A_39] : memref<32x100x2x100xi32, #tpu.memory_space<hbm>> -> memref<1x4x2x100xi32, #tpu.memory_space<hbm>>
    %dma_start3A_41 = tpu.memref_squeeze %dma_start3A_40 : memref<1x4x2x100xi32, #tpu.memory_space<hbm>> -> memref<4x2x100xi32, #tpu.memory_space<hbm>>
    %dma_start3A_42 = arith.constant 0 : i32
    %dma_start3A_43 = arith.constant 0 : i32
    %dma_start3A_44 = arith.constant 0 : i32
    %dma_start3A_45 = tpu.memref_slice %arg6[%dma_start3A_32, %dma_start3A_42, %dma_start3A_43, %dma_start3A_44] : memref<2x4x2x100xi32, #tpu.memory_space<vmem>> -> memref<1x4x2x100xi32, #tpu.memory_space<vmem>>
    %dma_start3A_46 = tpu.memref_squeeze %dma_start3A_45 : memref<1x4x2x100xi32, #tpu.memory_space<vmem>> -> memref<4x2x100xi32, #tpu.memory_space<vmem>>
    %dma_start3A_47 = arith.constant 0 : i32
    %dma_start3A_48 = arith.constant 0 : i32
    %dma_start3A_49 = tpu.memref_slice %arg3[%add3A, %mul3A_31, %dma_start3A_47, %dma_start3A_48] : memref<32x100x2x100xi32, #tpu.memory_space<hbm>> -> memref<1x4x2x100xi32, #tpu.memory_space<hbm>>
    %dma_start3A_50 = tpu.memref_squeeze %dma_start3A_49 : memref<1x4x2x100xi32, #tpu.memory_space<hbm>> -> memref<4x2x100xi32, #tpu.memory_space<hbm>>
    tpu.enqueue_dma source(%dma_start3A_50 : memref<4x2x100xi32, #tpu.memory_space<hbm>>) target(%dma_start3A_46 : memref<4x2x100xi32, #tpu.memory_space<vmem>>) target_semaphore(%arg11 : memref<!tpu.dma_semaphore, #tpu.memory_space<semaphore_mem>>)
    %dma_wait3A = arith.constant 0 : i32
    %dma_wait3A_51 = arith.constant 0 : i32
    %dma_wait3A_52 = arith.constant 0 : i32
    %dma_wait3A_53 = arith.constant 0 : i32
    %dma_wait3A_54 = tpu.memref_slice %arg6[%dma_wait3A, %dma_wait3A_51, %dma_wait3A_52, %dma_wait3A_53] : memref<2x4x2x100xi32, #tpu.memory_space<vmem>> -> memref<1x4x2x100xi32, #tpu.memory_space<vmem>>
    %dma_wait3A_55 = tpu.memref_squeeze %dma_wait3A_54 : memref<1x4x2x100xi32, #tpu.memory_space<vmem>> -> memref<4x2x100xi32, #tpu.memory_space<vmem>>
    %dma_wait3A_56 = arith.constant 0 : i32
    %dma_wait3A_57 = arith.constant 0 : i32
    %dma_wait3A_58 = arith.constant 0 : i32
    %dma_wait3A_59 = tpu.memref_slice %arg3[%add3A, %dma_wait3A_56, %dma_wait3A_57, %dma_wait3A_58] : memref<32x100x2x100xi32, #tpu.memory_space<hbm>> -> memref<1x4x2x100xi32, #tpu.memory_space<hbm>>
    %dma_wait3A_60 = tpu.memref_squeeze %dma_wait3A_59 : memref<1x4x2x100xi32, #tpu.memory_space<hbm>> -> memref<4x2x100xi32, #tpu.memory_space<hbm>>
    %dma_wait3A_61 = arith.constant 0 : i32
    %dma_wait3A_62 = arith.constant 0 : i32
    %dma_wait3A_63 = arith.constant 0 : i32
    %dma_wait3A_64 = tpu.memref_slice %arg6[%dma_wait3A, %dma_wait3A_61, %dma_wait3A_62, %dma_wait3A_63] : memref<2x4x2x100xi32, #tpu.memory_space<vmem>> -> memref<1x4x2x100xi32, #tpu.memory_space<vmem>>
    %dma_wait3A_65 = tpu.memref_squeeze %dma_wait3A_64 : memref<1x4x2x100xi32, #tpu.memory_space<vmem>> -> memref<4x2x100xi32, #tpu.memory_space<vmem>>
    %dma_wait3A_66 = arith.constant 0 : i32
    %dma_wait3A_67 = arith.constant 0 : i32
    %dma_wait3A_68 = arith.constant 0 : i32
    %dma_wait3A_69 = tpu.memref_slice %arg3[%add3A, %dma_wait3A_66, %dma_wait3A_67, %dma_wait3A_68] : memref<32x100x2x100xi32, #tpu.memory_space<hbm>> -> memref<1x4x2x100xi32, #tpu.memory_space<hbm>>
    %dma_wait3A_70 = tpu.memref_squeeze %dma_wait3A_69 : memref<1x4x2x100xi32, #tpu.memory_space<hbm>> -> memref<4x2x100xi32, #tpu.memory_space<hbm>>
    tpu.wait_dma2 semaphore(%arg10 : memref<!tpu.dma_semaphore, #tpu.memory_space<semaphore_mem>>) src(%dma_wait3A_70 : memref<4x2x100xi32, #tpu.memory_space<hbm>>) dst(%dma_wait3A_65 : memref<4x2x100xi32, #tpu.memory_space<vmem>>)
    %dma_start3A_71 = arith.constant 0 : i32
    %dma_start3A_72 = arith.constant 0 : i32
    %dma_start3A_73 = arith.constant 0 : i32
    %dma_start3A_74 = arith.constant 0 : i32
    %dma_start3A_75 = tpu.memref_slice %arg6[%dma_start3A_71, %dma_start3A_72, %dma_start3A_73, %dma_start3A_74] : memref<2x4x2x100xi32, #tpu.memory_space<vmem>> -> memref<1x1x1x100xi32, #tpu.memory_space<vmem>>
    %dma_start3A_76 = tpu.memref_squeeze %dma_start3A_75 : memref<1x1x1x100xi32, #tpu.memory_space<vmem>> -> memref<100xi32, #tpu.memory_space<vmem>>
    %dma_start3A_77 = arith.constant 0 : i32
    %dma_start3A_78 = arith.constant 0 : i32
    %dma_start3A_79 = tpu.memref_slice %arg2[%dma_start3A_77, %dma_start3A_78] : memref<10000x128xf32, #tpu.memory_space<hbm>> -> memref<10000x128xf32, #tpu.memory_space<hbm>>
    tpu.enqueue_indirect_dma source(%dma_start3A_79 : memref<10000x128xf32, #tpu.memory_space<hbm>>) target(%arg7 : memref<100x128xf32, #tpu.memory_space<vmem>>) offsets(%dma_start3A_76 : memref<100xi32, #tpu.memory_space<vmem>>) semaphore(%arg12 : memref<!tpu.dma_semaphore, #tpu.memory_space<semaphore_mem>>)
    %dma_start3A_80 = arith.constant 0 : i32
    %dma_start3A_81 = arith.constant 1 : i32
    %dma_start3A_82 = arith.constant 0 : i32
    %dma_start3A_83 = arith.constant 0 : i32
    %dma_start3A_84 = tpu.memref_slice %arg6[%dma_start3A_80, %dma_start3A_81, %dma_start3A_82, %dma_start3A_83] : memref<2x4x2x100xi32, #tpu.memory_space<vmem>> -> memref<1x1x1x100xi32, #tpu.memory_space<vmem>>
    %dma_start3A_85 = tpu.memref_squeeze %dma_start3A_84 : memref<1x1x1x100xi32, #tpu.memory_space<vmem>> -> memref<100xi32, #tpu.memory_space<vmem>>
    %dma_start3A_86 = arith.constant 0 : i32
    %dma_start3A_87 = arith.constant 0 : i32
    %dma_start3A_88 = tpu.memref_slice %arg2[%dma_start3A_86, %dma_start3A_87] : memref<10000x128xf32, #tpu.memory_space<hbm>> -> memref<10000x128xf32, #tpu.memory_space<hbm>>
    tpu.enqueue_indirect_dma source(%dma_start3A_88 : memref<10000x128xf32, #tpu.memory_space<hbm>>) target(%arg8 : memref<100x128xf32, #tpu.memory_space<vmem>>) offsets(%dma_start3A_85 : memref<100xi32, #tpu.memory_space<vmem>>) semaphore(%arg13 : memref<!tpu.dma_semaphore, #tpu.memory_space<semaphore_mem>>)
    %dma_wait3A_89 = arith.constant 0 : i32
    %dma_wait3A_90 = tpu.memref_slice %arg9[%mul3A_2, %dma_wait3A_89] : memref<10240x128xf32, #tpu.memory_space<vmem_shared>> -> memref<640x128xf32, #tpu.memory_space<vmem_shared>>
    tpu.wait_dma2 semaphore(%arg14 : memref<!tpu.dma_semaphore, #tpu.memory_space<semaphore_mem>>) src(%arg4 : memref<640x128xf32, #tpu.memory_space<hbm>>) dst(%dma_wait3A_90 : memref<640x128xf32, #tpu.memory_space<vmem_shared>>)
    %barrier3A = arith.constant 0 : index
    tpu.barrier barrier_id(%barrier3A)
    %scan3A = arith.constant 0 : i32
    %scan3A_91 = arith.constant 0 : i32
    %scan3A_92 = arith.constant 12 : i32
    %scan3A_93 = arith.addi %scan3A_91, %scan3A_92 : i32
    %scan3A_94 = arith.constant 1 : i32
    %scan3A_95 = scf.for %scan3A_269 = %scan3A_91 to %scan3A_93 step %scan3A_94 iter_args(%scan3A_270 = %scan3A) -> (i32)  : i32 {
      %mul3A_271 = arith.constant 2 : i32
      %mul3A_272 = arith.muli %mul3A_271, %scan3A_269 : i32
      %dma_wait3A_273 = arith.constant 0 : i32
      %dma_wait3A_274 = arith.constant 0 : i32
      %dma_wait3A_275 = arith.constant 0 : i32
      %dma_wait3A_276 = arith.constant 0 : i32
      %dma_wait3A_277 = tpu.memref_slice %arg6[%dma_wait3A_273, %dma_wait3A_274, %dma_wait3A_275, %dma_wait3A_276] : memref<2x4x2x100xi32, #tpu.memory_space<vmem>> -> memref<1x1x1x100xi32, #tpu.memory_space<vmem>>
      %dma_wait3A_278 = tpu.memref_squeeze %dma_wait3A_277 : memref<1x1x1x100xi32, #tpu.memory_space<vmem>> -> memref<100xi32, #tpu.memory_space<vmem>>
      %dma_wait3A_279 = arith.constant 0 : i32
      %dma_wait3A_280 = arith.constant 0 : i32
      %dma_wait3A_281 = tpu.memref_slice %arg2[%dma_wait3A_279, %dma_wait3A_280] : memref<10000x128xf32, #tpu.memory_space<hbm>> -> memref<10000x128xf32, #tpu.memory_space<hbm>>
      tpu.wait_indirect_dma semaphore(%arg12 : memref<!tpu.dma_semaphore, #tpu.memory_space<semaphore_mem>>) src(%dma_wait3A_281 : memref<10000x128xf32, #tpu.memory_space<hbm>>) dst(%arg7 : memref<100x128xf32, #tpu.memory_space<vmem>>)
      %run_scoped3A_282 = arith.constant 0 : i32
      %run_scoped3A_283 = arith.constant 0 : i32
      %run_scoped3A_284 = arith.constant 1 : i32
      "tpu.region"() ({
        %run_scoped3A_538 = tpu.sem_alloc : memref<!tpu.dma_semaphore, #tpu.memory_space<semaphore_mem>>
        %dma_start3A_539 = arith.constant 0 : i32
        %dma_start3A_540 = tpu.memref_slice %arg6[%run_scoped3A_282, %run_scoped3A_283, %run_scoped3A_284, %dma_start3A_539] : memref<2x4x2x100xi32, #tpu.memory_space<vmem>> -> memref<1x1x1x100xi32, #tpu.memory_space<vmem>>
        %dma_start3A_541 = tpu.memref_squeeze %dma_start3A_540 : memref<1x1x1x100xi32, #tpu.memory_space<vmem>> -> memref<100xi32, #tpu.memory_space<vmem>>
        %dma_start3A_542 = arith.constant 0 : i32
        %dma_start3A_543 = arith.constant 0 : i32
        %dma_start3A_544 = tpu.memref_slice %arg9[%dma_start3A_542, %dma_start3A_543] : memref<10240x128xf32, #tpu.memory_space<vmem_shared>> -> memref<10240x128xf32, #tpu.memory_space<vmem_shared>>
        tpu.enqueue_indirect_dma source(%arg7 : memref<100x128xf32, #tpu.memory_space<vmem>>) target(%dma_start3A_544 : memref<10240x128xf32, #tpu.memory_space<vmem_shared>>) offsets(%dma_start3A_541 : memref<100xi32, #tpu.memory_space<vmem>>) semaphore(%run_scoped3A_538 : memref<!tpu.dma_semaphore, #tpu.memory_space<semaphore_mem>>) {add = true}
        %dma_wait3A_545 = arith.constant 0 : i32
        %dma_wait3A_546 = tpu.memref_slice %arg6[%run_scoped3A_282, %run_scoped3A_283, %run_scoped3A_284, %dma_wait3A_545] : memref<2x4x2x100xi32, #tpu.memory_space<vmem>> -> memref<1x1x1x100xi32, #tpu.memory_space<vmem>>
        %dma_wait3A_547 = tpu.memref_squeeze %dma_wait3A_546 : memref<1x1x1x100xi32, #tpu.memory_space<vmem>> -> memref<100xi32, #tpu.memory_space<vmem>>
        %dma_wait3A_548 = arith.constant 0 : i32
        %dma_wait3A_549 = arith.constant 0 : i32
        %dma_wait3A_550 = tpu.memref_slice %arg9[%dma_wait3A_548, %dma_wait3A_549] : memref<10240x128xf32, #tpu.memory_space<vmem_shared>> -> memref<10240x128xf32, #tpu.memory_space<vmem_shared>>
        tpu.wait_indirect_dma semaphore(%run_scoped3A_538 : memref<!tpu.dma_semaphore, #tpu.memory_space<semaphore_mem>>) src(%arg7 : memref<100x128xf32, #tpu.memory_space<vmem>>) dst(%dma_wait3A_550 : memref<10240x128xf32, #tpu.memory_space<vmem_shared>>)
        tpu.yield
      }) : () -> ()
      %dma_start3A_285 = arith.constant 0 : i32
      %dma_start3A_286 = arith.constant 2 : i32
      %dma_start3A_287 = arith.constant 0 : i32
      %dma_start3A_288 = arith.constant 0 : i32
      %dma_start3A_289 = tpu.memref_slice %arg6[%dma_start3A_285, %dma_start3A_286, %dma_start3A_287, %dma_start3A_288] : memref<2x4x2x100xi32, #tpu.memory_space<vmem>> -> memref<1x1x1x100xi32, #tpu.memory_space<vmem>>
      %dma_start3A_290 = tpu.memref_squeeze %dma_start3A_289 : memref<1x1x1x100xi32, #tpu.memory_space<vmem>> -> memref<100xi32, #tpu.memory_space<vmem>>
      %dma_start3A_291 = arith.constant 0 : i32
      %dma_start3A_292 = arith.constant 0 : i32
      %dma_start3A_293 = tpu.memref_slice %arg2[%dma_start3A_291, %dma_start3A_292] : memref<10000x128xf32, #tpu.memory_space<hbm>> -> memref<10000x128xf32, #tpu.memory_space<hbm>>
      tpu.enqueue_indirect_dma source(%dma_start3A_293 : memref<10000x128xf32, #tpu.memory_space<hbm>>) target(%arg7 : memref<100x128xf32, #tpu.memory_space<vmem>>) offsets(%dma_start3A_290 : memref<100xi32, #tpu.memory_space<vmem>>) semaphore(%arg12 : memref<!tpu.dma_semaphore, #tpu.memory_space<semaphore_mem>>)
      %dma_wait3A_294 = arith.constant 0 : i32
      %dma_wait3A_295 = arith.constant 0 : i32
      %dma_wait3A_296 = arith.constant 0 : i32
      %dma_wait3A_297 = arith.constant 0 : i32
      %dma_wait3A_298 = tpu.memref_slice %arg6[%dma_wait3A_294, %dma_wait3A_295, %dma_wait3A_296, %dma_wait3A_297] : memref<2x4x2x100xi32, #tpu.memory_space<vmem>> -> memref<1x1x1x100xi32, #tpu.memory_space<vmem>>
      %dma_wait3A_299 = tpu.memref_squeeze %dma_wait3A_298 : memref<1x1x1x100xi32, #tpu.memory_space<vmem>> -> memref<100xi32, #tpu.memory_space<vmem>>
      %dma_wait3A_300 = arith.constant 0 : i32
      %dma_wait3A_301 = arith.constant 0 : i32
      %dma_wait3A_302 = tpu.memref_slice %arg2[%dma_wait3A_300, %dma_wait3A_301] : memref<10000x128xf32, #tpu.memory_space<hbm>> -> memref<10000x128xf32, #tpu.memory_space<hbm>>
      tpu.wait_indirect_dma semaphore(%arg13 : memref<!tpu.dma_semaphore, #tpu.memory_space<semaphore_mem>>) src(%dma_wait3A_302 : memref<10000x128xf32, #tpu.memory_space<hbm>>) dst(%arg8 : memref<100x128xf32, #tpu.memory_space<vmem>>)
      %run_scoped3A_303 = arith.constant 0 : i32
      %run_scoped3A_304 = arith.constant 1 : i32
      %run_scoped3A_305 = arith.constant 1 : i32
      "tpu.region"() ({
        %run_scoped3A_538 = tpu.sem_alloc : memref<!tpu.dma_semaphore, #tpu.memory_space<semaphore_mem>>
        %dma_start3A_539 = arith.constant 0 : i32
        %dma_start3A_540 = tpu.memref_slice %arg6[%run_scoped3A_303, %run_scoped3A_304, %run_scoped3A_305, %dma_start3A_539] : memref<2x4x2x100xi32, #tpu.memory_space<vmem>> -> memref<1x1x1x100xi32, #tpu.memory_space<vmem>>
        %dma_start3A_541 = tpu.memref_squeeze %dma_start3A_540 : memref<1x1x1x100xi32, #tpu.memory_space<vmem>> -> memref<100xi32, #tpu.memory_space<vmem>>
        %dma_start3A_542 = arith.constant 0 : i32
        %dma_start3A_543 = arith.constant 0 : i32
        %dma_start3A_544 = tpu.memref_slice %arg9[%dma_start3A_542, %dma_start3A_543] : memref<10240x128xf32, #tpu.memory_space<vmem_shared>> -> memref<10240x128xf32, #tpu.memory_space<vmem_shared>>
        tpu.enqueue_indirect_dma source(%arg8 : memref<100x128xf32, #tpu.memory_space<vmem>>) target(%dma_start3A_544 : memref<10240x128xf32, #tpu.memory_space<vmem_shared>>) offsets(%dma_start3A_541 : memref<100xi32, #tpu.memory_space<vmem>>) semaphore(%run_scoped3A_538 : memref<!tpu.dma_semaphore, #tpu.memory_space<semaphore_mem>>) {add = true}
        %dma_wait3A_545 = arith.constant 0 : i32
        %dma_wait3A_546 = tpu.memref_slice %arg6[%run_scoped3A_303, %run_scoped3A_304, %run_scoped3A_305, %dma_wait3A_545] : memref<2x4x2x100xi32, #tpu.memory_space<vmem>> -> memref<1x1x1x100xi32, #tpu.memory_space<vmem>>
        %dma_wait3A_547 = tpu.memref_squeeze %dma_wait3A_546 : memref<1x1x1x100xi32, #tpu.memory_space<vmem>> -> memref<100xi32, #tpu.memory_space<vmem>>
        %dma_wait3A_548 = arith.constant 0 : i32
        %dma_wait3A_549 = arith.constant 0 : i32
        %dma_wait3A_550 = tpu.memref_slice %arg9[%dma_wait3A_548, %dma_wait3A_549] : memref<10240x128xf32, #tpu.memory_space<vmem_shared>> -> memref<10240x128xf32, #tpu.memory_space<vmem_shared>>
        tpu.wait_indirect_dma semaphore(%run_scoped3A_538 : memref<!tpu.dma_semaphore, #tpu.memory_space<semaphore_mem>>) src(%arg8 : memref<100x128xf32, #tpu.memory_space<vmem>>) dst(%dma_wait3A_550 : memref<10240x128xf32, #tpu.memory_space<vmem_shared>>)
        tpu.yield
      }) : () -> ()
      %dma_start3A_306 = arith.constant 0 : i32
      %dma_start3A_307 = arith.constant 3 : i32
      %dma_start3A_308 = arith.constant 0 : i32
      %dma_start3A_309 = arith.constant 0 : i32
      %dma_start3A_310 = tpu.memref_slice %arg6[%dma_start3A_306, %dma_start3A_307, %dma_start3A_308, %dma_start3A_309] : memref<2x4x2x100xi32, #tpu.memory_space<vmem>> -> memref<1x1x1x100xi32, #tpu.memory_space<vmem>>
      %dma_start3A_311 = tpu.memref_squeeze %dma_start3A_310 : memref<1x1x1x100xi32, #tpu.memory_space<vmem>> -> memref<100xi32, #tpu.memory_space<vmem>>
      %dma_start3A_312 = arith.constant 0 : i32
      %dma_start3A_313 = arith.constant 0 : i32
      %dma_start3A_314 = tpu.memref_slice %arg2[%dma_start3A_312, %dma_start3A_313] : memref<10000x128xf32, #tpu.memory_space<hbm>> -> memref<10000x128xf32, #tpu.memory_space<hbm>>
      tpu.enqueue_indirect_dma source(%dma_start3A_314 : memref<10000x128xf32, #tpu.memory_space<hbm>>) target(%arg8 : memref<100x128xf32, #tpu.memory_space<vmem>>) offsets(%dma_start3A_311 : memref<100xi32, #tpu.memory_space<vmem>>) semaphore(%arg13 : memref<!tpu.dma_semaphore, #tpu.memory_space<semaphore_mem>>)
      %dma_wait3A_315 = arith.constant 0 : i32
      %dma_wait3A_316 = arith.constant 0 : i32
      %dma_wait3A_317 = arith.constant 0 : i32
      %dma_wait3A_318 = arith.constant 0 : i32
      %dma_wait3A_319 = tpu.memref_slice %arg6[%dma_wait3A_315, %dma_wait3A_316, %dma_wait3A_317, %dma_wait3A_318] : memref<2x4x2x100xi32, #tpu.memory_space<vmem>> -> memref<1x1x1x100xi32, #tpu.memory_space<vmem>>
      %dma_wait3A_320 = tpu.memref_squeeze %dma_wait3A_319 : memref<1x1x1x100xi32, #tpu.memory_space<vmem>> -> memref<100xi32, #tpu.memory_space<vmem>>
      %dma_wait3A_321 = arith.constant 0 : i32
      %dma_wait3A_322 = arith.constant 0 : i32
      %dma_wait3A_323 = tpu.memref_slice %arg2[%dma_wait3A_321, %dma_wait3A_322] : memref<10000x128xf32, #tpu.memory_space<hbm>> -> memref<10000x128xf32, #tpu.memory_space<hbm>>
      tpu.wait_indirect_dma semaphore(%arg12 : memref<!tpu.dma_semaphore, #tpu.memory_space<semaphore_mem>>) src(%dma_wait3A_323 : memref<10000x128xf32, #tpu.memory_space<hbm>>) dst(%arg7 : memref<100x128xf32, #tpu.memory_space<vmem>>)
      %run_scoped3A_324 = arith.constant 0 : i32
      %run_scoped3A_325 = arith.constant 2 : i32
      %run_scoped3A_326 = arith.constant 1 : i32
      "tpu.region"() ({
        %run_scoped3A_538 = tpu.sem_alloc : memref<!tpu.dma_semaphore, #tpu.memory_space<semaphore_mem>>
        %dma_start3A_539 = arith.constant 0 : i32
        %dma_start3A_540 = tpu.memref_slice %arg6[%run_scoped3A_324, %run_scoped3A_325, %run_scoped3A_326, %dma_start3A_539] : memref<2x4x2x100xi32, #tpu.memory_space<vmem>> -> memref<1x1x1x100xi32, #tpu.memory_space<vmem>>
        %dma_start3A_541 = tpu.memref_squeeze %dma_start3A_540 : memref<1x1x1x100xi32, #tpu.memory_space<vmem>> -> memref<100xi32, #tpu.memory_space<vmem>>
        %dma_start3A_542 = arith.constant 0 : i32
        %dma_start3A_543 = arith.constant 0 : i32
        %dma_start3A_544 = tpu.memref_slice %arg9[%dma_start3A_542, %dma_start3A_543] : memref<10240x128xf32, #tpu.memory_space<vmem_shared>> -> memref<10240x128xf32, #tpu.memory_space<vmem_shared>>
        tpu.enqueue_indirect_dma source(%arg7 : memref<100x128xf32, #tpu.memory_space<vmem>>) target(%dma_start3A_544 : memref<10240x128xf32, #tpu.memory_space<vmem_shared>>) offsets(%dma_start3A_541 : memref<100xi32, #tpu.memory_space<vmem>>) semaphore(%run_scoped3A_538 : memref<!tpu.dma_semaphore, #tpu.memory_space<semaphore_mem>>) {add = true}
        %dma_wait3A_545 = arith.constant 0 : i32
        %dma_wait3A_546 = tpu.memref_slice %arg6[%run_scoped3A_324, %run_scoped3A_325, %run_scoped3A_326, %dma_wait3A_545] : memref<2x4x2x100xi32, #tpu.memory_space<vmem>> -> memref<1x1x1x100xi32, #tpu.memory_space<vmem>>
        %dma_wait3A_547 = tpu.memref_squeeze %dma_wait3A_546 : memref<1x1x1x100xi32, #tpu.memory_space<vmem>> -> memref<100xi32, #tpu.memory_space<vmem>>
        %dma_wait3A_548 = arith.constant 0 : i32
        %dma_wait3A_549 = arith.constant 0 : i32
        %dma_wait3A_550 = tpu.memref_slice %arg9[%dma_wait3A_548, %dma_wait3A_549] : memref<10240x128xf32, #tpu.memory_space<vmem_shared>> -> memref<10240x128xf32, #tpu.memory_space<vmem_shared>>
        tpu.wait_indirect_dma semaphore(%run_scoped3A_538 : memref<!tpu.dma_semaphore, #tpu.memory_space<semaphore_mem>>) src(%arg7 : memref<100x128xf32, #tpu.memory_space<vmem>>) dst(%dma_wait3A_550 : memref<10240x128xf32, #tpu.memory_space<vmem_shared>>)
        tpu.yield
      }) : () -> ()
      %dma_wait3A_327 = arith.constant 1 : i32
      %dma_wait3A_328 = arith.constant 0 : i32
      %dma_wait3A_329 = arith.constant 0 : i32
      %dma_wait3A_330 = arith.constant 0 : i32
      %dma_wait3A_331 = tpu.memref_slice %arg6[%dma_wait3A_327, %dma_wait3A_328, %dma_wait3A_329, %dma_wait3A_330] : memref<2x4x2x100xi32, #tpu.memory_space<vmem>> -> memref<1x4x2x100xi32, #tpu.memory_space<vmem>>
      %dma_wait3A_332 = tpu.memref_squeeze %dma_wait3A_331 : memref<1x4x2x100xi32, #tpu.memory_space<vmem>> -> memref<4x2x100xi32, #tpu.memory_space<vmem>>
      %dma_wait3A_333 = arith.constant 0 : i32
      %dma_wait3A_334 = arith.constant 0 : i32
      %dma_wait3A_335 = arith.constant 0 : i32
      %dma_wait3A_336 = tpu.memref_slice %arg3[%add3A, %dma_wait3A_333, %dma_wait3A_334, %dma_wait3A_335] : memref<32x100x2x100xi32, #tpu.memory_space<hbm>> -> memref<1x4x2x100xi32, #tpu.memory_space<hbm>>
      %dma_wait3A_337 = tpu.memref_squeeze %dma_wait3A_336 : memref<1x4x2x100xi32, #tpu.memory_space<hbm>> -> memref<4x2x100xi32, #tpu.memory_space<hbm>>
      %dma_wait3A_338 = arith.constant 0 : i32
      %dma_wait3A_339 = arith.constant 0 : i32
      %dma_wait3A_340 = arith.constant 0 : i32
      %dma_wait3A_341 = tpu.memref_slice %arg6[%dma_wait3A_327, %dma_wait3A_338, %dma_wait3A_339, %dma_wait3A_340] : memref<2x4x2x100xi32, #tpu.memory_space<vmem>> -> memref<1x4x2x100xi32, #tpu.memory_space<vmem>>
      %dma_wait3A_342 = tpu.memref_squeeze %dma_wait3A_341 : memref<1x4x2x100xi32, #tpu.memory_space<vmem>> -> memref<4x2x100xi32, #tpu.memory_space<vmem>>
      %dma_wait3A_343 = arith.constant 0 : i32
      %dma_wait3A_344 = arith.constant 0 : i32
      %dma_wait3A_345 = arith.constant 0 : i32
      %dma_wait3A_346 = tpu.memref_slice %arg3[%add3A, %dma_wait3A_343, %dma_wait3A_344, %dma_wait3A_345] : memref<32x100x2x100xi32, #tpu.memory_space<hbm>> -> memref<1x4x2x100xi32, #tpu.memory_space<hbm>>
      %dma_wait3A_347 = tpu.memref_squeeze %dma_wait3A_346 : memref<1x4x2x100xi32, #tpu.memory_space<hbm>> -> memref<4x2x100xi32, #tpu.memory_space<hbm>>
      tpu.wait_dma2 semaphore(%arg11 : memref<!tpu.dma_semaphore, #tpu.memory_space<semaphore_mem>>) src(%dma_wait3A_347 : memref<4x2x100xi32, #tpu.memory_space<hbm>>) dst(%dma_wait3A_342 : memref<4x2x100xi32, #tpu.memory_space<vmem>>)
      %dma_start3A_348 = arith.constant 1 : i32
      %dma_start3A_349 = arith.constant 0 : i32
      %dma_start3A_350 = arith.constant 0 : i32
      %dma_start3A_351 = arith.constant 0 : i32
      %dma_start3A_352 = tpu.memref_slice %arg6[%dma_start3A_348, %dma_start3A_349, %dma_start3A_350, %dma_start3A_351] : memref<2x4x2x100xi32, #tpu.memory_space<vmem>> -> memref<1x1x1x100xi32, #tpu.memory_space<vmem>>
      %dma_start3A_353 = tpu.memref_squeeze %dma_start3A_352 : memref<1x1x1x100xi32, #tpu.memory_space<vmem>> -> memref<100xi32, #tpu.memory_space<vmem>>
      %dma_start3A_354 = arith.constant 0 : i32
      %dma_start3A_355 = arith.constant 0 : i32
      %dma_start3A_356 = tpu.memref_slice %arg2[%dma_start3A_354, %dma_start3A_355] : memref<10000x128xf32, #tpu.memory_space<hbm>> -> memref<10000x128xf32, #tpu.memory_space<hbm>>
      tpu.enqueue_indirect_dma source(%dma_start3A_356 : memref<10000x128xf32, #tpu.memory_space<hbm>>) target(%arg7 : memref<100x128xf32, #tpu.memory_space<vmem>>) offsets(%dma_start3A_353 : memref<100xi32, #tpu.memory_space<vmem>>) semaphore(%arg12 : memref<!tpu.dma_semaphore, #tpu.memory_space<semaphore_mem>>)
      %dma_wait3A_357 = arith.constant 0 : i32
      %dma_wait3A_358 = arith.constant 0 : i32
      %dma_wait3A_359 = arith.constant 0 : i32
      %dma_wait3A_360 = arith.constant 0 : i32
      %dma_wait3A_361 = tpu.memref_slice %arg6[%dma_wait3A_357, %dma_wait3A_358, %dma_wait3A_359, %dma_wait3A_360] : memref<2x4x2x100xi32, #tpu.memory_space<vmem>> -> memref<1x1x1x100xi32, #tpu.memory_space<vmem>>
      %dma_wait3A_362 = tpu.memref_squeeze %dma_wait3A_361 : memref<1x1x1x100xi32, #tpu.memory_space<vmem>> -> memref<100xi32, #tpu.memory_space<vmem>>
      %dma_wait3A_363 = arith.constant 0 : i32
      %dma_wait3A_364 = arith.constant 0 : i32
      %dma_wait3A_365 = tpu.memref_slice %arg2[%dma_wait3A_363, %dma_wait3A_364] : memref<10000x128xf32, #tpu.memory_space<hbm>> -> memref<10000x128xf32, #tpu.memory_space<hbm>>
      tpu.wait_indirect_dma semaphore(%arg13 : memref<!tpu.dma_semaphore, #tpu.memory_space<semaphore_mem>>) src(%dma_wait3A_365 : memref<10000x128xf32, #tpu.memory_space<hbm>>) dst(%arg8 : memref<100x128xf32, #tpu.memory_space<vmem>>)
      %run_scoped3A_366 = arith.constant 0 : i32
      %run_scoped3A_367 = arith.constant 3 : i32
      %run_scoped3A_368 = arith.constant 1 : i32
      "tpu.region"() ({
        %run_scoped3A_538 = tpu.sem_alloc : memref<!tpu.dma_semaphore, #tpu.memory_space<semaphore_mem>>
        %dma_start3A_539 = arith.constant 0 : i32
        %dma_start3A_540 = tpu.memref_slice %arg6[%run_scoped3A_366, %run_scoped3A_367, %run_scoped3A_368, %dma_start3A_539] : memref<2x4x2x100xi32, #tpu.memory_space<vmem>> -> memref<1x1x1x100xi32, #tpu.memory_space<vmem>>
        %dma_start3A_541 = tpu.memref_squeeze %dma_start3A_540 : memref<1x1x1x100xi32, #tpu.memory_space<vmem>> -> memref<100xi32, #tpu.memory_space<vmem>>
        %dma_start3A_542 = arith.constant 0 : i32
        %dma_start3A_543 = arith.constant 0 : i32
        %dma_start3A_544 = tpu.memref_slice %arg9[%dma_start3A_542, %dma_start3A_543] : memref<10240x128xf32, #tpu.memory_space<vmem_shared>> -> memref<10240x128xf32, #tpu.memory_space<vmem_shared>>
        tpu.enqueue_indirect_dma source(%arg8 : memref<100x128xf32, #tpu.memory_space<vmem>>) target(%dma_start3A_544 : memref<10240x128xf32, #tpu.memory_space<vmem_shared>>) offsets(%dma_start3A_541 : memref<100xi32, #tpu.memory_space<vmem>>) semaphore(%run_scoped3A_538 : memref<!tpu.dma_semaphore, #tpu.memory_space<semaphore_mem>>) {add = true}
        %dma_wait3A_545 = arith.constant 0 : i32
        %dma_wait3A_546 = tpu.memref_slice %arg6[%run_scoped3A_366, %run_scoped3A_367, %run_scoped3A_368, %dma_wait3A_545] : memref<2x4x2x100xi32, #tpu.memory_space<vmem>> -> memref<1x1x1x100xi32, #tpu.memory_space<vmem>>
        %dma_wait3A_547 = tpu.memref_squeeze %dma_wait3A_546 : memref<1x1x1x100xi32, #tpu.memory_space<vmem>> -> memref<100xi32, #tpu.memory_space<vmem>>
        %dma_wait3A_548 = arith.constant 0 : i32
        %dma_wait3A_549 = arith.constant 0 : i32
        %dma_wait3A_550 = tpu.memref_slice %arg9[%dma_wait3A_548, %dma_wait3A_549] : memref<10240x128xf32, #tpu.memory_space<vmem_shared>> -> memref<10240x128xf32, #tpu.memory_space<vmem_shared>>
        tpu.wait_indirect_dma semaphore(%run_scoped3A_538 : memref<!tpu.dma_semaphore, #tpu.memory_space<semaphore_mem>>) src(%arg8 : memref<100x128xf32, #tpu.memory_space<vmem>>) dst(%dma_wait3A_550 : memref<10240x128xf32, #tpu.memory_space<vmem_shared>>)
        tpu.yield
      }) : () -> ()
      %dma_start3A_369 = arith.constant 1 : i32
      %dma_start3A_370 = arith.constant 1 : i32
      %dma_start3A_371 = arith.constant 0 : i32
      %dma_start3A_372 = arith.constant 0 : i32
      %dma_start3A_373 = tpu.memref_slice %arg6[%dma_start3A_369, %dma_start3A_370, %dma_start3A_371, %dma_start3A_372] : memref<2x4x2x100xi32, #tpu.memory_space<vmem>> -> memref<1x1x1x100xi32, #tpu.memory_space<vmem>>
      %dma_start3A_374 = tpu.memref_squeeze %dma_start3A_373 : memref<1x1x1x100xi32, #tpu.memory_space<vmem>> -> memref<100xi32, #tpu.memory_space<vmem>>
      %dma_start3A_375 = arith.constant 0 : i32
      %dma_start3A_376 = arith.constant 0 : i32
      %dma_start3A_377 = tpu.memref_slice %arg2[%dma_start3A_375, %dma_start3A_376] : memref<10000x128xf32, #tpu.memory_space<hbm>> -> memref<10000x128xf32, #tpu.memory_space<hbm>>
      tpu.enqueue_indirect_dma source(%dma_start3A_377 : memref<10000x128xf32, #tpu.memory_space<hbm>>) target(%arg8 : memref<100x128xf32, #tpu.memory_space<vmem>>) offsets(%dma_start3A_374 : memref<100xi32, #tpu.memory_space<vmem>>) semaphore(%arg13 : memref<!tpu.dma_semaphore, #tpu.memory_space<semaphore_mem>>)
      %add3A_378 = arith.constant 2 : i32
      %add3A_379 = arith.addi %mul3A_272, %add3A_378 : i32
      %min3A_380 = arith.constant 24 : i32
      %min3A_381 = arith.minsi %add3A_379, %min3A_380 : i32
      %mul3A_382 = arith.constant 4 : i32
      %mul3A_383 = arith.muli %mul3A_382, %min3A_381 : i32
      %dma_start3A_384 = arith.constant 0 : i32
      %dma_start3A_385 = arith.constant 0 : i32
      %dma_start3A_386 = arith.constant 0 : i32
      %dma_start3A_387 = arith.constant 0 : i32
      %dma_start3A_388 = tpu.memref_slice %arg6[%dma_start3A_384, %dma_start3A_385, %dma_start3A_386, %dma_start3A_387] : memref<2x4x2x100xi32, #tpu.memory_space<vmem>> -> memref<1x4x2x100xi32, #tpu.memory_space<vmem>>
      %dma_start3A_389 = tpu.memref_squeeze %dma_start3A_388 : memref<1x4x2x100xi32, #tpu.memory_space<vmem>> -> memref<4x2x100xi32, #tpu.memory_space<vmem>>
      %dma_start3A_390 = arith.constant 0 : i32
      %dma_start3A_391 = arith.constant 0 : i32
      %dma_start3A_392 = tpu.memref_slice %arg3[%add3A, %mul3A_383, %dma_start3A_390, %dma_start3A_391] : memref<32x100x2x100xi32, #tpu.memory_space<hbm>> -> memref<1x4x2x100xi32, #tpu.memory_space<hbm>>
      %dma_start3A_393 = tpu.memref_squeeze %dma_start3A_392 : memref<1x4x2x100xi32, #tpu.memory_space<hbm>> -> memref<4x2x100xi32, #tpu.memory_space<hbm>>
      %dma_start3A_394 = arith.constant 0 : i32
      %dma_start3A_395 = arith.constant 0 : i32
      %dma_start3A_396 = arith.constant 0 : i32
      %dma_start3A_397 = tpu.memref_slice %arg6[%dma_start3A_384, %dma_start3A_394, %dma_start3A_395, %dma_start3A_396] : memref<2x4x2x100xi32, #tpu.memory_space<vmem>> -> memref<1x4x2x100xi32, #tpu.memory_space<vmem>>
      %dma_start3A_398 = tpu.memref_squeeze %dma_start3A_397 : memref<1x4x2x100xi32, #tpu.memory_space<vmem>> -> memref<4x2x100xi32, #tpu.memory_space<vmem>>
      %dma_start3A_399 = arith.constant 0 : i32
      %dma_start3A_400 = arith.constant 0 : i32
      %dma_start3A_401 = tpu.memref_slice %arg3[%add3A, %mul3A_383, %dma_start3A_399, %dma_start3A_400] : memref<32x100x2x100xi32, #tpu.memory_space<hbm>> -> memref<1x4x2x100xi32, #tpu.memory_space<hbm>>
      %dma_start3A_402 = tpu.memref_squeeze %dma_start3A_401 : memref<1x4x2x100xi32, #tpu.memory_space<hbm>> -> memref<4x2x100xi32, #tpu.memory_space<hbm>>
      tpu.enqueue_dma source(%dma_start3A_402 : memref<4x2x100xi32, #tpu.memory_space<hbm>>) target(%dma_start3A_398 : memref<4x2x100xi32, #tpu.memory_space<vmem>>) target_semaphore(%arg10 : memref<!tpu.dma_semaphore, #tpu.memory_space<semaphore_mem>>)
      %mul3A_403 = arith.constant 2 : i32
      %mul3A_404 = arith.muli %mul3A_403, %scan3A_269 : i32
      %add3A_405 = arith.constant 1 : i32
      %add3A_406 = arith.addi %mul3A_404, %add3A_405 : i32
      %dma_wait3A_407 = arith.constant 0 : i32
      %dma_wait3A_408 = arith.constant 0 : i32
      %dma_wait3A_409 = arith.constant 0 : i32
      %dma_wait3A_410 = arith.constant 0 : i32
      %dma_wait3A_411 = tpu.memref_slice %arg6[%dma_wait3A_407, %dma_wait3A_408, %dma_wait3A_409, %dma_wait3A_410] : memref<2x4x2x100xi32, #tpu.memory_space<vmem>> -> memref<1x1x1x100xi32, #tpu.memory_space<vmem>>
      %dma_wait3A_412 = tpu.memref_squeeze %dma_wait3A_411 : memref<1x1x1x100xi32, #tpu.memory_space<vmem>> -> memref<100xi32, #tpu.memory_space<vmem>>
      %dma_wait3A_413 = arith.constant 0 : i32
      %dma_wait3A_414 = arith.constant 0 : i32
      %dma_wait3A_415 = tpu.memref_slice %arg2[%dma_wait3A_413, %dma_wait3A_414] : memref<10000x128xf32, #tpu.memory_space<hbm>> -> memref<10000x128xf32, #tpu.memory_space<hbm>>
      tpu.wait_indirect_dma semaphore(%arg12 : memref<!tpu.dma_semaphore, #tpu.memory_space<semaphore_mem>>) src(%dma_wait3A_415 : memref<10000x128xf32, #tpu.memory_space<hbm>>) dst(%arg7 : memref<100x128xf32, #tpu.memory_space<vmem>>)
      %run_scoped3A_416 = arith.constant 1 : i32
      %run_scoped3A_417 = arith.constant 0 : i32
      %run_scoped3A_418 = arith.constant 1 : i32
      "tpu.region"() ({
        %run_scoped3A_538 = tpu.sem_alloc : memref<!tpu.dma_semaphore, #tpu.memory_space<semaphore_mem>>
        %dma_start3A_539 = arith.constant 0 : i32
        %dma_start3A_540 = tpu.memref_slice %arg6[%run_scoped3A_416, %run_scoped3A_417, %run_scoped3A_418, %dma_start3A_539] : memref<2x4x2x100xi32, #tpu.memory_space<vmem>> -> memref<1x1x1x100xi32, #tpu.memory_space<vmem>>
        %dma_start3A_541 = tpu.memref_squeeze %dma_start3A_540 : memref<1x1x1x100xi32, #tpu.memory_space<vmem>> -> memref<100xi32, #tpu.memory_space<vmem>>
        %dma_start3A_542 = arith.constant 0 : i32
        %dma_start3A_543 = arith.constant 0 : i32
        %dma_start3A_544 = tpu.memref_slice %arg9[%dma_start3A_542, %dma_start3A_543] : memref<10240x128xf32, #tpu.memory_space<vmem_shared>> -> memref<10240x128xf32, #tpu.memory_space<vmem_shared>>
        tpu.enqueue_indirect_dma source(%arg7 : memref<100x128xf32, #tpu.memory_space<vmem>>) target(%dma_start3A_544 : memref<10240x128xf32, #tpu.memory_space<vmem_shared>>) offsets(%dma_start3A_541 : memref<100xi32, #tpu.memory_space<vmem>>) semaphore(%run_scoped3A_538 : memref<!tpu.dma_semaphore, #tpu.memory_space<semaphore_mem>>) {add = true}
        %dma_wait3A_545 = arith.constant 0 : i32
        %dma_wait3A_546 = tpu.memref_slice %arg6[%run_scoped3A_416, %run_scoped3A_417, %run_scoped3A_418, %dma_wait3A_545] : memref<2x4x2x100xi32, #tpu.memory_space<vmem>> -> memref<1x1x1x100xi32, #tpu.memory_space<vmem>>
        %dma_wait3A_547 = tpu.memref_squeeze %dma_wait3A_546 : memref<1x1x1x100xi32, #tpu.memory_space<vmem>> -> memref<100xi32, #tpu.memory_space<vmem>>
        %dma_wait3A_548 = arith.constant 0 : i32
        %dma_wait3A_549 = arith.constant 0 : i32
        %dma_wait3A_550 = tpu.memref_slice %arg9[%dma_wait3A_548, %dma_wait3A_549] : memref<10240x128xf32, #tpu.memory_space<vmem_shared>> -> memref<10240x128xf32, #tpu.memory_space<vmem_shared>>
        tpu.wait_indirect_dma semaphore(%run_scoped3A_538 : memref<!tpu.dma_semaphore, #tpu.memory_space<semaphore_mem>>) src(%arg7 : memref<100x128xf32, #tpu.memory_space<vmem>>) dst(%dma_wait3A_550 : memref<10240x128xf32, #tpu.memory_space<vmem_shared>>)
        tpu.yield
      }) : () -> ()
      %dma_start3A_419 = arith.constant 1 : i32
      %dma_start3A_420 = arith.constant 2 : i32
      %dma_start3A_421 = arith.constant 0 : i32
      %dma_start3A_422 = arith.constant 0 : i32
      %dma_start3A_423 = tpu.memref_slice %arg6[%dma_start3A_419, %dma_start3A_420, %dma_start3A_421, %dma_start3A_422] : memref<2x4x2x100xi32, #tpu.memory_space<vmem>> -> memref<1x1x1x100xi32, #tpu.memory_space<vmem>>
      %dma_start3A_424 = tpu.memref_squeeze %dma_start3A_423 : memref<1x1x1x100xi32, #tpu.memory_space<vmem>> -> memref<100xi32, #tpu.memory_space<vmem>>
      %dma_start3A_425 = arith.constant 0 : i32
      %dma_start3A_426 = arith.constant 0 : i32
      %dma_start3A_427 = tpu.memref_slice %arg2[%dma_start3A_425, %dma_start3A_426] : memref<10000x128xf32, #tpu.memory_space<hbm>> -> memref<10000x128xf32, #tpu.memory_space<hbm>>
      tpu.enqueue_indirect_dma source(%dma_start3A_427 : memref<10000x128xf32, #tpu.memory_space<hbm>>) target(%arg7 : memref<100x128xf32, #tpu.memory_space<vmem>>) offsets(%dma_start3A_424 : memref<100xi32, #tpu.memory_space<vmem>>) semaphore(%arg12 : memref<!tpu.dma_semaphore, #tpu.memory_space<semaphore_mem>>)
      %dma_wait3A_428 = arith.constant 0 : i32
      %dma_wait3A_429 = arith.constant 0 : i32
      %dma_wait3A_430 = arith.constant 0 : i32
      %dma_wait3A_431 = arith.constant 0 : i32
      %dma_wait3A_432 = tpu.memref_slice %arg6[%dma_wait3A_428, %dma_wait3A_429, %dma_wait3A_430, %dma_wait3A_431] : memref<2x4x2x100xi32, #tpu.memory_space<vmem>> -> memref<1x1x1x100xi32, #tpu.memory_space<vmem>>
      %dma_wait3A_433 = tpu.memref_squeeze %dma_wait3A_432 : memref<1x1x1x100xi32, #tpu.memory_space<vmem>> -> memref<100xi32, #tpu.memory_space<vmem>>
      %dma_wait3A_434 = arith.constant 0 : i32
      %dma_wait3A_435 = arith.constant 0 : i32
      %dma_wait3A_436 = tpu.memref_slice %arg2[%dma_wait3A_434, %dma_wait3A_435] : memref<10000x128xf32, #tpu.memory_space<hbm>> -> memref<10000x128xf32, #tpu.memory_space<hbm>>
      tpu.wait_indirect_dma semaphore(%arg13 : memref<!tpu.dma_semaphore, #tpu.memory_space<semaphore_mem>>) src(%dma_wait3A_436 : memref<10000x128xf32, #tpu.memory_space<hbm>>) dst(%arg8 : memref<100x128xf32, #tpu.memory_space<vmem>>)
      %run_scoped3A_437 = arith.constant 1 : i32
      %run_scoped3A_438 = arith.constant 1 : i32
      %run_scoped3A_439 = arith.constant 1 : i32
      "tpu.region"() ({
        %run_scoped3A_538 = tpu.sem_alloc : memref<!tpu.dma_semaphore, #tpu.memory_space<semaphore_mem>>
        %dma_start3A_539 = arith.constant 0 : i32
        %dma_start3A_540 = tpu.memref_slice %arg6[%run_scoped3A_437, %run_scoped3A_438, %run_scoped3A_439, %dma_start3A_539] : memref<2x4x2x100xi32, #tpu.memory_space<vmem>> -> memref<1x1x1x100xi32, #tpu.memory_space<vmem>>
        %dma_start3A_541 = tpu.memref_squeeze %dma_start3A_540 : memref<1x1x1x100xi32, #tpu.memory_space<vmem>> -> memref<100xi32, #tpu.memory_space<vmem>>
        %dma_start3A_542 = arith.constant 0 : i32
        %dma_start3A_543 = arith.constant 0 : i32
        %dma_start3A_544 = tpu.memref_slice %arg9[%dma_start3A_542, %dma_start3A_543] : memref<10240x128xf32, #tpu.memory_space<vmem_shared>> -> memref<10240x128xf32, #tpu.memory_space<vmem_shared>>
        tpu.enqueue_indirect_dma source(%arg8 : memref<100x128xf32, #tpu.memory_space<vmem>>) target(%dma_start3A_544 : memref<10240x128xf32, #tpu.memory_space<vmem_shared>>) offsets(%dma_start3A_541 : memref<100xi32, #tpu.memory_space<vmem>>) semaphore(%run_scoped3A_538 : memref<!tpu.dma_semaphore, #tpu.memory_space<semaphore_mem>>) {add = true}
        %dma_wait3A_545 = arith.constant 0 : i32
        %dma_wait3A_546 = tpu.memref_slice %arg6[%run_scoped3A_437, %run_scoped3A_438, %run_scoped3A_439, %dma_wait3A_545] : memref<2x4x2x100xi32, #tpu.memory_space<vmem>> -> memref<1x1x1x100xi32, #tpu.memory_space<vmem>>
        %dma_wait3A_547 = tpu.memref_squeeze %dma_wait3A_546 : memref<1x1x1x100xi32, #tpu.memory_space<vmem>> -> memref<100xi32, #tpu.memory_space<vmem>>
        %dma_wait3A_548 = arith.constant 0 : i32
        %dma_wait3A_549 = arith.constant 0 : i32
        %dma_wait3A_550 = tpu.memref_slice %arg9[%dma_wait3A_548, %dma_wait3A_549] : memref<10240x128xf32, #tpu.memory_space<vmem_shared>> -> memref<10240x128xf32, #tpu.memory_space<vmem_shared>>
        tpu.wait_indirect_dma semaphore(%run_scoped3A_538 : memref<!tpu.dma_semaphore, #tpu.memory_space<semaphore_mem>>) src(%arg8 : memref<100x128xf32, #tpu.memory_space<vmem>>) dst(%dma_wait3A_550 : memref<10240x128xf32, #tpu.memory_space<vmem_shared>>)
        tpu.yield
      }) : () -> ()
      %dma_start3A_440 = arith.constant 1 : i32
      %dma_start3A_441 = arith.constant 3 : i32
      %dma_start3A_442 = arith.constant 0 : i32
      %dma_start3A_443 = arith.constant 0 : i32
      %dma_start3A_444 = tpu.memref_slice %arg6[%dma_start3A_440, %dma_start3A_441, %dma_start3A_442, %dma_start3A_443] : memref<2x4x2x100xi32, #tpu.memory_space<vmem>> -> memref<1x1x1x100xi32, #tpu.memory_space<vmem>>
      %dma_start3A_445 = tpu.memref_squeeze %dma_start3A_444 : memref<1x1x1x100xi32, #tpu.memory_space<vmem>> -> memref<100xi32, #tpu.memory_space<vmem>>
      %dma_start3A_446 = arith.constant 0 : i32
      %dma_start3A_447 = arith.constant 0 : i32
      %dma_start3A_448 = tpu.memref_slice %arg2[%dma_start3A_446, %dma_start3A_447] : memref<10000x128xf32, #tpu.memory_space<hbm>> -> memref<10000x128xf32, #tpu.memory_space<hbm>>
      tpu.enqueue_indirect_dma source(%dma_start3A_448 : memref<10000x128xf32, #tpu.memory_space<hbm>>) target(%arg8 : memref<100x128xf32, #tpu.memory_space<vmem>>) offsets(%dma_start3A_445 : memref<100xi32, #tpu.memory_space<vmem>>) semaphore(%arg13 : memref<!tpu.dma_semaphore, #tpu.memory_space<semaphore_mem>>)
      %dma_wait3A_449 = arith.constant 0 : i32
      %dma_wait3A_450 = arith.constant 0 : i32
      %dma_wait3A_451 = arith.constant 0 : i32
      %dma_wait3A_452 = arith.constant 0 : i32
      %dma_wait3A_453 = tpu.memref_slice %arg6[%dma_wait3A_449, %dma_wait3A_450, %dma_wait3A_451, %dma_wait3A_452] : memref<2x4x2x100xi32, #tpu.memory_space<vmem>> -> memref<1x1x1x100xi32, #tpu.memory_space<vmem>>
      %dma_wait3A_454 = tpu.memref_squeeze %dma_wait3A_453 : memref<1x1x1x100xi32, #tpu.memory_space<vmem>> -> memref<100xi32, #tpu.memory_space<vmem>>
      %dma_wait3A_455 = arith.constant 0 : i32
      %dma_wait3A_456 = arith.constant 0 : i32
      %dma_wait3A_457 = tpu.memref_slice %arg2[%dma_wait3A_455, %dma_wait3A_456] : memref<10000x128xf32, #tpu.memory_space<hbm>> -> memref<10000x128xf32, #tpu.memory_space<hbm>>
      tpu.wait_indirect_dma semaphore(%arg12 : memref<!tpu.dma_semaphore, #tpu.memory_space<semaphore_mem>>) src(%dma_wait3A_457 : memref<10000x128xf32, #tpu.memory_space<hbm>>) dst(%arg7 : memref<100x128xf32, #tpu.memory_space<vmem>>)
      %run_scoped3A_458 = arith.constant 1 : i32
      %run_scoped3A_459 = arith.constant 2 : i32
      %run_scoped3A_460 = arith.constant 1 : i32
      "tpu.region"() ({
        %run_scoped3A_538 = tpu.sem_alloc : memref<!tpu.dma_semaphore, #tpu.memory_space<semaphore_mem>>
        %dma_start3A_539 = arith.constant 0 : i32
        %dma_start3A_540 = tpu.memref_slice %arg6[%run_scoped3A_458, %run_scoped3A_459, %run_scoped3A_460, %dma_start3A_539] : memref<2x4x2x100xi32, #tpu.memory_space<vmem>> -> memref<1x1x1x100xi32, #tpu.memory_space<vmem>>
        %dma_start3A_541 = tpu.memref_squeeze %dma_start3A_540 : memref<1x1x1x100xi32, #tpu.memory_space<vmem>> -> memref<100xi32, #tpu.memory_space<vmem>>
        %dma_start3A_542 = arith.constant 0 : i32
        %dma_start3A_543 = arith.constant 0 : i32
        %dma_start3A_544 = tpu.memref_slice %arg9[%dma_start3A_542, %dma_start3A_543] : memref<10240x128xf32, #tpu.memory_space<vmem_shared>> -> memref<10240x128xf32, #tpu.memory_space<vmem_shared>>
        tpu.enqueue_indirect_dma source(%arg7 : memref<100x128xf32, #tpu.memory_space<vmem>>) target(%dma_start3A_544 : memref<10240x128xf32, #tpu.memory_space<vmem_shared>>) offsets(%dma_start3A_541 : memref<100xi32, #tpu.memory_space<vmem>>) semaphore(%run_scoped3A_538 : memref<!tpu.dma_semaphore, #tpu.memory_space<semaphore_mem>>) {add = true}
        %dma_wait3A_545 = arith.constant 0 : i32
        %dma_wait3A_546 = tpu.memref_slice %arg6[%run_scoped3A_458, %run_scoped3A_459, %run_scoped3A_460, %dma_wait3A_545] : memref<2x4x2x100xi32, #tpu.memory_space<vmem>> -> memref<1x1x1x100xi32, #tpu.memory_space<vmem>>
        %dma_wait3A_547 = tpu.memref_squeeze %dma_wait3A_546 : memref<1x1x1x100xi32, #tpu.memory_space<vmem>> -> memref<100xi32, #tpu.memory_space<vmem>>
        %dma_wait3A_548 = arith.constant 0 : i32
        %dma_wait3A_549 = arith.constant 0 : i32
        %dma_wait3A_550 = tpu.memref_slice %arg9[%dma_wait3A_548, %dma_wait3A_549] : memref<10240x128xf32, #tpu.memory_space<vmem_shared>> -> memref<10240x128xf32, #tpu.memory_space<vmem_shared>>
        tpu.wait_indirect_dma semaphore(%run_scoped3A_538 : memref<!tpu.dma_semaphore, #tpu.memory_space<semaphore_mem>>) src(%arg7 : memref<100x128xf32, #tpu.memory_space<vmem>>) dst(%dma_wait3A_550 : memref<10240x128xf32, #tpu.memory_space<vmem_shared>>)
        tpu.yield
      }) : () -> ()
      %dma_wait3A_461 = arith.constant 0 : i32
      %dma_wait3A_462 = arith.constant 0 : i32
      %dma_wait3A_463 = arith.constant 0 : i32
      %dma_wait3A_464 = arith.constant 0 : i32
      %dma_wait3A_465 = tpu.memref_slice %arg6[%dma_wait3A_461, %dma_wait3A_462, %dma_wait3A_463, %dma_wait3A_464] : memref<2x4x2x100xi32, #tpu.memory_space<vmem>> -> memref<1x4x2x100xi32, #tpu.memory_space<vmem>>
      %dma_wait3A_466 = tpu.memref_squeeze %dma_wait3A_465 : memref<1x4x2x100xi32, #tpu.memory_space<vmem>> -> memref<4x2x100xi32, #tpu.memory_space<vmem>>
      %dma_wait3A_467 = arith.constant 0 : i32
      %dma_wait3A_468 = arith.constant 0 : i32
      %dma_wait3A_469 = arith.constant 0 : i32
      %dma_wait3A_470 = tpu.memref_slice %arg3[%add3A, %dma_wait3A_467, %dma_wait3A_468, %dma_wait3A_469] : memref<32x100x2x100xi32, #tpu.memory_space<hbm>> -> memref<1x4x2x100xi32, #tpu.memory_space<hbm>>
      %dma_wait3A_471 = tpu.memref_squeeze %dma_wait3A_470 : memref<1x4x2x100xi32, #tpu.memory_space<hbm>> -> memref<4x2x100xi32, #tpu.memory_space<hbm>>
      %dma_wait3A_472 = arith.constant 0 : i32
      %dma_wait3A_473 = arith.constant 0 : i32
      %dma_wait3A_474 = arith.constant 0 : i32
      %dma_wait3A_475 = tpu.memref_slice %arg6[%dma_wait3A_461, %dma_wait3A_472, %dma_wait3A_473, %dma_wait3A_474] : memref<2x4x2x100xi32, #tpu.memory_space<vmem>> -> memref<1x4x2x100xi32, #tpu.memory_space<vmem>>
      %dma_wait3A_476 = tpu.memref_squeeze %dma_wait3A_475 : memref<1x4x2x100xi32, #tpu.memory_space<vmem>> -> memref<4x2x100xi32, #tpu.memory_space<vmem>>
      %dma_wait3A_477 = arith.constant 0 : i32
      %dma_wait3A_478 = arith.constant 0 : i32
      %dma_wait3A_479 = arith.constant 0 : i32
      %dma_wait3A_480 = tpu.memref_slice %arg3[%add3A, %dma_wait3A_477, %dma_wait3A_478, %dma_wait3A_479] : memref<32x100x2x100xi32, #tpu.memory_space<hbm>> -> memref<1x4x2x100xi32, #tpu.memory_space<hbm>>
      %dma_wait3A_481 = tpu.memref_squeeze %dma_wait3A_480 : memref<1x4x2x100xi32, #tpu.memory_space<hbm>> -> memref<4x2x100xi32, #tpu.memory_space<hbm>>
      tpu.wait_dma2 semaphore(%arg10 : memref<!tpu.dma_semaphore, #tpu.memory_space<semaphore_mem>>) src(%dma_wait3A_481 : memref<4x2x100xi32, #tpu.memory_space<hbm>>) dst(%dma_wait3A_476 : memref<4x2x100xi32, #tpu.memory_space<vmem>>)
      %dma_start3A_482 = arith.constant 0 : i32
      %dma_start3A_483 = arith.constant 0 : i32
      %dma_start3A_484 = arith.constant 0 : i32
      %dma_start3A_485 = arith.constant 0 : i32
      %dma_start3A_486 = tpu.memref_slice %arg6[%dma_start3A_482, %dma_start3A_483, %dma_start3A_484, %dma_start3A_485] : memref<2x4x2x100xi32, #tpu.memory_space<vmem>> -> memref<1x1x1x100xi32, #tpu.memory_space<vmem>>
      %dma_start3A_487 = tpu.memref_squeeze %dma_start3A_486 : memref<1x1x1x100xi32, #tpu.memory_space<vmem>> -> memref<100xi32, #tpu.memory_space<vmem>>
      %dma_start3A_488 = arith.constant 0 : i32
      %dma_start3A_489 = arith.constant 0 : i32
      %dma_start3A_490 = tpu.memref_slice %arg2[%dma_start3A_488, %dma_start3A_489] : memref<10000x128xf32, #tpu.memory_space<hbm>> -> memref<10000x128xf32, #tpu.memory_space<hbm>>
      tpu.enqueue_indirect_dma source(%dma_start3A_490 : memref<10000x128xf32, #tpu.memory_space<hbm>>) target(%arg7 : memref<100x128xf32, #tpu.memory_space<vmem>>) offsets(%dma_start3A_487 : memref<100xi32, #tpu.memory_space<vmem>>) semaphore(%arg12 : memref<!tpu.dma_semaphore, #tpu.memory_space<semaphore_mem>>)
      %dma_wait3A_491 = arith.constant 0 : i32
      %dma_wait3A_492 = arith.constant 0 : i32
      %dma_wait3A_493 = arith.constant 0 : i32
      %dma_wait3A_494 = arith.constant 0 : i32
      %dma_wait3A_495 = tpu.memref_slice %arg6[%dma_wait3A_491, %dma_wait3A_492, %dma_wait3A_493, %dma_wait3A_494] : memref<2x4x2x100xi32, #tpu.memory_space<vmem>> -> memref<1x1x1x100xi32, #tpu.memory_space<vmem>>
      %dma_wait3A_496 = tpu.memref_squeeze %dma_wait3A_495 : memref<1x1x1x100xi32, #tpu.memory_space<vmem>> -> memref<100xi32, #tpu.memory_space<vmem>>
      %dma_wait3A_497 = arith.constant 0 : i32
      %dma_wait3A_498 = arith.constant 0 : i32
      %dma_wait3A_499 = tpu.memref_slice %arg2[%dma_wait3A_497, %dma_wait3A_498] : memref<10000x128xf32, #tpu.memory_space<hbm>> -> memref<10000x128xf32, #tpu.memory_space<hbm>>
      tpu.wait_indirect_dma semaphore(%arg13 : memref<!tpu.dma_semaphore, #tpu.memory_space<semaphore_mem>>) src(%dma_wait3A_499 : memref<10000x128xf32, #tpu.memory_space<hbm>>) dst(%arg8 : memref<100x128xf32, #tpu.memory_space<vmem>>)
      %run_scoped3A_500 = arith.constant 1 : i32
      %run_scoped3A_501 = arith.constant 3 : i32
      %run_scoped3A_502 = arith.constant 1 : i32
      "tpu.region"() ({
        %run_scoped3A_538 = tpu.sem_alloc : memref<!tpu.dma_semaphore, #tpu.memory_space<semaphore_mem>>
        %dma_start3A_539 = arith.constant 0 : i32
        %dma_start3A_540 = tpu.memref_slice %arg6[%run_scoped3A_500, %run_scoped3A_501, %run_scoped3A_502, %dma_start3A_539] : memref<2x4x2x100xi32, #tpu.memory_space<vmem>> -> memref<1x1x1x100xi32, #tpu.memory_space<vmem>>
        %dma_start3A_541 = tpu.memref_squeeze %dma_start3A_540 : memref<1x1x1x100xi32, #tpu.memory_space<vmem>> -> memref<100xi32, #tpu.memory_space<vmem>>
        %dma_start3A_542 = arith.constant 0 : i32
        %dma_start3A_543 = arith.constant 0 : i32
        %dma_start3A_544 = tpu.memref_slice %arg9[%dma_start3A_542, %dma_start3A_543] : memref<10240x128xf32, #tpu.memory_space<vmem_shared>> -> memref<10240x128xf32, #tpu.memory_space<vmem_shared>>
        tpu.enqueue_indirect_dma source(%arg8 : memref<100x128xf32, #tpu.memory_space<vmem>>) target(%dma_start3A_544 : memref<10240x128xf32, #tpu.memory_space<vmem_shared>>) offsets(%dma_start3A_541 : memref<100xi32, #tpu.memory_space<vmem>>) semaphore(%run_scoped3A_538 : memref<!tpu.dma_semaphore, #tpu.memory_space<semaphore_mem>>) {add = true}
        %dma_wait3A_545 = arith.constant 0 : i32
        %dma_wait3A_546 = tpu.memref_slice %arg6[%run_scoped3A_500, %run_scoped3A_501, %run_scoped3A_502, %dma_wait3A_545] : memref<2x4x2x100xi32, #tpu.memory_space<vmem>> -> memref<1x1x1x100xi32, #tpu.memory_space<vmem>>
        %dma_wait3A_547 = tpu.memref_squeeze %dma_wait3A_546 : memref<1x1x1x100xi32, #tpu.memory_space<vmem>> -> memref<100xi32, #tpu.memory_space<vmem>>
        %dma_wait3A_548 = arith.constant 0 : i32
        %dma_wait3A_549 = arith.constant 0 : i32
        %dma_wait3A_550 = tpu.memref_slice %arg9[%dma_wait3A_548, %dma_wait3A_549] : memref<10240x128xf32, #tpu.memory_space<vmem_shared>> -> memref<10240x128xf32, #tpu.memory_space<vmem_shared>>
        tpu.wait_indirect_dma semaphore(%run_scoped3A_538 : memref<!tpu.dma_semaphore, #tpu.memory_space<semaphore_mem>>) src(%arg8 : memref<100x128xf32, #tpu.memory_space<vmem>>) dst(%dma_wait3A_550 : memref<10240x128xf32, #tpu.memory_space<vmem_shared>>)
        tpu.yield
      }) : () -> ()
      %dma_start3A_503 = arith.constant 0 : i32
      %dma_start3A_504 = arith.constant 1 : i32
      %dma_start3A_505 = arith.constant 0 : i32
      %dma_start3A_506 = arith.constant 0 : i32
      %dma_start3A_507 = tpu.memref_slice %arg6[%dma_start3A_503, %dma_start3A_504, %dma_start3A_505, %dma_start3A_506] : memref<2x4x2x100xi32, #tpu.memory_space<vmem>> -> memref<1x1x1x100xi32, #tpu.memory_space<vmem>>
      %dma_start3A_508 = tpu.memref_squeeze %dma_start3A_507 : memref<1x1x1x100xi32, #tpu.memory_space<vmem>> -> memref<100xi32, #tpu.memory_space<vmem>>
      %dma_start3A_509 = arith.constant 0 : i32
      %dma_start3A_510 = arith.constant 0 : i32
      %dma_start3A_511 = tpu.memref_slice %arg2[%dma_start3A_509, %dma_start3A_510] : memref<10000x128xf32, #tpu.memory_space<hbm>> -> memref<10000x128xf32, #tpu.memory_space<hbm>>
      tpu.enqueue_indirect_dma source(%dma_start3A_511 : memref<10000x128xf32, #tpu.memory_space<hbm>>) target(%arg8 : memref<100x128xf32, #tpu.memory_space<vmem>>) offsets(%dma_start3A_508 : memref<100xi32, #tpu.memory_space<vmem>>) semaphore(%arg13 : memref<!tpu.dma_semaphore, #tpu.memory_space<semaphore_mem>>)
      %add3A_512 = arith.constant 2 : i32
      %add3A_513 = arith.addi %add3A_406, %add3A_512 : i32
      %min3A_514 = arith.constant 24 : i32
      %min3A_515 = arith.minsi %add3A_513, %min3A_514 : i32
      %mul3A_516 = arith.constant 4 : i32
      %mul3A_517 = arith.muli %mul3A_516, %min3A_515 : i32
      %dma_start3A_518 = arith.constant 1 : i32
      %dma_start3A_519 = arith.constant 0 : i32
      %dma_start3A_520 = arith.constant 0 : i32
      %dma_start3A_521 = arith.constant 0 : i32
      %dma_start3A_522 = tpu.memref_slice %arg6[%dma_start3A_518, %dma_start3A_519, %dma_start3A_520, %dma_start3A_521] : memref<2x4x2x100xi32, #tpu.memory_space<vmem>> -> memref<1x4x2x100xi32, #tpu.memory_space<vmem>>
      %dma_start3A_523 = tpu.memref_squeeze %dma_start3A_522 : memref<1x4x2x100xi32, #tpu.memory_space<vmem>> -> memref<4x2x100xi32, #tpu.memory_space<vmem>>
      %dma_start3A_524 = arith.constant 0 : i32
      %dma_start3A_525 = arith.constant 0 : i32
      %dma_start3A_526 = tpu.memref_slice %arg3[%add3A, %mul3A_517, %dma_start3A_524, %dma_start3A_525] : memref<32x100x2x100xi32, #tpu.memory_space<hbm>> -> memref<1x4x2x100xi32, #tpu.memory_space<hbm>>
      %dma_start3A_527 = tpu.memref_squeeze %dma_start3A_526 : memref<1x4x2x100xi32, #tpu.memory_space<hbm>> -> memref<4x2x100xi32, #tpu.memory_space<hbm>>
      %dma_start3A_528 = arith.constant 0 : i32
      %dma_start3A_529 = arith.constant 0 : i32
      %dma_start3A_530 = arith.constant 0 : i32
      %dma_start3A_531 = tpu.memref_slice %arg6[%dma_start3A_518, %dma_start3A_528, %dma_start3A_529, %dma_start3A_530] : memref<2x4x2x100xi32, #tpu.memory_space<vmem>> -> memref<1x4x2x100xi32, #tpu.memory_space<vmem>>
      %dma_start3A_532 = tpu.memref_squeeze %dma_start3A_531 : memref<1x4x2x100xi32, #tpu.memory_space<vmem>> -> memref<4x2x100xi32, #tpu.memory_space<vmem>>
      %dma_start3A_533 = arith.constant 0 : i32
      %dma_start3A_534 = arith.constant 0 : i32
      %dma_start3A_535 = tpu.memref_slice %arg3[%add3A, %mul3A_517, %dma_start3A_533, %dma_start3A_534] : memref<32x100x2x100xi32, #tpu.memory_space<hbm>> -> memref<1x4x2x100xi32, #tpu.memory_space<hbm>>
      %dma_start3A_536 = tpu.memref_squeeze %dma_start3A_535 : memref<1x4x2x100xi32, #tpu.memory_space<hbm>> -> memref<4x2x100xi32, #tpu.memory_space<hbm>>
      tpu.enqueue_dma source(%dma_start3A_536 : memref<4x2x100xi32, #tpu.memory_space<hbm>>) target(%dma_start3A_532 : memref<4x2x100xi32, #tpu.memory_space<vmem>>) target_semaphore(%arg11 : memref<!tpu.dma_semaphore, #tpu.memory_space<semaphore_mem>>)
      %scan3A_537 = arith.constant 0 : i32
      scf.yield %scan3A_537 : i32
    }
    %scan3A_96 = arith.constant 12 : i32
    %dma_wait3A_97 = arith.constant 0 : i32
    %dma_wait3A_98 = arith.constant 0 : i32
    %dma_wait3A_99 = arith.constant 0 : i32
    %dma_wait3A_100 = arith.constant 0 : i32
    %dma_wait3A_101 = tpu.memref_slice %arg6[%dma_wait3A_97, %dma_wait3A_98, %dma_wait3A_99, %dma_wait3A_100] : memref<2x4x2x100xi32, #tpu.memory_space<vmem>> -> memref<1x1x1x100xi32, #tpu.memory_space<vmem>>
    %dma_wait3A_102 = tpu.memref_squeeze %dma_wait3A_101 : memref<1x1x1x100xi32, #tpu.memory_space<vmem>> -> memref<100xi32, #tpu.memory_space<vmem>>
    %dma_wait3A_103 = arith.constant 0 : i32
    %dma_wait3A_104 = arith.constant 0 : i32
    %dma_wait3A_105 = tpu.memref_slice %arg2[%dma_wait3A_103, %dma_wait3A_104] : memref<10000x128xf32, #tpu.memory_space<hbm>> -> memref<10000x128xf32, #tpu.memory_space<hbm>>
    tpu.wait_indirect_dma semaphore(%arg12 : memref<!tpu.dma_semaphore, #tpu.memory_space<semaphore_mem>>) src(%dma_wait3A_105 : memref<10000x128xf32, #tpu.memory_space<hbm>>) dst(%arg7 : memref<100x128xf32, #tpu.memory_space<vmem>>)
    %run_scoped3A = arith.constant 0 : i32
    %run_scoped3A_106 = arith.constant 0 : i32
    %run_scoped3A_107 = arith.constant 1 : i32
    "tpu.region"() ({
      %run_scoped3A_269 = tpu.sem_alloc : memref<!tpu.dma_semaphore, #tpu.memory_space<semaphore_mem>>
      %dma_start3A_270 = arith.constant 0 : i32
      %dma_start3A_271 = tpu.memref_slice %arg6[%run_scoped3A, %run_scoped3A_106, %run_scoped3A_107, %dma_start3A_270] : memref<2x4x2x100xi32, #tpu.memory_space<vmem>> -> memref<1x1x1x100xi32, #tpu.memory_space<vmem>>
      %dma_start3A_272 = tpu.memref_squeeze %dma_start3A_271 : memref<1x1x1x100xi32, #tpu.memory_space<vmem>> -> memref<100xi32, #tpu.memory_space<vmem>>
      %dma_start3A_273 = arith.constant 0 : i32
      %dma_start3A_274 = arith.constant 0 : i32
      %dma_start3A_275 = tpu.memref_slice %arg9[%dma_start3A_273, %dma_start3A_274] : memref<10240x128xf32, #tpu.memory_space<vmem_shared>> -> memref<10240x128xf32, #tpu.memory_space<vmem_shared>>
      tpu.enqueue_indirect_dma source(%arg7 : memref<100x128xf32, #tpu.memory_space<vmem>>) target(%dma_start3A_275 : memref<10240x128xf32, #tpu.memory_space<vmem_shared>>) offsets(%dma_start3A_272 : memref<100xi32, #tpu.memory_space<vmem>>) semaphore(%run_scoped3A_269 : memref<!tpu.dma_semaphore, #tpu.memory_space<semaphore_mem>>) {add = true}
      %dma_wait3A_276 = arith.constant 0 : i32
      %dma_wait3A_277 = tpu.memref_slice %arg6[%run_scoped3A, %run_scoped3A_106, %run_scoped3A_107, %dma_wait3A_276] : memref<2x4x2x100xi32, #tpu.memory_space<vmem>> -> memref<1x1x1x100xi32, #tpu.memory_space<vmem>>
      %dma_wait3A_278 = tpu.memref_squeeze %dma_wait3A_277 : memref<1x1x1x100xi32, #tpu.memory_space<vmem>> -> memref<100xi32, #tpu.memory_space<vmem>>
      %dma_wait3A_279 = arith.constant 0 : i32
      %dma_wait3A_280 = arith.constant 0 : i32
      %dma_wait3A_281 = tpu.memref_slice %arg9[%dma_wait3A_279, %dma_wait3A_280] : memref<10240x128xf32, #tpu.memory_space<vmem_shared>> -> memref<10240x128xf32, #tpu.memory_space<vmem_shared>>
      tpu.wait_indirect_dma semaphore(%run_scoped3A_269 : memref<!tpu.dma_semaphore, #tpu.memory_space<semaphore_mem>>) src(%arg7 : memref<100x128xf32, #tpu.memory_space<vmem>>) dst(%dma_wait3A_281 : memref<10240x128xf32, #tpu.memory_space<vmem_shared>>)
      tpu.yield
    }) : () -> ()
    %dma_start3A_108 = arith.constant 0 : i32
    %dma_start3A_109 = arith.constant 2 : i32
    %dma_start3A_110 = arith.constant 0 : i32
    %dma_start3A_111 = arith.constant 0 : i32
    %dma_start3A_112 = tpu.memref_slice %arg6[%dma_start3A_108, %dma_start3A_109, %dma_start3A_110, %dma_start3A_111] : memref<2x4x2x100xi32, #tpu.memory_space<vmem>> -> memref<1x1x1x100xi32, #tpu.memory_space<vmem>>
    %dma_start3A_113 = tpu.memref_squeeze %dma_start3A_112 : memref<1x1x1x100xi32, #tpu.memory_space<vmem>> -> memref<100xi32, #tpu.memory_space<vmem>>
    %dma_start3A_114 = arith.constant 0 : i32
    %dma_start3A_115 = arith.constant 0 : i32
    %dma_start3A_116 = tpu.memref_slice %arg2[%dma_start3A_114, %dma_start3A_115] : memref<10000x128xf32, #tpu.memory_space<hbm>> -> memref<10000x128xf32, #tpu.memory_space<hbm>>
    tpu.enqueue_indirect_dma source(%dma_start3A_116 : memref<10000x128xf32, #tpu.memory_space<hbm>>) target(%arg7 : memref<100x128xf32, #tpu.memory_space<vmem>>) offsets(%dma_start3A_113 : memref<100xi32, #tpu.memory_space<vmem>>) semaphore(%arg12 : memref<!tpu.dma_semaphore, #tpu.memory_space<semaphore_mem>>)
    %dma_wait3A_117 = arith.constant 0 : i32
    %dma_wait3A_118 = arith.constant 0 : i32
    %dma_wait3A_119 = arith.constant 0 : i32
    %dma_wait3A_120 = arith.constant 0 : i32
    %dma_wait3A_121 = tpu.memref_slice %arg6[%dma_wait3A_117, %dma_wait3A_118, %dma_wait3A_119, %dma_wait3A_120] : memref<2x4x2x100xi32, #tpu.memory_space<vmem>> -> memref<1x1x1x100xi32, #tpu.memory_space<vmem>>
    %dma_wait3A_122 = tpu.memref_squeeze %dma_wait3A_121 : memref<1x1x1x100xi32, #tpu.memory_space<vmem>> -> memref<100xi32, #tpu.memory_space<vmem>>
    %dma_wait3A_123 = arith.constant 0 : i32
    %dma_wait3A_124 = arith.constant 0 : i32
    %dma_wait3A_125 = tpu.memref_slice %arg2[%dma_wait3A_123, %dma_wait3A_124] : memref<10000x128xf32, #tpu.memory_space<hbm>> -> memref<10000x128xf32, #tpu.memory_space<hbm>>
    tpu.wait_indirect_dma semaphore(%arg13 : memref<!tpu.dma_semaphore, #tpu.memory_space<semaphore_mem>>) src(%dma_wait3A_125 : memref<10000x128xf32, #tpu.memory_space<hbm>>) dst(%arg8 : memref<100x128xf32, #tpu.memory_space<vmem>>)
    %run_scoped3A_126 = arith.constant 0 : i32
    %run_scoped3A_127 = arith.constant 1 : i32
    %run_scoped3A_128 = arith.constant 1 : i32
    "tpu.region"() ({
      %run_scoped3A_269 = tpu.sem_alloc : memref<!tpu.dma_semaphore, #tpu.memory_space<semaphore_mem>>
      %dma_start3A_270 = arith.constant 0 : i32
      %dma_start3A_271 = tpu.memref_slice %arg6[%run_scoped3A_126, %run_scoped3A_127, %run_scoped3A_128, %dma_start3A_270] : memref<2x4x2x100xi32, #tpu.memory_space<vmem>> -> memref<1x1x1x100xi32, #tpu.memory_space<vmem>>
      %dma_start3A_272 = tpu.memref_squeeze %dma_start3A_271 : memref<1x1x1x100xi32, #tpu.memory_space<vmem>> -> memref<100xi32, #tpu.memory_space<vmem>>
      %dma_start3A_273 = arith.constant 0 : i32
      %dma_start3A_274 = arith.constant 0 : i32
      %dma_start3A_275 = tpu.memref_slice %arg9[%dma_start3A_273, %dma_start3A_274] : memref<10240x128xf32, #tpu.memory_space<vmem_shared>> -> memref<10240x128xf32, #tpu.memory_space<vmem_shared>>
      tpu.enqueue_indirect_dma source(%arg8 : memref<100x128xf32, #tpu.memory_space<vmem>>) target(%dma_start3A_275 : memref<10240x128xf32, #tpu.memory_space<vmem_shared>>) offsets(%dma_start3A_272 : memref<100xi32, #tpu.memory_space<vmem>>) semaphore(%run_scoped3A_269 : memref<!tpu.dma_semaphore, #tpu.memory_space<semaphore_mem>>) {add = true}
      %dma_wait3A_276 = arith.constant 0 : i32
      %dma_wait3A_277 = tpu.memref_slice %arg6[%run_scoped3A_126, %run_scoped3A_127, %run_scoped3A_128, %dma_wait3A_276] : memref<2x4x2x100xi32, #tpu.memory_space<vmem>> -> memref<1x1x1x100xi32, #tpu.memory_space<vmem>>
      %dma_wait3A_278 = tpu.memref_squeeze %dma_wait3A_277 : memref<1x1x1x100xi32, #tpu.memory_space<vmem>> -> memref<100xi32, #tpu.memory_space<vmem>>
      %dma_wait3A_279 = arith.constant 0 : i32
      %dma_wait3A_280 = arith.constant 0 : i32
      %dma_wait3A_281 = tpu.memref_slice %arg9[%dma_wait3A_279, %dma_wait3A_280] : memref<10240x128xf32, #tpu.memory_space<vmem_shared>> -> memref<10240x128xf32, #tpu.memory_space<vmem_shared>>
      tpu.wait_indirect_dma semaphore(%run_scoped3A_269 : memref<!tpu.dma_semaphore, #tpu.memory_space<semaphore_mem>>) src(%arg8 : memref<100x128xf32, #tpu.memory_space<vmem>>) dst(%dma_wait3A_281 : memref<10240x128xf32, #tpu.memory_space<vmem_shared>>)
      tpu.yield
    }) : () -> ()
    %dma_start3A_129 = arith.constant 0 : i32
    %dma_start3A_130 = arith.constant 3 : i32
    %dma_start3A_131 = arith.constant 0 : i32
    %dma_start3A_132 = arith.constant 0 : i32
    %dma_start3A_133 = tpu.memref_slice %arg6[%dma_start3A_129, %dma_start3A_130, %dma_start3A_131, %dma_start3A_132] : memref<2x4x2x100xi32, #tpu.memory_space<vmem>> -> memref<1x1x1x100xi32, #tpu.memory_space<vmem>>
    %dma_start3A_134 = tpu.memref_squeeze %dma_start3A_133 : memref<1x1x1x100xi32, #tpu.memory_space<vmem>> -> memref<100xi32, #tpu.memory_space<vmem>>
    %dma_start3A_135 = arith.constant 0 : i32
    %dma_start3A_136 = arith.constant 0 : i32
    %dma_start3A_137 = tpu.memref_slice %arg2[%dma_start3A_135, %dma_start3A_136] : memref<10000x128xf32, #tpu.memory_space<hbm>> -> memref<10000x128xf32, #tpu.memory_space<hbm>>
    tpu.enqueue_indirect_dma source(%dma_start3A_137 : memref<10000x128xf32, #tpu.memory_space<hbm>>) target(%arg8 : memref<100x128xf32, #tpu.memory_space<vmem>>) offsets(%dma_start3A_134 : memref<100xi32, #tpu.memory_space<vmem>>) semaphore(%arg13 : memref<!tpu.dma_semaphore, #tpu.memory_space<semaphore_mem>>)
    %dma_wait3A_138 = arith.constant 0 : i32
    %dma_wait3A_139 = arith.constant 0 : i32
    %dma_wait3A_140 = arith.constant 0 : i32
    %dma_wait3A_141 = arith.constant 0 : i32
    %dma_wait3A_142 = tpu.memref_slice %arg6[%dma_wait3A_138, %dma_wait3A_139, %dma_wait3A_140, %dma_wait3A_141] : memref<2x4x2x100xi32, #tpu.memory_space<vmem>> -> memref<1x1x1x100xi32, #tpu.memory_space<vmem>>
    %dma_wait3A_143 = tpu.memref_squeeze %dma_wait3A_142 : memref<1x1x1x100xi32, #tpu.memory_space<vmem>> -> memref<100xi32, #tpu.memory_space<vmem>>
    %dma_wait3A_144 = arith.constant 0 : i32
    %dma_wait3A_145 = arith.constant 0 : i32
    %dma_wait3A_146 = tpu.memref_slice %arg2[%dma_wait3A_144, %dma_wait3A_145] : memref<10000x128xf32, #tpu.memory_space<hbm>> -> memref<10000x128xf32, #tpu.memory_space<hbm>>
    tpu.wait_indirect_dma semaphore(%arg12 : memref<!tpu.dma_semaphore, #tpu.memory_space<semaphore_mem>>) src(%dma_wait3A_146 : memref<10000x128xf32, #tpu.memory_space<hbm>>) dst(%arg7 : memref<100x128xf32, #tpu.memory_space<vmem>>)
    %run_scoped3A_147 = arith.constant 0 : i32
    %run_scoped3A_148 = arith.constant 2 : i32
    %run_scoped3A_149 = arith.constant 1 : i32
    "tpu.region"() ({
      %run_scoped3A_269 = tpu.sem_alloc : memref<!tpu.dma_semaphore, #tpu.memory_space<semaphore_mem>>
      %dma_start3A_270 = arith.constant 0 : i32
      %dma_start3A_271 = tpu.memref_slice %arg6[%run_scoped3A_147, %run_scoped3A_148, %run_scoped3A_149, %dma_start3A_270] : memref<2x4x2x100xi32, #tpu.memory_space<vmem>> -> memref<1x1x1x100xi32, #tpu.memory_space<vmem>>
      %dma_start3A_272 = tpu.memref_squeeze %dma_start3A_271 : memref<1x1x1x100xi32, #tpu.memory_space<vmem>> -> memref<100xi32, #tpu.memory_space<vmem>>
      %dma_start3A_273 = arith.constant 0 : i32
      %dma_start3A_274 = arith.constant 0 : i32
      %dma_start3A_275 = tpu.memref_slice %arg9[%dma_start3A_273, %dma_start3A_274] : memref<10240x128xf32, #tpu.memory_space<vmem_shared>> -> memref<10240x128xf32, #tpu.memory_space<vmem_shared>>
      tpu.enqueue_indirect_dma source(%arg7 : memref<100x128xf32, #tpu.memory_space<vmem>>) target(%dma_start3A_275 : memref<10240x128xf32, #tpu.memory_space<vmem_shared>>) offsets(%dma_start3A_272 : memref<100xi32, #tpu.memory_space<vmem>>) semaphore(%run_scoped3A_269 : memref<!tpu.dma_semaphore, #tpu.memory_space<semaphore_mem>>) {add = true}
      %dma_wait3A_276 = arith.constant 0 : i32
      %dma_wait3A_277 = tpu.memref_slice %arg6[%run_scoped3A_147, %run_scoped3A_148, %run_scoped3A_149, %dma_wait3A_276] : memref<2x4x2x100xi32, #tpu.memory_space<vmem>> -> memref<1x1x1x100xi32, #tpu.memory_space<vmem>>
      %dma_wait3A_278 = tpu.memref_squeeze %dma_wait3A_277 : memref<1x1x1x100xi32, #tpu.memory_space<vmem>> -> memref<100xi32, #tpu.memory_space<vmem>>
      %dma_wait3A_279 = arith.constant 0 : i32
      %dma_wait3A_280 = arith.constant 0 : i32
      %dma_wait3A_281 = tpu.memref_slice %arg9[%dma_wait3A_279, %dma_wait3A_280] : memref<10240x128xf32, #tpu.memory_space<vmem_shared>> -> memref<10240x128xf32, #tpu.memory_space<vmem_shared>>
      tpu.wait_indirect_dma semaphore(%run_scoped3A_269 : memref<!tpu.dma_semaphore, #tpu.memory_space<semaphore_mem>>) src(%arg7 : memref<100x128xf32, #tpu.memory_space<vmem>>) dst(%dma_wait3A_281 : memref<10240x128xf32, #tpu.memory_space<vmem_shared>>)
      tpu.yield
    }) : () -> ()
    %dma_wait3A_150 = arith.constant 1 : i32
    %dma_wait3A_151 = arith.constant 0 : i32
    %dma_wait3A_152 = arith.constant 0 : i32
    %dma_wait3A_153 = arith.constant 0 : i32
    %dma_wait3A_154 = tpu.memref_slice %arg6[%dma_wait3A_150, %dma_wait3A_151, %dma_wait3A_152, %dma_wait3A_153] : memref<2x4x2x100xi32, #tpu.memory_space<vmem>> -> memref<1x4x2x100xi32, #tpu.memory_space<vmem>>
    %dma_wait3A_155 = tpu.memref_squeeze %dma_wait3A_154 : memref<1x4x2x100xi32, #tpu.memory_space<vmem>> -> memref<4x2x100xi32, #tpu.memory_space<vmem>>
    %dma_wait3A_156 = arith.constant 0 : i32
    %dma_wait3A_157 = arith.constant 0 : i32
    %dma_wait3A_158 = arith.constant 0 : i32
    %dma_wait3A_159 = tpu.memref_slice %arg3[%add3A, %dma_wait3A_156, %dma_wait3A_157, %dma_wait3A_158] : memref<32x100x2x100xi32, #tpu.memory_space<hbm>> -> memref<1x4x2x100xi32, #tpu.memory_space<hbm>>
    %dma_wait3A_160 = tpu.memref_squeeze %dma_wait3A_159 : memref<1x4x2x100xi32, #tpu.memory_space<hbm>> -> memref<4x2x100xi32, #tpu.memory_space<hbm>>
    %dma_wait3A_161 = arith.constant 0 : i32
    %dma_wait3A_162 = arith.constant 0 : i32
    %dma_wait3A_163 = arith.constant 0 : i32
    %dma_wait3A_164 = tpu.memref_slice %arg6[%dma_wait3A_150, %dma_wait3A_161, %dma_wait3A_162, %dma_wait3A_163] : memref<2x4x2x100xi32, #tpu.memory_space<vmem>> -> memref<1x4x2x100xi32, #tpu.memory_space<vmem>>
    %dma_wait3A_165 = tpu.memref_squeeze %dma_wait3A_164 : memref<1x4x2x100xi32, #tpu.memory_space<vmem>> -> memref<4x2x100xi32, #tpu.memory_space<vmem>>
    %dma_wait3A_166 = arith.constant 0 : i32
    %dma_wait3A_167 = arith.constant 0 : i32
    %dma_wait3A_168 = arith.constant 0 : i32
    %dma_wait3A_169 = tpu.memref_slice %arg3[%add3A, %dma_wait3A_166, %dma_wait3A_167, %dma_wait3A_168] : memref<32x100x2x100xi32, #tpu.memory_space<hbm>> -> memref<1x4x2x100xi32, #tpu.memory_space<hbm>>
    %dma_wait3A_170 = tpu.memref_squeeze %dma_wait3A_169 : memref<1x4x2x100xi32, #tpu.memory_space<hbm>> -> memref<4x2x100xi32, #tpu.memory_space<hbm>>
    tpu.wait_dma2 semaphore(%arg11 : memref<!tpu.dma_semaphore, #tpu.memory_space<semaphore_mem>>) src(%dma_wait3A_170 : memref<4x2x100xi32, #tpu.memory_space<hbm>>) dst(%dma_wait3A_165 : memref<4x2x100xi32, #tpu.memory_space<vmem>>)
    %dma_start3A_171 = arith.constant 1 : i32
    %dma_start3A_172 = arith.constant 0 : i32
    %dma_start3A_173 = arith.constant 0 : i32
    %dma_start3A_174 = arith.constant 0 : i32
    %dma_start3A_175 = tpu.memref_slice %arg6[%dma_start3A_171, %dma_start3A_172, %dma_start3A_173, %dma_start3A_174] : memref<2x4x2x100xi32, #tpu.memory_space<vmem>> -> memref<1x1x1x100xi32, #tpu.memory_space<vmem>>
    %dma_start3A_176 = tpu.memref_squeeze %dma_start3A_175 : memref<1x1x1x100xi32, #tpu.memory_space<vmem>> -> memref<100xi32, #tpu.memory_space<vmem>>
    %dma_start3A_177 = arith.constant 0 : i32
    %dma_start3A_178 = arith.constant 0 : i32
    %dma_start3A_179 = tpu.memref_slice %arg2[%dma_start3A_177, %dma_start3A_178] : memref<10000x128xf32, #tpu.memory_space<hbm>> -> memref<10000x128xf32, #tpu.memory_space<hbm>>
    tpu.enqueue_indirect_dma source(%dma_start3A_179 : memref<10000x128xf32, #tpu.memory_space<hbm>>) target(%arg7 : memref<100x128xf32, #tpu.memory_space<vmem>>) offsets(%dma_start3A_176 : memref<100xi32, #tpu.memory_space<vmem>>) semaphore(%arg12 : memref<!tpu.dma_semaphore, #tpu.memory_space<semaphore_mem>>)
    %dma_wait3A_180 = arith.constant 0 : i32
    %dma_wait3A_181 = arith.constant 0 : i32
    %dma_wait3A_182 = arith.constant 0 : i32
    %dma_wait3A_183 = arith.constant 0 : i32
    %dma_wait3A_184 = tpu.memref_slice %arg6[%dma_wait3A_180, %dma_wait3A_181, %dma_wait3A_182, %dma_wait3A_183] : memref<2x4x2x100xi32, #tpu.memory_space<vmem>> -> memref<1x1x1x100xi32, #tpu.memory_space<vmem>>
    %dma_wait3A_185 = tpu.memref_squeeze %dma_wait3A_184 : memref<1x1x1x100xi32, #tpu.memory_space<vmem>> -> memref<100xi32, #tpu.memory_space<vmem>>
    %dma_wait3A_186 = arith.constant 0 : i32
    %dma_wait3A_187 = arith.constant 0 : i32
    %dma_wait3A_188 = tpu.memref_slice %arg2[%dma_wait3A_186, %dma_wait3A_187] : memref<10000x128xf32, #tpu.memory_space<hbm>> -> memref<10000x128xf32, #tpu.memory_space<hbm>>
    tpu.wait_indirect_dma semaphore(%arg13 : memref<!tpu.dma_semaphore, #tpu.memory_space<semaphore_mem>>) src(%dma_wait3A_188 : memref<10000x128xf32, #tpu.memory_space<hbm>>) dst(%arg8 : memref<100x128xf32, #tpu.memory_space<vmem>>)
    %run_scoped3A_189 = arith.constant 0 : i32
    %run_scoped3A_190 = arith.constant 3 : i32
    %run_scoped3A_191 = arith.constant 1 : i32
    "tpu.region"() ({
      %run_scoped3A_269 = tpu.sem_alloc : memref<!tpu.dma_semaphore, #tpu.memory_space<semaphore_mem>>
      %dma_start3A_270 = arith.constant 0 : i32
      %dma_start3A_271 = tpu.memref_slice %arg6[%run_scoped3A_189, %run_scoped3A_190, %run_scoped3A_191, %dma_start3A_270] : memref<2x4x2x100xi32, #tpu.memory_space<vmem>> -> memref<1x1x1x100xi32, #tpu.memory_space<vmem>>
      %dma_start3A_272 = tpu.memref_squeeze %dma_start3A_271 : memref<1x1x1x100xi32, #tpu.memory_space<vmem>> -> memref<100xi32, #tpu.memory_space<vmem>>
      %dma_start3A_273 = arith.constant 0 : i32
      %dma_start3A_274 = arith.constant 0 : i32
      %dma_start3A_275 = tpu.memref_slice %arg9[%dma_start3A_273, %dma_start3A_274] : memref<10240x128xf32, #tpu.memory_space<vmem_shared>> -> memref<10240x128xf32, #tpu.memory_space<vmem_shared>>
      tpu.enqueue_indirect_dma source(%arg8 : memref<100x128xf32, #tpu.memory_space<vmem>>) target(%dma_start3A_275 : memref<10240x128xf32, #tpu.memory_space<vmem_shared>>) offsets(%dma_start3A_272 : memref<100xi32, #tpu.memory_space<vmem>>) semaphore(%run_scoped3A_269 : memref<!tpu.dma_semaphore, #tpu.memory_space<semaphore_mem>>) {add = true}
      %dma_wait3A_276 = arith.constant 0 : i32
      %dma_wait3A_277 = tpu.memref_slice %arg6[%run_scoped3A_189, %run_scoped3A_190, %run_scoped3A_191, %dma_wait3A_276] : memref<2x4x2x100xi32, #tpu.memory_space<vmem>> -> memref<1x1x1x100xi32, #tpu.memory_space<vmem>>
      %dma_wait3A_278 = tpu.memref_squeeze %dma_wait3A_277 : memref<1x1x1x100xi32, #tpu.memory_space<vmem>> -> memref<100xi32, #tpu.memory_space<vmem>>
      %dma_wait3A_279 = arith.constant 0 : i32
      %dma_wait3A_280 = arith.constant 0 : i32
      %dma_wait3A_281 = tpu.memref_slice %arg9[%dma_wait3A_279, %dma_wait3A_280] : memref<10240x128xf32, #tpu.memory_space<vmem_shared>> -> memref<10240x128xf32, #tpu.memory_space<vmem_shared>>
      tpu.wait_indirect_dma semaphore(%run_scoped3A_269 : memref<!tpu.dma_semaphore, #tpu.memory_space<semaphore_mem>>) src(%arg8 : memref<100x128xf32, #tpu.memory_space<vmem>>) dst(%dma_wait3A_281 : memref<10240x128xf32, #tpu.memory_space<vmem_shared>>)
      tpu.yield
    }) : () -> ()
    %dma_start3A_192 = arith.constant 1 : i32
    %dma_start3A_193 = arith.constant 1 : i32
    %dma_start3A_194 = arith.constant 0 : i32
    %dma_start3A_195 = arith.constant 0 : i32
    %dma_start3A_196 = tpu.memref_slice %arg6[%dma_start3A_192, %dma_start3A_193, %dma_start3A_194, %dma_start3A_195] : memref<2x4x2x100xi32, #tpu.memory_space<vmem>> -> memref<1x1x1x100xi32, #tpu.memory_space<vmem>>
    %dma_start3A_197 = tpu.memref_squeeze %dma_start3A_196 : memref<1x1x1x100xi32, #tpu.memory_space<vmem>> -> memref<100xi32, #tpu.memory_space<vmem>>
    %dma_start3A_198 = arith.constant 0 : i32
    %dma_start3A_199 = arith.constant 0 : i32
    %dma_start3A_200 = tpu.memref_slice %arg2[%dma_start3A_198, %dma_start3A_199] : memref<10000x128xf32, #tpu.memory_space<hbm>> -> memref<10000x128xf32, #tpu.memory_space<hbm>>
    tpu.enqueue_indirect_dma source(%dma_start3A_200 : memref<10000x128xf32, #tpu.memory_space<hbm>>) target(%arg8 : memref<100x128xf32, #tpu.memory_space<vmem>>) offsets(%dma_start3A_197 : memref<100xi32, #tpu.memory_space<vmem>>) semaphore(%arg13 : memref<!tpu.dma_semaphore, #tpu.memory_space<semaphore_mem>>)
    %min3A_201 = arith.constant 26 : i32
    %min3A_202 = arith.constant 24 : i32
    %min3A_203 = arith.minsi %min3A_201, %min3A_202 : i32
    %mul3A_204 = arith.constant 4 : i32
    %mul3A_205 = arith.muli %mul3A_204, %min3A_203 : i32
    %dma_start3A_206 = arith.constant 0 : i32
    %dma_start3A_207 = arith.constant 0 : i32
    %dma_start3A_208 = arith.constant 0 : i32
    %dma_start3A_209 = arith.constant 0 : i32
    %dma_start3A_210 = tpu.memref_slice %arg6[%dma_start3A_206, %dma_start3A_207, %dma_start3A_208, %dma_start3A_209] : memref<2x4x2x100xi32, #tpu.memory_space<vmem>> -> memref<1x4x2x100xi32, #tpu.memory_space<vmem>>
    %dma_start3A_211 = tpu.memref_squeeze %dma_start3A_210 : memref<1x4x2x100xi32, #tpu.memory_space<vmem>> -> memref<4x2x100xi32, #tpu.memory_space<vmem>>
    %dma_start3A_212 = arith.constant 0 : i32
    %dma_start3A_213 = arith.constant 0 : i32
    %dma_start3A_214 = tpu.memref_slice %arg3[%add3A, %mul3A_205, %dma_start3A_212, %dma_start3A_213] : memref<32x100x2x100xi32, #tpu.memory_space<hbm>> -> memref<1x4x2x100xi32, #tpu.memory_space<hbm>>
    %dma_start3A_215 = tpu.memref_squeeze %dma_start3A_214 : memref<1x4x2x100xi32, #tpu.memory_space<hbm>> -> memref<4x2x100xi32, #tpu.memory_space<hbm>>
    %dma_start3A_216 = arith.constant 0 : i32
    %dma_start3A_217 = arith.constant 0 : i32
    %dma_start3A_218 = arith.constant 0 : i32
    %dma_start3A_219 = tpu.memref_slice %arg6[%dma_start3A_206, %dma_start3A_216, %dma_start3A_217, %dma_start3A_218] : memref<2x4x2x100xi32, #tpu.memory_space<vmem>> -> memref<1x4x2x100xi32, #tpu.memory_space<vmem>>
    %dma_start3A_220 = tpu.memref_squeeze %dma_start3A_219 : memref<1x4x2x100xi32, #tpu.memory_space<vmem>> -> memref<4x2x100xi32, #tpu.memory_space<vmem>>
    %dma_start3A_221 = arith.constant 0 : i32
    %dma_start3A_222 = arith.constant 0 : i32
    %dma_start3A_223 = tpu.memref_slice %arg3[%add3A, %mul3A_205, %dma_start3A_221, %dma_start3A_222] : memref<32x100x2x100xi32, #tpu.memory_space<hbm>> -> memref<1x4x2x100xi32, #tpu.memory_space<hbm>>
    %dma_start3A_224 = tpu.memref_squeeze %dma_start3A_223 : memref<1x4x2x100xi32, #tpu.memory_space<hbm>> -> memref<4x2x100xi32, #tpu.memory_space<hbm>>
    tpu.enqueue_dma source(%dma_start3A_224 : memref<4x2x100xi32, #tpu.memory_space<hbm>>) target(%dma_start3A_220 : memref<4x2x100xi32, #tpu.memory_space<vmem>>) target_semaphore(%arg10 : memref<!tpu.dma_semaphore, #tpu.memory_space<semaphore_mem>>)
    %dma_wait3A_225 = arith.constant 0 : i32
    %dma_wait3A_226 = arith.constant 0 : i32
    %dma_wait3A_227 = arith.constant 0 : i32
    %dma_wait3A_228 = arith.constant 0 : i32
    %dma_wait3A_229 = tpu.memref_slice %arg6[%dma_wait3A_225, %dma_wait3A_226, %dma_wait3A_227, %dma_wait3A_228] : memref<2x4x2x100xi32, #tpu.memory_space<vmem>> -> memref<1x1x1x100xi32, #tpu.memory_space<vmem>>
    %dma_wait3A_230 = tpu.memref_squeeze %dma_wait3A_229 : memref<1x1x1x100xi32, #tpu.memory_space<vmem>> -> memref<100xi32, #tpu.memory_space<vmem>>
    %dma_wait3A_231 = arith.constant 0 : i32
    %dma_wait3A_232 = arith.constant 0 : i32
    %dma_wait3A_233 = tpu.memref_slice %arg2[%dma_wait3A_231, %dma_wait3A_232] : memref<10000x128xf32, #tpu.memory_space<hbm>> -> memref<10000x128xf32, #tpu.memory_space<hbm>>
    tpu.wait_indirect_dma semaphore(%arg12 : memref<!tpu.dma_semaphore, #tpu.memory_space<semaphore_mem>>) src(%dma_wait3A_233 : memref<10000x128xf32, #tpu.memory_space<hbm>>) dst(%arg7 : memref<100x128xf32, #tpu.memory_space<vmem>>)
    %dma_wait3A_234 = arith.constant 0 : i32
    %dma_wait3A_235 = arith.constant 0 : i32
    %dma_wait3A_236 = arith.constant 0 : i32
    %dma_wait3A_237 = arith.constant 0 : i32
    %dma_wait3A_238 = tpu.memref_slice %arg6[%dma_wait3A_234, %dma_wait3A_235, %dma_wait3A_236, %dma_wait3A_237] : memref<2x4x2x100xi32, #tpu.memory_space<vmem>> -> memref<1x1x1x100xi32, #tpu.memory_space<vmem>>
    %dma_wait3A_239 = tpu.memref_squeeze %dma_wait3A_238 : memref<1x1x1x100xi32, #tpu.memory_space<vmem>> -> memref<100xi32, #tpu.memory_space<vmem>>
    %dma_wait3A_240 = arith.constant 0 : i32
    %dma_wait3A_241 = arith.constant 0 : i32
    %dma_wait3A_242 = tpu.memref_slice %arg2[%dma_wait3A_240, %dma_wait3A_241] : memref<10000x128xf32, #tpu.memory_space<hbm>> -> memref<10000x128xf32, #tpu.memory_space<hbm>>
    tpu.wait_indirect_dma semaphore(%arg13 : memref<!tpu.dma_semaphore, #tpu.memory_space<semaphore_mem>>) src(%dma_wait3A_242 : memref<10000x128xf32, #tpu.memory_space<hbm>>) dst(%arg8 : memref<100x128xf32, #tpu.memory_space<vmem>>)
    %dma_wait3A_243 = arith.constant 0 : i32
    %dma_wait3A_244 = arith.constant 0 : i32
    %dma_wait3A_245 = arith.constant 0 : i32
    %dma_wait3A_246 = arith.constant 0 : i32
    %dma_wait3A_247 = tpu.memref_slice %arg6[%dma_wait3A_243, %dma_wait3A_244, %dma_wait3A_245, %dma_wait3A_246] : memref<2x4x2x100xi32, #tpu.memory_space<vmem>> -> memref<1x4x2x100xi32, #tpu.memory_space<vmem>>
    %dma_wait3A_248 = tpu.memref_squeeze %dma_wait3A_247 : memref<1x4x2x100xi32, #tpu.memory_space<vmem>> -> memref<4x2x100xi32, #tpu.memory_space<vmem>>
    %dma_wait3A_249 = arith.constant 0 : i32
    %dma_wait3A_250 = arith.constant 0 : i32
    %dma_wait3A_251 = arith.constant 0 : i32
    %dma_wait3A_252 = tpu.memref_slice %arg3[%add3A, %dma_wait3A_249, %dma_wait3A_250, %dma_wait3A_251] : memref<32x100x2x100xi32, #tpu.memory_space<hbm>> -> memref<1x4x2x100xi32, #tpu.memory_space<hbm>>
    %dma_wait3A_253 = tpu.memref_squeeze %dma_wait3A_252 : memref<1x4x2x100xi32, #tpu.memory_space<hbm>> -> memref<4x2x100xi32, #tpu.memory_space<hbm>>
    %dma_wait3A_254 = arith.constant 0 : i32
    %dma_wait3A_255 = arith.constant 0 : i32
    %dma_wait3A_256 = arith.constant 0 : i32
    %dma_wait3A_257 = tpu.memref_slice %arg6[%dma_wait3A_243, %dma_wait3A_254, %dma_wait3A_255, %dma_wait3A_256] : memref<2x4x2x100xi32, #tpu.memory_space<vmem>> -> memref<1x4x2x100xi32, #tpu.memory_space<vmem>>
    %dma_wait3A_258 = tpu.memref_squeeze %dma_wait3A_257 : memref<1x4x2x100xi32, #tpu.memory_space<vmem>> -> memref<4x2x100xi32, #tpu.memory_space<vmem>>
    %dma_wait3A_259 = arith.constant 0 : i32
    %dma_wait3A_260 = arith.constant 0 : i32
    %dma_wait3A_261 = arith.constant 0 : i32
    %dma_wait3A_262 = tpu.memref_slice %arg3[%add3A, %dma_wait3A_259, %dma_wait3A_260, %dma_wait3A_261] : memref<32x100x2x100xi32, #tpu.memory_space<hbm>> -> memref<1x4x2x100xi32, #tpu.memory_space<hbm>>
    %dma_wait3A_263 = tpu.memref_squeeze %dma_wait3A_262 : memref<1x4x2x100xi32, #tpu.memory_space<hbm>> -> memref<4x2x100xi32, #tpu.memory_space<hbm>>
    tpu.wait_dma2 semaphore(%arg10 : memref<!tpu.dma_semaphore, #tpu.memory_space<semaphore_mem>>) src(%dma_wait3A_263 : memref<4x2x100xi32, #tpu.memory_space<hbm>>) dst(%dma_wait3A_258 : memref<4x2x100xi32, #tpu.memory_space<vmem>>)
    %barrier3A_264 = arith.constant 0 : index
    tpu.barrier barrier_id(%barrier3A_264)
    %mul3A_265 = arith.constant 640 : i32
    %mul3A_266 = arith.muli %arg1, %mul3A_265 : i32
    %mul3A_267 = arith.constant 640 : i32
    %mul3A_268 = arith.muli %arg1, %mul3A_267 : i32
    "tpu.region"() ({
      %run_scoped3A_269 = tpu.sem_alloc : memref<!tpu.dma_semaphore, #tpu.memory_space<semaphore_mem>>
      %dma_start3A_270 = arith.constant 0 : i32
      %dma_start3A_271 = tpu.memref_slice %arg5[%arg0, %mul3A_268, %dma_start3A_270] : memref<2x10240x128xf32, #tpu.memory_space<hbm>> -> memref<1x640x128xf32, #tpu.memory_space<hbm>>
      %dma_start3A_272 = tpu.memref_squeeze %dma_start3A_271 : memref<1x640x128xf32, #tpu.memory_space<hbm>> -> memref<640x128xf32, #tpu.memory_space<hbm>>
      %dma_start3A_273 = arith.constant 0 : i32
      %dma_start3A_274 = tpu.memref_slice %arg9[%mul3A_266, %dma_start3A_273] : memref<10240x128xf32, #tpu.memory_space<vmem_shared>> -> memref<640x128xf32, #tpu.memory_space<vmem_shared>>
      tpu.enqueue_dma source(%dma_start3A_274 : memref<640x128xf32, #tpu.memory_space<vmem_shared>>) target(%dma_start3A_272 : memref<640x128xf32, #tpu.memory_space<hbm>>) target_semaphore(%run_scoped3A_269 : memref<!tpu.dma_semaphore, #tpu.memory_space<semaphore_mem>>)
      %dma_wait3A_275 = arith.constant 0 : i32
      %dma_wait3A_276 = tpu.memref_slice %arg5[%arg0, %mul3A_268, %dma_wait3A_275] : memref<2x10240x128xf32, #tpu.memory_space<hbm>> -> memref<1x640x128xf32, #tpu.memory_space<hbm>>
      %dma_wait3A_277 = tpu.memref_squeeze %dma_wait3A_276 : memref<1x640x128xf32, #tpu.memory_space<hbm>> -> memref<640x128xf32, #tpu.memory_space<hbm>>
      %dma_wait3A_278 = arith.constant 0 : i32
      %dma_wait3A_279 = tpu.memref_slice %arg9[%mul3A_266, %dma_wait3A_278] : memref<10240x128xf32, #tpu.memory_space<vmem_shared>> -> memref<640x128xf32, #tpu.memory_space<vmem_shared>>
      tpu.wait_dma2 semaphore(%run_scoped3A_269 : memref<!tpu.dma_semaphore, #tpu.memory_space<semaphore_mem>>) src(%dma_wait3A_279 : memref<640x128xf32, #tpu.memory_space<vmem_shared>>) dst(%dma_wait3A_277 : memref<640x128xf32, #tpu.memory_space<hbm>>)
      tpu.yield
    }) : () -> ()
    return
  }
}

module attributes {stable_mosaic.version = 14 : i64} {
  func.func @_mm_relu_body(%arg0: i32, %arg1: memref<1000x128xf32, #tpu.memory_space<vmem>>, %arg2: memref<2x1000x128xf32, #tpu.memory_space<vmem>>, %arg3: memref<128x128xf32, #tpu.memory_space<vmem>>, %arg4: memref<1x128xf32, #tpu.memory_space<vmem>>, %arg5: memref<1000x128xf32, #tpu.memory_space<vmem>>) attributes {dimension_semantics = [#tpu.dimension_semantics<arbitrary>], iteration_bounds = array<i64: 10>, scalar_prefetch = 0 : i64, scratch_operands = 0 : i64, tpu.core_type = #tpu.core_type<tc>, window_params = [{transform_indices = @transform_0, window_bounds = array<i64: 1000, 128>}, {transform_indices = @transform_1, window_bounds = array<i64: 2, 1000, 128>}, {pipeline_mode = #tpu.pipeline_mode<synchronous>, transform_indices = @transform_2, window_bounds = array<i64: 128, 128>}, {pipeline_mode = #tpu.pipeline_mode<synchronous>, transform_indices = @transform_3, window_bounds = array<i64: 1, 128>}, {transform_indices = @transform_4, window_bounds = array<i64: 1000, 128>}]} {
    %get3A = arith.constant 0 : index
    %get3A_0 = arith.constant 0 : index
    %get3A_1 = vector.load %arg1[%get3A, %get3A_0] : memref<1000x128xf32, #tpu.memory_space<vmem>>, vector<1000x128xf32>
    %get3A_2 = arith.constant 0 : index
    %get3A_3 = arith.constant 0 : index
    %get3A_4 = arith.constant 0 : index
    %get3A_5 = vector.load %arg2[%get3A_2, %get3A_3, %get3A_4] : memref<2x1000x128xf32, #tpu.memory_space<vmem>>, vector<1x1000x128xf32>
    %get3A_6 = vector.shape_cast %get3A_5 : vector<1x1000x128xf32> to vector<1000x128xf32>
    %add3A = arith.addf %get3A_1, %get3A_6 : vector<1000x128xf32>
    %get3A_7 = arith.constant 1 : index
    %get3A_8 = arith.constant 0 : index
    %get3A_9 = arith.constant 0 : index
    %get3A_10 = vector.load %arg2[%get3A_7, %get3A_8, %get3A_9] : memref<2x1000x128xf32, #tpu.memory_space<vmem>>, vector<1x1000x128xf32>
    %get3A_11 = vector.shape_cast %get3A_10 : vector<1x1000x128xf32> to vector<1000x128xf32>
    %add3A_12 = arith.addf %add3A, %get3A_11 : vector<1000x128xf32>
    %get3A_13 = arith.constant 0 : index
    %get3A_14 = arith.constant 0 : index
    %get3A_15 = vector.load %arg3[%get3A_13, %get3A_14] : memref<128x128xf32, #tpu.memory_space<vmem>>, vector<128x128xf32>
    %dot_general3A = arith.constant dense<0.000000e+00> : vector<1000x128xf32>
    %dot_general3A_16 = tpu.matmul %add3A_12, %get3A_15, %dot_general3A {dimension_numbers = #tpu.dot_dimension_numbers<[1], [0], [0], [1], [0, 0, 1, 1], [], []>, transpose_lhs_hint = false} : vector<1000x128xf32>, vector<128x128xf32>, vector<1000x128xf32> -> vector<1000x128xf32>
    %get3A_17 = arith.constant 0 : index
    %get3A_18 = arith.constant 0 : index
    %get3A_19 = vector.load %arg4[%get3A_17, %get3A_18] : memref<1x128xf32, #tpu.memory_space<vmem>>, vector<1x128xf32>
    %add3A_20 = vector.broadcast %get3A_19 : vector<1x128xf32> to vector<1000x128xf32>
    %add3A_21 = arith.addf %dot_general3A_16, %add3A_20 : vector<1000x128xf32>
    %max3A = arith.constant 0.000000e+00 : f32
    %max3A_22 = vector.broadcast %max3A : f32 to vector<1000x128xf32>
    %max3A_23 = arith.maximumf %add3A_21, %max3A_22 : vector<1000x128xf32>
    %swap3A = arith.constant 0 : index
    %swap3A_24 = arith.constant 0 : index
    %swap3A_25 = vector.load %arg5[%swap3A, %swap3A_24] : memref<1000x128xf32, #tpu.memory_space<vmem>>, vector<1000x128xf32>
    tpu.vector_store %arg5[%swap3A, %swap3A_24], %max3A_23 {strides = array<i32>} : memref<1000x128xf32, #tpu.memory_space<vmem>>, vector<1000x128xf32>,
    return
  }
  func.func @transform_0(%arg0: i32) -> (i32, i32) {
    %c0_i32 = arith.constant 0 : i32
    %c0_i32_0 = arith.constant 0 : i32
    return %arg0, %c0_i32 : i32, i32
  }
  func.func @transform_1(%arg0: i32) -> (i32, i32, i32) {
    %c0_i32 = arith.constant 0 : i32
    %c0_i32_0 = arith.constant 0 : i32
    %c0_i32_1 = arith.constant 0 : i32
    return %c0_i32, %arg0, %c0_i32_0 : i32, i32, i32
  }
  func.func @transform_2(%arg0: i32) -> (i32, i32) {
    %c0_i32 = arith.constant 0 : i32
    %c0_i32_0 = arith.constant 0 : i32
    %c0_i32_1 = arith.constant 0 : i32
    return %c0_i32, %c0_i32_0 : i32, i32
  }
  func.func @transform_3(%arg0: i32) -> (i32, i32) {
    %c0_i32 = arith.constant 0 : i32
    %c0_i32_0 = arith.constant 0 : i32
    %c0_i32_1 = arith.constant 0 : i32
    return %c0_i32, %c0_i32_0 : i32, i32
  }
  func.func @transform_4(%arg0: i32) -> (i32, i32) {
    %c0_i32 = arith.constant 0 : i32
    %c0_i32_0 = arith.constant 0 : i32
    return %arg0, %c0_i32 : i32, i32
  }
}

module attributes {stable_mosaic.version = 14 : i64} {
  func.func @_mm_lsm_body(%arg0: i32, %arg1: memref<1000x128xf32, #tpu.memory_space<vmem>>, %arg2: memref<2x1000x128xf32, #tpu.memory_space<vmem>>, %arg3: memref<128x128xf32, #tpu.memory_space<vmem>>, %arg4: memref<1x128xf32, #tpu.memory_space<vmem>>, %arg5: memref<1000x128xf32, #tpu.memory_space<vmem>>) attributes {dimension_semantics = [#tpu.dimension_semantics<arbitrary>], iteration_bounds = array<i64: 10>, scalar_prefetch = 0 : i64, scratch_operands = 0 : i64, tpu.core_type = #tpu.core_type<tc>, window_params = [{transform_indices = @transform_0, window_bounds = array<i64: 1000, 128>}, {transform_indices = @transform_1, window_bounds = array<i64: 2, 1000, 128>}, {pipeline_mode = #tpu.pipeline_mode<synchronous>, transform_indices = @transform_2, window_bounds = array<i64: 128, 128>}, {pipeline_mode = #tpu.pipeline_mode<synchronous>, transform_indices = @transform_3, window_bounds = array<i64: 1, 128>}, {transform_indices = @transform_4, window_bounds = array<i64: 1000, 128>}]} {
    %get3A = arith.constant 0 : index
    %get3A_0 = arith.constant 0 : index
    %get3A_1 = vector.load %arg1[%get3A, %get3A_0] : memref<1000x128xf32, #tpu.memory_space<vmem>>, vector<1000x128xf32>
    %get3A_2 = arith.constant 0 : index
    %get3A_3 = arith.constant 0 : index
    %get3A_4 = arith.constant 0 : index
    %get3A_5 = vector.load %arg2[%get3A_2, %get3A_3, %get3A_4] : memref<2x1000x128xf32, #tpu.memory_space<vmem>>, vector<1x1000x128xf32>
    %get3A_6 = vector.shape_cast %get3A_5 : vector<1x1000x128xf32> to vector<1000x128xf32>
    %add3A = arith.addf %get3A_1, %get3A_6 : vector<1000x128xf32>
    %get3A_7 = arith.constant 1 : index
    %get3A_8 = arith.constant 0 : index
    %get3A_9 = arith.constant 0 : index
    %get3A_10 = vector.load %arg2[%get3A_7, %get3A_8, %get3A_9] : memref<2x1000x128xf32, #tpu.memory_space<vmem>>, vector<1x1000x128xf32>
    %get3A_11 = vector.shape_cast %get3A_10 : vector<1x1000x128xf32> to vector<1000x128xf32>
    %add3A_12 = arith.addf %add3A, %get3A_11 : vector<1000x128xf32>
    %get3A_13 = arith.constant 0 : index
    %get3A_14 = arith.constant 0 : index
    %get3A_15 = vector.load %arg3[%get3A_13, %get3A_14] : memref<128x128xf32, #tpu.memory_space<vmem>>, vector<128x128xf32>
    %dot_general3A = arith.constant dense<0.000000e+00> : vector<1000x128xf32>
    %dot_general3A_16 = tpu.matmul %add3A_12, %get3A_15, %dot_general3A {dimension_numbers = #tpu.dot_dimension_numbers<[1], [0], [0], [1], [0, 0, 1, 1], [], []>, transpose_lhs_hint = false} : vector<1000x128xf32>, vector<128x128xf32>, vector<1000x128xf32> -> vector<1000x128xf32>
    %get3A_17 = arith.constant 0 : index
    %get3A_18 = arith.constant 0 : index
    %get3A_19 = vector.load %arg4[%get3A_17, %get3A_18] : memref<1x128xf32, #tpu.memory_space<vmem>>, vector<1x128xf32>
    %add3A_20 = vector.broadcast %get3A_19 : vector<1x128xf32> to vector<1000x128xf32>
    %add3A_21 = arith.addf %dot_general3A_16, %add3A_20 : vector<1000x128xf32>
    %reduce_max3A = arith.constant dense<0xFF800000> : vector<1000xf32>
    %reduce_max3A_22 = vector.multi_reduction <maximumf>, %add3A_21, %reduce_max3A [1] : vector<1000x128xf32> to vector<1000xf32>
    %broadcast_in_dim3A = vector.shape_cast %reduce_max3A_22 : vector<1000xf32> to vector<1000x1xf32>
    %sub3A = vector.broadcast %broadcast_in_dim3A : vector<1000x1xf32> to vector<1000x128xf32>
    %sub3A_23 = arith.subf %add3A_21, %sub3A : vector<1000x128xf32>
    %exp3A = math.exp %sub3A_23 : vector<1000x128xf32>
    %reduce_sum3A = arith.constant dense<0.000000e+00> : vector<1000xf32>
    %reduce_sum3A_24 = vector.multi_reduction <add>, %exp3A, %reduce_sum3A [1] : vector<1000x128xf32> to vector<1000xf32>
    %broadcast_in_dim3A_25 = vector.shape_cast %reduce_sum3A_24 : vector<1000xf32> to vector<1000x1xf32>
    %log3A = math.log %broadcast_in_dim3A_25 : vector<1000x1xf32>
    %add3A_26 = arith.addf %log3A, %broadcast_in_dim3A : vector<1000x1xf32>
    %sub3A_27 = vector.broadcast %add3A_26 : vector<1000x1xf32> to vector<1000x128xf32>
    %sub3A_28 = arith.subf %add3A_21, %sub3A_27 : vector<1000x128xf32>
    %swap3A = arith.constant 0 : index
    %swap3A_29 = arith.constant 0 : index
    %swap3A_30 = vector.load %arg5[%swap3A, %swap3A_29] : memref<1000x128xf32, #tpu.memory_space<vmem>>, vector<1000x128xf32>
    tpu.vector_store %arg5[%swap3A, %swap3A_29], %sub3A_28 {strides = array<i32>} : memref<1000x128xf32, #tpu.memory_space<vmem>>, vector<1000x128xf32>,
    return
  }
  func.func @transform_0(%arg0: i32) -> (i32, i32) {
    %c0_i32 = arith.constant 0 : i32
    %c0_i32_0 = arith.constant 0 : i32
    return %arg0, %c0_i32 : i32, i32
  }
  func.func @transform_1(%arg0: i32) -> (i32, i32, i32) {
    %c0_i32 = arith.constant 0 : i32
    %c0_i32_0 = arith.constant 0 : i32
    %c0_i32_1 = arith.constant 0 : i32
    return %c0_i32, %arg0, %c0_i32_0 : i32, i32, i32
  }
  func.func @transform_2(%arg0: i32) -> (i32, i32) {
    %c0_i32 = arith.constant 0 : i32
    %c0_i32_0 = arith.constant 0 : i32
    %c0_i32_1 = arith.constant 0 : i32
    return %c0_i32, %c0_i32_0 : i32, i32
  }
  func.func @transform_3(%arg0: i32) -> (i32, i32) {
    %c0_i32 = arith.constant 0 : i32
    %c0_i32_0 = arith.constant 0 : i32
    %c0_i32_1 = arith.constant 0 : i32
    return %c0_i32, %c0_i32_0 : i32, i32
  }
  func.func @transform_4(%arg0: i32) -> (i32, i32) {
    %c0_i32 = arith.constant 0 : i32
    %c0_i32_0 = arith.constant 0 : i32
    return %arg0, %c0_i32 : i32, i32
  }
}

</mosaic_0001>

<sc_bundles>
// kernel: kernel.6.cloned.1.call-start
scs
__scs_entry_jumppad:
0x0: {  	(pc) =	sbr.rel $0x88, $3  }
0x1: {  	(tag) =	ssettag $0x0;
	lr =	simm.s32 $0x1  }
0x2: {  	[smem:$0x3F9B] =	sst lr;
	_ =	strace $0xD0000000  }
0x3: {  	_ = 	snop  }
0x4: {  	_ = 	snop  }
0x5: {  	_ = 	snop  }
0x6: {  	_ = 	snop  }
0x7: {  	_ = 	snop  }
__scs_overlays_trampoline_lowered:
0x8: {  	[smem:$0x3FAA] =	sst s0  }
0x9: {  	[smem:$0x3FAB] =	sst s1  }
0xa: {  	[smem:$0x3FAC] =	sst s2  }
0xb: {  	[smem:$0x3FAD] =	sst s3  }
0xc: {  	[smem:$0x3FAE] =	sst s4  }
0xd: {  	[smem:$0x3FAF] =	sst s5  }
0xe: {  	[smem:$0x3FB0] =	sst s6  }
0xf: {  	[smem:$0x3FB1] =	sst s7  }
0x10: {  	[smem:$0x3FB2] =	sst s8  }
0x11: {  	[smem:$0x3FB3] =	sst s9;
	s0 =	simm.s32 @!p0 $0x0  }
0x12: {  	s1 =	sld [smem:$0x3F99];
	s0 =	simm.s32 @p0 $0x1  }
0x13: {  	[smem:$0x3FB4] =	sst s0;
	s0 =	simm.s32 @!p1 $0x0  }
0x14: {  	s2 =	sld [smem:$0x3F98];
	s0 =	simm.s32 @p1 $0x1  }
0x15: {  	[smem:$0x3FB5] =	sst s0;
	s0 =	simm.s32 @!p2 $0x0  }
0x16: {  	s3 =	sld [smem:$0x3FDB];
	s0 =	simm.s32 @p2 $0x1  }
0x17: {  	s4 =	simm.s32 $0x1BF5;
	[smem:$0x3FB7] =	sst s0  }
0x18: {  	s0 =	sld [smem:$0x3F9A];
	_ =	swait.ge [sflag:s4], $0x0  }
0x19: {  	s7 =	sld [smem:$0x3F9B]  }
0x1a: {  	s8 =	sadd.s32 $0xFFFFE003, lr  }
0x1b: {  	s9 =	sadd.s32 $0xFFFFFEF7, lr;
	s5 =	simm.s32 $0xFFFFFFFF;
	p2 =	slt.u32 s8, $0xFFFFF086  }
0x1c: {  	p1 =	slt.u32 s9, $0xF7A;
	s5 =	simm.s32 @!p2 $0x0  }
0x1d: {  	s5 =	simm.s32 @p1 $0x1;
	p0 =	seq.s32 s7, s2  }
0x1e: {  	s7 =	smul.u32 @!p0 $0xF7A, s2;
	p2 =	seq.s32 @!p0 s5, $0x0  }
0x1f: {  	s9 =	smul.u32 $0xF7A, s1;
	s8 =	simm.s32 @!p0 $0x1BF5;
	p2 =	por !p2, p0  }
0x20: {  	[sflag:s8] =	ssyncset.s32 @!p0 $0xFFFFF086;
	s6 =	sadd.s32 @!p0 s3, s7;
	s7 =	simm.s32 @!p0 $0x108  }
0x21: {  	s3 =	sadd.s32 s3, s9;
	s6 =	sadd.s32 @!p0 $0x88, s6;
	s7 =	simm.s32 @p2 $0x1082  }
0x22: {  	[simem:s7], [sflag:s8] =	dma.local @!p0 [hbm:s6], $0xF7A  }
0x23: {  	s9 =	sor.u32 $0xD0000000, s2;
	s6 =	simm.s32 $0x108;
	_ =	swait.ge @!p0 [sflag:s8], $0x0  }
0x24: {  	s3 =	sadd.s32 $0x88, s3;
	s6 =	simm.s32 @!p1 $0x1082;
	[sflag:s4] =	ssyncset.s32 $0xFFFFF086  }
0x25: {  	[simem:s6], [sflag:s4] =	dma.local [hbm:s3], $0xF7A  }
0x26: {  	[smem:$0x3F9B] =	sst s1;
	(tag) =	ssettag s2;
	_ =	strace s9  }
0x27: {  	s1 =	sld [smem:$0x3FAB]  }
0x28: {  	s2 =	sld [smem:$0x3FAC]  }
0x29: {  	s4 =	sld [smem:$0x3FAE]  }
0x2a: {  	p0 =	seq.s32 s5, $0x0;
	s5 =	sld [smem:$0x3FAF]  }
0x2b: {  	s6 =	sld [smem:$0x3FB0]  }
0x2c: {  	s7 =	sld [smem:$0x3FB1]  }
0x2d: {  	s3 =	simm.s32 $0x108;
	s8 =	sld [smem:$0x3FB2]  }
0x2e: {  	s3 =	simm.s32 @!p0 $0x1082;
	s9 =	sld [smem:$0x3FB3]  }
0x2f: {  	lr =	sadd.s32 s0, s3;
	s0 =	sld [smem:$0x3FAA]  }
0x30: {  	s3 =	sld [smem:$0x3FAD]  }
0x31: {  	[smem:$0x3FB6] =	sst s10  }
0x32: {  	s10 =	sld [smem:$0x3FB4];
	_ =	sdelay $0x3  }
0x33: {  	p0 =	seq.s32 s10, $0x1;
	s10 =	sld [smem:$0x3FB6];
	_ =	sdelay $0x3  }
0x34: {  	[smem:$0x3FB6] =	sst s10  }
0x35: {  	s10 =	sld [smem:$0x3FB5];
	_ =	sdelay $0x3  }
0x36: {  	p1 =	seq.s32 s10, $0x1;
	s10 =	sld [smem:$0x3FB6];
	_ =	sdelay $0x3  }
0x37: {  	[smem:$0x3FB6] =	sst s10  }
0x38: {  	s10 =	sld [smem:$0x3FB7]  }
0x39: {  	_ = 	snop;
	(pc) =	sbr.ind lr, $3  }
0x3a: {  	_ = 	snop  }
0x3b: {  	_ = 	snop  }
0x3c: {  	p2 =	seq.s32 s10, $0x1;
	s10 =	sld [smem:$0x3FB6]  }
0x3d: {  	_ =	shalt  }
0x3e: {  	_ =	shalt  }
0x3f: {  	_ =	shalt  }
0x40: {  	_ =	shalt  }
0x41: {  	_ =	shalt  }
0x42: {  	_ =	shalt  }
0x43: {  	_ =	shalt  }
0x44: {  	_ =	shalt  }
0x45: {  	_ =	shalt  }
0x46: {  	_ =	shalt  }
0x47: {  	_ =	shalt  }
0x48: {  	_ =	shalt  }
0x49: {  	_ =	shalt  }
0x4a: {  	_ =	shalt  }
0x4b: {  	_ =	shalt  }
0x4c: {  	_ =	shalt  }
0x4d: {  	_ =	shalt  }
0x4e: {  	_ =	shalt  }
0x4f: {  	_ =	shalt  }
0x50: {  	_ =	shalt  }
0x51: {  	_ =	shalt  }
0x52: {  	_ =	shalt  }
0x53: {  	_ =	shalt  }
0x54: {  	_ =	shalt  }
0x55: {  	_ =	shalt  }
0x56: {  	_ =	shalt  }
0x57: {  	_ =	shalt  }
0x58: {  	_ =	shalt  }
0x59: {  	_ =	shalt  }
0x5a: {  	_ =	shalt  }
0x5b: {  	_ =	shalt  }
0x5c: {  	_ =	shalt  }
0x5d: {  	_ =	shalt  }
0x5e: {  	_ =	shalt  }
0x5f: {  	_ =	shalt  }
0x60: {  	_ =	shalt  }
0x61: {  	_ =	shalt  }
0x62: {  	_ =	shalt  }
0x63: {  	_ =	shalt  }
0x64: {  	_ =	shalt  }
0x65: {  	_ =	shalt  }
0x66: {  	_ =	shalt  }
0x67: {  	_ =	shalt  }
0x68: {  	_ =	shalt  }
0x69: {  	_ =	shalt  }
0x6a: {  	_ =	shalt  }
0x6b: {  	_ =	shalt  }
0x6c: {  	_ =	shalt  }
0x6d: {  	_ =	shalt  }
0x6e: {  	_ =	shalt  }
0x6f: {  	_ =	shalt  }
0x70: {  	_ =	shalt  }
0x71: {  	_ =	shalt  }
0x72: {  	_ =	shalt  }
0x73: {  	_ =	shalt  }
0x74: {  	_ =	shalt  }
0x75: {  	_ =	shalt  }
0x76: {  	_ =	shalt  }
0x77: {  	_ =	shalt  }
0x78: {  	_ =	shalt  }
0x79: {  	_ =	shalt  }
0x7a: {  	_ =	shalt  }
0x7b: {  	_ =	shalt  }
0x7c: {  	_ =	shalt  }
0x7d: {  	_ =	shalt  }
0x7e: {  	_ =	shalt  }
0x7f: {  	_ =	shalt  }
0x80: {  	_ =	shalt  }
0x81: {  	_ =	shalt  }
0x82: {  	_ =	shalt  }
0x83: {  	_ =	shalt  }
0x84: {  	_ =	shalt  }
0x85: {  	_ =	shalt  }
0x86: {  	_ =	shalt  }
0x87: {  	_ =	shalt  }
.Lfunc_end0:
.L_simem_size_0:
called_computation_lowered:
.L_overlay_start_0:
0x88: {  	s2 =	sld [smem:$0x3FD9]  }
0x89: {  	s3 =	sld [smem:$0x3FFE];
	_ =	sdelay $0x1  }
0x8a: {  	s1 =	srdreg.scid  }
0x8b: {  	s0 =	sand.u32 $0x1, s1  }
0x8c: {  	s17 =	sshll.u32 s0, $0xA;
	s2 =	sadd.s32 s3, s2  }
0x8d: {  	s2 =	sadd.s32 s2, s17  }
0x8e: {  	[smem:$0x3FC2] =	sst s2  }
0x8f: {  	_ = 	snop  }
0x90: {  	s2 =	sld [smem:$0x3FC9];
	(tm) =	ssettm $0x1  }
0x91: {  	s18 =	sld [smem:$0x3FFB];
	_ =	sdelay $0x3  }
0x92: {  	_ =	strace s18  }
0x93: {  	s3 =	sld [smem:$0x3FFC];
	_ =	sdelay $0x3  }
0x94: {  	_ =	strace s3  }
0x95: {  	s3 =	sld [smem:$0x3FFD];
	_ =	sdelay $0x3  }
0x96: {  	_ =	strace s3  }
0x97: {  	_ =	strace $0x8FFFFFFF  }
0x98: {  	s19 =	sld [smem:$0x3FDB];
	_ =	sdelay $0x1  }
0x99: {  	s4 =	simm.s32 $_scs_section_size  }
0x9a: {  	s5 =	simm.s32 $_size__tile_overlayer_lowered;
	s6 =	simm.s32 $_tile_overlayer_lowered  }
0x9b: {  	s22 =	simm.s32 $0x1BFF;
	s21 =	sshll.u32 s6, $0x1;
	s3 =	sadd.s32 s4, s19  }
0x9c: {  	s7 =	simm.s32 $0x0;
	s20 =	sshll.u32 s5, $0x1;
	s5 =	sadd.s32 s21, s3  }
0x9d: {  	[timem:s7], [sflag:s22] =	dma.local [hbm:s5], s20  }
0x9e: {  	_ =	swait.ge [sflag:s22], s20  }
0x9f: {  	s4 =	ssub.s32 $0x0, s20;
	[sflag:s22] =	ssyncset.done $0x0  }
0xa0: {  	[sflag:s22] =	ssyncadd.s32 s4;
	_ =	sdelay $0x1  }
0xa1: {  	s23 =	simm.s32 $0x1B8B  }
0xa2: {  	_ =	swait.ge [sflag:s23], $0x1  }
0xa3: {  	[sflag:s23] =	ssyncset.done $0x0  }
0xa4: {  	s25 =	simm.s32 $0x1B8E;
	s24 =	sld [smem:$0x3FFE];
	[sflag:s23] =	ssyncadd.s32 $0xFFFFFFFF  }
0xa5: {  	s26 =	simm.s32 $execute0_lowered;
	[smem:$0x3FD2] =	sst s25  }
0xa6: {  	s5 =	sshll.u32 s26, $0x1;
	_ =	strace $0x80000046;
	[dreg:$0x1] =	wrdreg $0xFFFFFFFF  }
0xa7: {  	s28 =	simm.s32 $_size_execute0_lowered;
	s3 =	sadd.s32 s3, s5;
	[dreg:$0x0] =	wrdreg $0x0  }
0xa8: {  	s5 =	sshll.u32 s28, $0x1;
	[dreg:$0x2] =	wrdreg s3  }
0xa9: {  	[dreg:$0x3] =	wrdreg s5  }
0xaa: {  	[dreg:$0x4] =	wrdreg $0xC0  }
0xab: {  	_ =	task [dreg:s7], $0x5FFFF  }
0xac: {  	[dreg:$0x1] =	wrdreg $0xFFFFFFFF  }
0xad: {  	[dreg:$0x0] =	wrdreg $0x60  }
0xae: {  	[dreg:$0x2] =	wrdreg s2  }
0xaf: {  	[dreg:$0x3] =	wrdreg s24  }
0xb0: {  	[dreg:$0x4] =	wrdreg $0x70000  }
0xb1: {  	[dreg:$0x5] =	wrdreg $0x9  }
0xb2: {  	_ =	task.clear_ibuf [dreg:s7], $0x6FFFF;
	_ =	strace $0x90000046  }
0xb3: {  	s29 =	simm.s32 $0x9;
	_ =	strace $0x80000048  }
0xb4: {  	_ =	swait.ge [sflag:s29], $0x1  }
0xb5: {  	[sflag:s29] =	ssyncadd.s32 $0xFFFFFFFF  }
0xb6: {  	_ =	strace $0x90000048  }
0xb7: {  	_ =	sfence  }
0xb8: {  	s30 =	sld [smem:$0x0];
	_ =	sdelay $0x2  }
0xb9: {  	s31 =	sshll.u32 s1, $0xD;
	s1 =	sshrl.u32 s1, $0x2  }
0xba: {  	s3 =	sand.u32 $0x4000, s31;
	s1 =	sadd.s32 s1, s30  }
0xbb: {  	s0 =	sor.u32 s3, s0;
	s1 =	sshll.u32 s1, $0x11  }
0xbc: {  	s0 =	sor.u32 s1, s0  }
0xbd: {  	s0 =	sadd.s32 $0x8F2B, s0  }
0xbe: {  	[sflag:s0] =	ssyncadd.remote.s32 $0x1  }
0xbf: {  	_ =	sfence.sel $0xFFFF  }
0xc0: {  	[dreg:$0x0] =	wrdreg $0xFFFFFFFF;
	(pc) =	sbr.abs _section_cstart, $3  }
0xc1: {  	[dreg:$0x1] =	wrdreg $0xFFFFFFFF  }
0xc2: {  	_ =	task.clear_ibuf [dreg:s7], $0x2FFFF;
	_ =	strace $0x9FFFFFFF  }
0xc3: {  	(tm) =	ssettm $0x7FFFFFFF  }
tec
execute0_lowered:
.L_overlay_start_1:
0x0: {  	(tag) =	ssettag $0x1  }
0x1: {  	s1 =	rddreg [dreg:$0x0]  }
0x2: {  	s0 =	rddreg [dreg:$0x1]  }
0x3: {  	s2 =	rddreg [dreg:$0x2];
	s3 =	srdreg.scid;
	s4 =	simm.s32 $0x0  }
0x4: {  	s11 =	stileid.u32;
	s21 =	simm.s32 $0x480;
	s22 =	simm.s32 $0x600  }
0x5: {  	s23 =	simm.s32 $0x580;
	s24 =	simm.s32 $0x700;
	s25 =	simm.s32 $0x680  }
0x6: {  	s26 =	simm.s32 $0x780;
	s28 =	simm.s32 $0x4;
	s29 =	simm.s32 $0x180  }
0x7: {  	s30 =	simm.s32 $0x300;
	[smem:$0x7FF] =	sst s4;
	s8 =	sadd.s32 $0x1A800, s0  }
0x8: {  	s31 =	simm.s32 $0x280;
	_ =	strace $0x80000047;
	[dreg:$0xb] =	wrdreg s8  }
0x9: {  	s3 =	sand.u32 $0x1, s3;
	s7 =	smul.u32 $0x14000, s11;
	[dreg:$0x5] =	wrdreg s21  }
0xa: {  	s5 =	sadd.s32 $0x1800, s0;
	s14 =	smul.u32 $0x50000, s11;
	[dreg:$0x6] =	wrdreg s22  }
0xb: {  	s13 =	sshll.u32 s11, $0x1;
	s6 =	smul.u32 $0x140000, s3;
	[dreg:$0x7] =	wrdreg s23  }
0xc: {  	s15 =	ssub.s32 $0x2, s3;
	s21 =	simm.s32 $0x3C00;
	[dreg:$0x8] =	wrdreg s24  }
0xd: {  	s22 =	simm.s32 $0x5;
	s23 =	simm.s32 $0x3;
	[dreg:$0x9] =	wrdreg s25  }
0xe: {  	s24 =	simm.s32 $0x80;
	[dreg:$0xa] =	wrdreg s26;
	s25 =	simm.s32 $0x6  }
0xf: {  	s26 =	simm.s32 $0x200;
	s9 =	sshrl.u32 s15, $0x1;
	s8 =	sshrl.u32 s14, $0x2  }
0x10: {  	s6 =	sadd.s32 s7, s6;
	s7 =	sor.u32 s3, s13;
	s3 =	smul.u32 $0x6400, s3  }
0x11: {  	s8 =	sadd.s32 s8, s2;
	s6 =	sshrl.u32 s6, $0x3;
	s10 =	smul.u32 $0x6400, s7  }
0x12: {  	s7 =	sshll.u32 s11, $0x6;
	s11 =	smul.u32 $0xC800, s11;
	s0 =	sadd.s32 s6, s0  }
0x13: {  	s6 =	ssub.s32 s15, s9;
	s16 =	sor.u32 $0x1C05, s7;
	s15 =	sshrl.u32 s8, $0x3  }
0x14: {  	s8 =	simm.s32 $0x0;
	[dreg:$0xc] =	wrdreg s16;
	s17 =	sshrl.u32 s10, $0x3  }
0x15: {  	s10 =	sadd.s32 $0xC00, s10;
	s0 =	sadd.s32 $0x1D000, s0;
	s19 =	smax.u32 s6, $0x1  }
0x16: {  	s20 =	sadd.s32 s3, s11;
	s16 =	simm.s32 $0x400;
	[dreg:$0x4] =	wrdreg s10  }
0x17: {  	s3 =	simm.s32 $0x380;
	s6 =	simm.s32 $0x500;
	[dreg:$0xf] =	wrdreg s0  }
0x18: {  	s9 =	sadd.s32 s5, s17;
	[dreg:$0x10] =	wrdreg s19;
	s11 =	sadd.s32 $0x800, s20  }
0x19: {  	s17 =	simm.s32 $0x1;
	s19 =	simm.s32 $0x800;
	s12 =	sadd.s32 $0x80, s9  }
0x1a: {  	s20 =	simm.s32 $0x100;
	s18 =	sadd.s32 $0xC00, s9;
	[dreg:$0xd] =	wrdreg s12  }
0x1b: {  	s0 =	simm.s32 $0x2;
	[dreg:$0xe] =	wrdreg s18;
	s18 =	simm.s32 $0x64  }
.LBB2_1:
0x1c: {  	s10 =	rddreg [dreg:$0xb]  }
0x1d: {  	s12 =	rddreg [dreg:$0xc]  }
0x1e: {  	[spmem:s15], [sflag:s12] =	dma.local [hbm:s10], $0x2800  }
0x1f: {  	[tilespmem:s4], [sflag:$0x1] =	stream.linear.gather [hbm4b:s9+s4], $0x400, $0x38;
	[tilespmem:$0x1B000] =	vst v63  }
0x20: {  	s10 =	rddreg [dreg:$0xd]  }
0x21: {  	[tilespmem:s16], [sflag:$0x2] =	stream.linear.gather [hbm4b:s10+s4], $0x400, $0x38;
	[tilespmem:$0x1B000] =	vst v63  }
0x22: {  	_ =	swait.ge [sflag:s17], $0x400  }
0x23: {  	[sflag:s17] =	ssyncset.done $0x0  }
0x24: {  	[sflag:s17] =	ssyncadd.s32 $0xFFFFFC00  }
0x25: {  	[tilespmem:s19], [sflag:$0x3] =	stream.indirect.gather [hbm4b:s1+s18], $0x80, s4, s18, $0xb8;
	[tilespmem:$0x1B000] =	vst v63  }
0x26: {  	_ = 	snop  }
0x27: {  	[tilespmem:s21], [sflag:$0x4] =	stream.indirect.gather [hbm4b:s1+s18], $0x80, s20, s18, $0xb8;
	[tilespmem:$0x1B000] =	vst v63  }
0x28: {  	_ =	swait.ge [sflag:s22], $0x2800  }
0x29: {  	[sflag:s22] =	ssyncset.done $0x0  }
0x2a: {  	[sflag:s22] =	ssyncadd.s32 $0xFFFFD800  }
0x2b: {  	[bflag:$0x0] =	sbarrier.arrive $0xFFFF  }
0x2c: {  	_ =	swait.ge [sflag:s23], $0x3200  }
0x2d: {  	[sflag:s23] =	ssyncset.done $0x0  }
0x2e: {  	[sflag:s23] =	ssyncadd.s32 $0xFFFFCE00  }
0x2f: {  	[spmem:s2] =	stream.indirect.scatter.add.f32 [tilespmem:s19], [sflag:$0x6], $0x80, s24, s18, $0xb8;
	[tilespmem:$0x1B000] =	vst v63  }
0x30: {  	_ =	swait.ge [sflag:s25], $0x3200  }
0x31: {  	[sflag:s25] =	ssyncset.done $0x0  }
0x32: {  	[sflag:s25] =	ssyncadd.s32 $0xFFFFCE00  }
0x33: {  	[tilespmem:s19], [sflag:$0x3] =	stream.indirect.gather [hbm4b:s1+s18], $0x80, s26, s18, $0xb8;
	[tilespmem:$0x1B000] =	vst v63  }
0x34: {  	_ =	swait.ge [sflag:s28], $0x3200  }
0x35: {  	[sflag:s28] =	ssyncset.done $0x0  }
0x36: {  	[sflag:s28] =	ssyncadd.s32 $0xFFFFCE00  }
0x37: {  	[spmem:s2] =	stream.indirect.scatter.add.f32 [tilespmem:s21], [sflag:$0x6], $0x80, s29, s18, $0xb8;
	[tilespmem:$0x1B000] =	vst v63  }
0x38: {  	_ =	swait.ge [sflag:s25], $0x3200  }
0x39: {  	[sflag:s25] =	ssyncset.done $0x0  }
0x3a: {  	[sflag:s25] =	ssyncadd.s32 $0xFFFFCE00  }
0x3b: {  	[tilespmem:s21], [sflag:$0x4] =	stream.indirect.gather [hbm4b:s1+s18], $0x80, s30, s18, $0xb8;
	[tilespmem:$0x1B000] =	vst v63  }
0x3c: {  	_ =	swait.ge [sflag:s23], $0x3200  }
0x3d: {  	[sflag:s23] =	ssyncset.done $0x0  }
0x3e: {  	[sflag:s23] =	ssyncadd.s32 $0xFFFFCE00  }
0x3f: {  	[spmem:s2] =	stream.indirect.scatter.add.f32 [tilespmem:s19], [sflag:$0x6], $0x80, s31, s18, $0xb8;
	[tilespmem:$0x1B000] =	vst v63  }
0x40: {  	_ =	swait.ge [sflag:s25], $0x3200  }
0x41: {  	[sflag:s25] =	ssyncset.done $0x0  }
0x42: {  	[sflag:s25] =	ssyncadd.s32 $0xFFFFCE00  }
0x43: {  	_ =	swait.ge [sflag:s0], $0x400  }
0x44: {  	[sflag:s0] =	ssyncset.done $0x0  }
0x45: {  	[sflag:s0] =	ssyncadd.s32 $0xFFFFFC00  }
0x46: {  	[tilespmem:s19], [sflag:$0x3] =	stream.indirect.gather [hbm4b:s1+s18], $0x80, s16, s18, $0xb8;
	[tilespmem:$0x1B000] =	vst v63  }
0x47: {  	_ =	swait.ge [sflag:s28], $0x3200  }
0x48: {  	[sflag:s28] =	ssyncset.done $0x0  }
0x49: {  	[sflag:s28] =	ssyncadd.s32 $0xFFFFCE00  }
0x4a: {  	[spmem:s2] =	stream.indirect.scatter.add.f32 [tilespmem:s21], [sflag:$0x6], $0x80, s3, s18, $0xb8;
	[tilespmem:$0x1B000] =	vst v63  }
0x4b: {  	_ =	swait.ge [sflag:s25], $0x3200  }
0x4c: {  	[sflag:s25] =	ssyncset.done $0x0  }
0x4d: {  	s12 =	sshrl.u32 s11, $0x3;
	[sflag:s25] =	ssyncadd.s32 $0xFFFFCE00  }
0x4e: {  	[tilespmem:s21], [sflag:$0x4] =	stream.indirect.gather [hbm4b:s1+s18], $0x80, s6, s18, $0xb8;
	[tilespmem:$0x1B000] =	vst v63  }
0x4f: {  	s10 =	sadd.s32 s5, s12  }
0x50: {  	[tilespmem:s4], [sflag:$0x1] =	stream.linear.gather [hbm4b:s10+s4], $0x400, $0x38;
	[tilespmem:$0x1B000] =	vst v63  }
0x51: {  	_ =	swait.ge [sflag:s23], $0x3200  }
0x52: {  	[sflag:s23] =	ssyncset.done $0x0  }
0x53: {  	s13 =	rddreg [dreg:$0x5];
	[sflag:s23] =	ssyncadd.s32 $0xFFFFCE00  }
0x54: {  	[spmem:s2] =	stream.indirect.scatter.add.f32 [tilespmem:s19], [sflag:$0x6], $0x80, s13, s18, $0xb8;
	[tilespmem:$0x1B000] =	vst v63  }
0x55: {  	_ =	swait.ge [sflag:s25], $0x3200  }
0x56: {  	[sflag:s25] =	ssyncset.done $0x0  }
0x57: {  	s14 =	rddreg [dreg:$0x6];
	[sflag:s25] =	ssyncadd.s32 $0xFFFFCE00  }
0x58: {  	[tilespmem:s19], [sflag:$0x3] =	stream.indirect.gather [hbm4b:s1+s18], $0x80, s14, s18, $0xb8;
	[tilespmem:$0x1B000] =	vst v63  }
0x59: {  	_ =	swait.ge [sflag:s28], $0x3200  }
0x5a: {  	[sflag:s28] =	ssyncset.done $0x0  }
0x5b: {  	s12 =	rddreg [dreg:$0x7];
	[sflag:s28] =	ssyncadd.s32 $0xFFFFCE00  }
0x5c: {  	[spmem:s2] =	stream.indirect.scatter.add.f32 [tilespmem:s21], [sflag:$0x6], $0x80, s12, s18, $0xb8;
	[tilespmem:$0x1B000] =	vst v63  }
0x5d: {  	_ =	swait.ge [sflag:s25], $0x3200  }
0x5e: {  	[sflag:s25] =	ssyncset.done $0x0  }
0x5f: {  	s13 =	rddreg [dreg:$0x8];
	[sflag:s25] =	ssyncadd.s32 $0xFFFFCE00  }
0x60: {  	[tilespmem:s21], [sflag:$0x4] =	stream.indirect.gather [hbm4b:s1+s18], $0x80, s13, s18, $0xb8;
	[tilespmem:$0x1B000] =	vst v63  }
0x61: {  	_ =	swait.ge [sflag:s23], $0x3200  }
0x62: {  	[sflag:s23] =	ssyncset.done $0x0  }
0x63: {  	s14 =	rddreg [dreg:$0x9];
	[sflag:s23] =	ssyncadd.s32 $0xFFFFCE00  }
0x64: {  	[spmem:s2] =	stream.indirect.scatter.add.f32 [tilespmem:s19], [sflag:$0x6], $0x80, s14, s18, $0xb8;
	[tilespmem:$0x1B000] =	vst v63  }
0x65: {  	_ =	swait.ge [sflag:s25], $0x3200  }
0x66: {  	[sflag:s25] =	ssyncset.done $0x0  }
0x67: {  	[sflag:s25] =	ssyncadd.s32 $0xFFFFCE00  }
0x68: {  	_ =	swait.ge [sflag:s17], $0x400  }
0x69: {  	[sflag:s17] =	ssyncset.done $0x0  }
0x6a: {  	[sflag:s17] =	ssyncadd.s32 $0xFFFFFC00  }
0x6b: {  	[tilespmem:s19], [sflag:$0x3] =	stream.indirect.gather [hbm4b:s1+s18], $0x80, s4, s18, $0xb8;
	[tilespmem:$0x1B000] =	vst v63  }
0x6c: {  	_ =	swait.ge [sflag:s28], $0x3200  }
0x6d: {  	[sflag:s28] =	ssyncset.done $0x0  }
0x6e: {  	s12 =	rddreg [dreg:$0xa];
	[sflag:s28] =	ssyncadd.s32 $0xFFFFCE00  }
0x6f: {  	[spmem:s2] =	stream.indirect.scatter.add.f32 [tilespmem:s21], [sflag:$0x6], $0x80, s12, s18, $0xb8;
	[tilespmem:$0x1B000] =	vst v63  }
0x70: {  	s14 =	smin.u32 s4, $0x15;
	_ =	swait.ge [sflag:s25], $0x3200  }
0x71: {  	s12 =	sshll.u32 s14, $0xA;
	[sflag:s25] =	ssyncset.done $0x0;
	s13 =	rddreg [dreg:$0x4]  }
0x72: {  	[sflag:s25] =	ssyncadd.s32 $0xFFFFCE00;
	s12 =	sadd.s32 s12, s13  }
0x73: {  	[tilespmem:s21], [sflag:$0x4] =	stream.indirect.gather [hbm4b:s1+s18], $0x80, s20, s18, $0xb8;
	[tilespmem:$0x1B000] =	vst v63  }
0x74: {  	s10 =	simm.s32 $0x2;
	s14 =	smov.u32 s11;
	s12 =	sshrl.u32 s12, $0x3  }
.LBB2_2:
0x75: {  	s12 =	sadd.s32 s5, s12  }
0x76: {  	[tilespmem:s16], [sflag:$0x2] =	stream.linear.gather [hbm4b:s12+s4], $0x400, $0x38;
	[tilespmem:$0x1B000] =	vst v63  }
0x77: {  	_ =	swait.ge [sflag:s23], $0x3200  }
0x78: {  	[sflag:s23] =	ssyncset.done $0x0  }
0x79: {  	[sflag:s23] =	ssyncadd.s32 $0xFFFFCE00  }
0x7a: {  	[spmem:s2] =	stream.indirect.scatter.add.f32 [tilespmem:s19], [sflag:$0x6], $0x80, s24, s18, $0xb8;
	[tilespmem:$0x1B000] =	vst v63  }
0x7b: {  	_ =	swait.ge [sflag:s25], $0x3200  }
0x7c: {  	[sflag:s25] =	ssyncset.done $0x0  }
0x7d: {  	[sflag:s25] =	ssyncadd.s32 $0xFFFFCE00  }
0x7e: {  	[tilespmem:s19], [sflag:$0x3] =	stream.indirect.gather [hbm4b:s1+s18], $0x80, s26, s18, $0xb8;
	[tilespmem:$0x1B000] =	vst v63  }
0x7f: {  	_ =	swait.ge [sflag:s28], $0x3200  }
0x80: {  	[sflag:s28] =	ssyncset.done $0x0  }
0x81: {  	[sflag:s28] =	ssyncadd.s32 $0xFFFFCE00  }
0x82: {  	[spmem:s2] =	stream.indirect.scatter.add.f32 [tilespmem:s21], [sflag:$0x6], $0x80, s29, s18, $0xb8;
	[tilespmem:$0x1B000] =	vst v63  }
0x83: {  	_ =	swait.ge [sflag:s25], $0x3200  }
0x84: {  	[sflag:s25] =	ssyncset.done $0x0  }
0x85: {  	[sflag:s25] =	ssyncadd.s32 $0xFFFFCE00  }
0x86: {  	[tilespmem:s21], [sflag:$0x4] =	stream.indirect.gather [hbm4b:s1+s18], $0x80, s30, s18, $0xb8;
	[tilespmem:$0x1B000] =	vst v63  }
0x87: {  	_ =	swait.ge [sflag:s23], $0x3200  }
0x88: {  	[sflag:s23] =	ssyncset.done $0x0  }
0x89: {  	[sflag:s23] =	ssyncadd.s32 $0xFFFFCE00  }
0x8a: {  	[spmem:s2] =	stream.indirect.scatter.add.f32 [tilespmem:s19], [sflag:$0x6], $0x80, s31, s18, $0xb8;
	[tilespmem:$0x1B000] =	vst v63  }
0x8b: {  	_ =	swait.ge [sflag:s25], $0x3200  }
0x8c: {  	[sflag:s25] =	ssyncset.done $0x0  }
0x8d: {  	[sflag:s25] =	ssyncadd.s32 $0xFFFFCE00  }
0x8e: {  	_ =	swait.ge [sflag:s0], $0x400  }
0x8f: {  	[sflag:s0] =	ssyncset.done $0x0  }
0x90: {  	[sflag:s0] =	ssyncadd.s32 $0xFFFFFC00  }
0x91: {  	[tilespmem:s19], [sflag:$0x3] =	stream.indirect.gather [hbm4b:s1+s18], $0x80, s16, s18, $0xb8;
	[tilespmem:$0x1B000] =	vst v63  }
0x92: {  	_ =	swait.ge [sflag:s28], $0x3200  }
0x93: {  	[sflag:s28] =	ssyncset.done $0x0  }
0x94: {  	[sflag:s28] =	ssyncadd.s32 $0xFFFFCE00  }
0x95: {  	[spmem:s2] =	stream.indirect.scatter.add.f32 [tilespmem:s21], [sflag:$0x6], $0x80, s3, s18, $0xb8;
	[tilespmem:$0x1B000] =	vst v63  }
0x96: {  	_ =	swait.ge [sflag:s25], $0x3200  }
0x97: {  	s14 =	sadd.s32 $0x800, s14;
	[sflag:s25] =	ssyncset.done $0x0  }
0x98: {  	s13 =	sshrl.u32 s14, $0x3;
	[sflag:s25] =	ssyncadd.s32 $0xFFFFCE00  }
0x99: {  	[tilespmem:s21], [sflag:$0x4] =	stream.indirect.gather [hbm4b:s1+s18], $0x80, s6, s18, $0xb8;
	[tilespmem:$0x1B000] =	vst v63  }
0x9a: {  	s13 =	sadd.s32 s5, s13  }
0x9b: {  	[tilespmem:s4], [sflag:$0x1] =	stream.linear.gather [hbm4b:s13+s4], $0x400, $0x38;
	[tilespmem:$0x1B000] =	vst v63  }
0x9c: {  	_ =	swait.ge [sflag:s23], $0x3200  }
0x9d: {  	[sflag:s23] =	ssyncset.done $0x0  }
0x9e: {  	s13 =	rddreg [dreg:$0x5];
	[sflag:s23] =	ssyncadd.s32 $0xFFFFCE00  }
0x9f: {  	[spmem:s2] =	stream.indirect.scatter.add.f32 [tilespmem:s19], [sflag:$0x6], $0x80, s13, s18, $0xb8;
	[tilespmem:$0x1B000] =	vst v63  }
0xa0: {  	_ =	swait.ge [sflag:s25], $0x3200  }
0xa1: {  	[sflag:s25] =	ssyncset.done $0x0  }
0xa2: {  	s13 =	rddreg [dreg:$0x6];
	[sflag:s25] =	ssyncadd.s32 $0xFFFFCE00  }
0xa3: {  	[tilespmem:s19], [sflag:$0x3] =	stream.indirect.gather [hbm4b:s1+s18], $0x80, s13, s18, $0xb8;
	[tilespmem:$0x1B000] =	vst v63  }
0xa4: {  	_ =	swait.ge [sflag:s28], $0x3200  }
0xa5: {  	[sflag:s28] =	ssyncset.done $0x0  }
0xa6: {  	s13 =	rddreg [dreg:$0x7];
	[sflag:s28] =	ssyncadd.s32 $0xFFFFCE00  }
0xa7: {  	[spmem:s2] =	stream.indirect.scatter.add.f32 [tilespmem:s21], [sflag:$0x6], $0x80, s13, s18, $0xb8;
	[tilespmem:$0x1B000] =	vst v63  }
0xa8: {  	_ =	swait.ge [sflag:s25], $0x3200  }
0xa9: {  	[sflag:s25] =	ssyncset.done $0x0  }
0xaa: {  	s13 =	rddreg [dreg:$0x8];
	[sflag:s25] =	ssyncadd.s32 $0xFFFFCE00  }
0xab: {  	[tilespmem:s21], [sflag:$0x4] =	stream.indirect.gather [hbm4b:s1+s18], $0x80, s13, s18, $0xb8;
	[tilespmem:$0x1B000] =	vst v63  }
0xac: {  	_ =	swait.ge [sflag:s23], $0x3200  }
0xad: {  	[sflag:s23] =	ssyncset.done $0x0  }
0xae: {  	s13 =	rddreg [dreg:$0x9];
	[sflag:s23] =	ssyncadd.s32 $0xFFFFCE00  }
0xaf: {  	[spmem:s2] =	stream.indirect.scatter.add.f32 [tilespmem:s19], [sflag:$0x6], $0x80, s13, s18, $0xb8;
	[tilespmem:$0x1B000] =	vst v63  }
0xb0: {  	_ =	swait.ge [sflag:s25], $0x3200  }
0xb1: {  	[sflag:s25] =	ssyncset.done $0x0  }
0xb2: {  	[sflag:s25] =	ssyncadd.s32 $0xFFFFCE00  }
0xb3: {  	_ =	swait.ge [sflag:s17], $0x400  }
0xb4: {  	[sflag:s17] =	ssyncset.done $0x0  }
0xb5: {  	[sflag:s17] =	ssyncadd.s32 $0xFFFFFC00  }
0xb6: {  	[tilespmem:s19], [sflag:$0x3] =	stream.indirect.gather [hbm4b:s1+s18], $0x80, s4, s18, $0xb8;
	[tilespmem:$0x1B000] =	vst v63  }
0xb7: {  	_ =	swait.ge [sflag:s28], $0x3200  }
0xb8: {  	p0 =	sne.s32 s10, $0x16;
	[sflag:s28] =	ssyncset.done $0x0  }
0xb9: {  	s12 =	smov.u32 s10;
	s13 =	rddreg [dreg:$0xa];
	[sflag:s28] =	ssyncadd.s32 $0xFFFFCE00  }
0xba: {  	[spmem:s2] =	stream.indirect.scatter.add.f32 [tilespmem:s21], [sflag:$0x6], $0x80, s13, s18, $0xb8;
	[tilespmem:$0x1B000] =	vst v63  }
.Ltmp0:
0xbb: {  	s12 =	smin.u32 s12, $0x15;
	_ =	swait.ge [sflag:s25], $0x3200;
	(pc) =	sbr.rel @p0 .LBB2_2-.Ltmp0, $4  }
0xbc: {  	s12 =	sshll.u32 s12, $0xA;
	[sflag:s25] =	ssyncset.done $0x0;
	s13 =	rddreg [dreg:$0x4]  }
0xbd: {  	[sflag:s25] =	ssyncadd.s32 $0xFFFFCE00;
	s12 =	sadd.s32 s12, s13  }
0xbe: {  	[tilespmem:s21], [sflag:$0x4] =	stream.indirect.gather [hbm4b:s1+s18], $0x80, s20, s18, $0xb8;
	[tilespmem:$0x1B000] =	vst v63  }
0xbf: {  	s10 =	sadd.s32 $0x2, s10;
	s12 =	sshrl.u32 s12, $0x3  }
0xc0: {  	s10 =	sadd.s32 s5, s12  }
0xc1: {  	[tilespmem:s16], [sflag:$0x2] =	stream.linear.gather [hbm4b:s10+s4], $0x400, $0x38;
	[tilespmem:$0x1B000] =	vst v63  }
0xc2: {  	_ =	swait.ge [sflag:s23], $0x3200  }
0xc3: {  	[sflag:s23] =	ssyncset.done $0x0  }
0xc4: {  	[sflag:s23] =	ssyncadd.s32 $0xFFFFCE00  }
0xc5: {  	[spmem:s2] =	stream.indirect.scatter.add.f32 [tilespmem:s19], [sflag:$0x6], $0x80, s24, s18, $0xb8;
	[tilespmem:$0x1B000] =	vst v63  }
0xc6: {  	_ =	swait.ge [sflag:s25], $0x3200  }
0xc7: {  	[sflag:s25] =	ssyncset.done $0x0  }
0xc8: {  	[sflag:s25] =	ssyncadd.s32 $0xFFFFCE00  }
0xc9: {  	[tilespmem:s19], [sflag:$0x3] =	stream.indirect.gather [hbm4b:s1+s18], $0x80, s26, s18, $0xb8;
	[tilespmem:$0x1B000] =	vst v63  }
0xca: {  	_ =	swait.ge [sflag:s28], $0x3200  }
0xcb: {  	[sflag:s28] =	ssyncset.done $0x0  }
0xcc: {  	[sflag:s28] =	ssyncadd.s32 $0xFFFFCE00  }
0xcd: {  	[spmem:s2] =	stream.indirect.scatter.add.f32 [tilespmem:s21], [sflag:$0x6], $0x80, s29, s18, $0xb8;
	[tilespmem:$0x1B000] =	vst v63  }
0xce: {  	_ =	swait.ge [sflag:s25], $0x3200  }
0xcf: {  	[sflag:s25] =	ssyncset.done $0x0  }
0xd0: {  	[sflag:s25] =	ssyncadd.s32 $0xFFFFCE00  }
0xd1: {  	[tilespmem:s21], [sflag:$0x4] =	stream.indirect.gather [hbm4b:s1+s18], $0x80, s30, s18, $0xb8;
	[tilespmem:$0x1B000] =	vst v63  }
0xd2: {  	_ =	swait.ge [sflag:s23], $0x3200  }
0xd3: {  	[sflag:s23] =	ssyncset.done $0x0  }
0xd4: {  	[sflag:s23] =	ssyncadd.s32 $0xFFFFCE00  }
0xd5: {  	[spmem:s2] =	stream.indirect.scatter.add.f32 [tilespmem:s19], [sflag:$0x6], $0x80, s31, s18, $0xb8;
	[tilespmem:$0x1B000] =	vst v63  }
0xd6: {  	_ =	swait.ge [sflag:s25], $0x3200  }
0xd7: {  	[sflag:s25] =	ssyncset.done $0x0  }
0xd8: {  	[sflag:s25] =	ssyncadd.s32 $0xFFFFCE00  }
0xd9: {  	_ =	swait.ge [sflag:s0], $0x400  }
0xda: {  	[sflag:s0] =	ssyncset.done $0x0  }
0xdb: {  	[sflag:s0] =	ssyncadd.s32 $0xFFFFFC00  }
0xdc: {  	[tilespmem:s19], [sflag:$0x3] =	stream.indirect.gather [hbm4b:s1+s18], $0x80, s16, s18, $0xb8;
	[tilespmem:$0x1B000] =	vst v63  }
0xdd: {  	_ =	swait.ge [sflag:s28], $0x3200  }
0xde: {  	[sflag:s28] =	ssyncset.done $0x0  }
0xdf: {  	[sflag:s28] =	ssyncadd.s32 $0xFFFFCE00  }
0xe0: {  	[spmem:s2] =	stream.indirect.scatter.add.f32 [tilespmem:s21], [sflag:$0x6], $0x80, s3, s18, $0xb8;
	[tilespmem:$0x1B000] =	vst v63  }
0xe1: {  	_ =	swait.ge [sflag:s25], $0x3200  }
0xe2: {  	[sflag:s25] =	ssyncset.done $0x0  }
0xe3: {  	[sflag:s25] =	ssyncadd.s32 $0xFFFFCE00  }
0xe4: {  	[tilespmem:s21], [sflag:$0x4] =	stream.indirect.gather [hbm4b:s1+s18], $0x80, s6, s18, $0xb8;
	[tilespmem:$0x1B000] =	vst v63  }
0xe5: {  	s14 =	rddreg [dreg:$0xe]  }
0xe6: {  	[tilespmem:s4], [sflag:$0x1] =	stream.linear.gather [hbm4b:s14+s4], $0x400, $0x38;
	[tilespmem:$0x1B000] =	vst v63  }
0xe7: {  	_ =	swait.ge [sflag:s23], $0x3200  }
0xe8: {  	[sflag:s23] =	ssyncset.done $0x0  }
0xe9: {  	[sflag:s23] =	ssyncadd.s32 $0xFFFFCE00  }
0xea: {  	_ =	swait.ge [sflag:s28], $0x3200  }
0xeb: {  	[sflag:s28] =	ssyncset.done $0x0  }
0xec: {  	[sflag:s28] =	ssyncadd.s32 $0xFFFFCE00  }
0xed: {  	_ =	swait.ge [sflag:s17], $0x400  }
0xee: {  	[sflag:s17] =	ssyncset.done $0x0  }
0xef: {  	[sflag:s17] =	ssyncadd.s32 $0xFFFFFC00  }
0xf0: {  	[bflag:$0x0] =	sbarrier.arrive $0xFFFF  }
0xf1: {  	s12 =	sor.u32 $0x1C06, s7;
	s13 =	rddreg [dreg:$0xf]  }
0xf2: {  	[hbm:s13], [sflag:s12] =	dma.local [spmem:s15], $0x2800  }
0xf3: {  	_ =	swait.ge [sflag:s25], $0x2800  }
0xf4: {  	s8 =	sadd.s32 $0x1, s8;
	s14 =	rddreg [dreg:$0x10]  }
0xf5: {  	p0 =	sne.s32 s8, s14  }
.Ltmp1:
0xf6: {  	_ = 	snop;
	(pc) =	sbr.rel @p0 .LBB2_1-.Ltmp1, $3  }
0xf7: {  	_ =	sdelay $0x1  }
0xf8: {  	[sflag:s25] =	ssyncset.done $0x0  }
0xf9: {  	[sflag:s25] =	ssyncadd.s32 $0xFFFFD800  }
0xfa: {  	_ =	sfence.sel $0x180000  }
0xfb: {  	[bflag:$0x0] =	sbarrier.arrive $0xFFFF  }
0xfc: {  	_ =	strace $0x90000047  }
0xfd: {  	s0 =	stileid.u32;
	[bflag:$0x2] =	sbarrier.arrive $0xFFFF  }
0xfe: {  	p0 =	sne.s32 s0, $0x0;
	s0 =	rddreg [dreg:$0x3]  }
0xff: {  	s0 =	sadd.s32 @!p0 $0x100000, s0  }
0x100: {  	[sflag:s0] =	ssyncadd.tile.s32 @!p0 $0x1;
	_ =	shalt  }
.Lfunc_end2:
_tile_overlayer_lowered:
.L_overlay_start_2:
0x101: {  	(tag) =	ssettag $0x2  }
0x102: {  	s0 =	rddreg [dreg:$0x0];
	s2 =	stileid.u32  }
0x103: {  	s1 =	rddreg [dreg:$0x1];
	p0 =	sne.s32 s2, $0x0  }
0x104: {  	s3 =	rddreg [dreg:$0x2];
	[bflag:$0x3] =	sbarrier.arrive $0xFFFF;
	s2 =	simm.s32 @!p0 $0x1C06  }
0x105: {  	[timem:s3], [sflag:s2] =	dma.local @!p0 [hbm:s0], s1  }
0x106: {  	s0 =	simm.s32 @!p0 $0x6  }
0x107: {  	_ =	swait.ge @!p0 [sflag:s0], s1  }
0x108: {  	s1 =	ssub.s32 @!p0 $0x0, s1;
	[sflag:s0] =	ssyncset.done @!p0 $0x0  }
0x109: {  	[sflag:s0] =	ssyncadd.s32 @!p0 s1  }
0x10a: {  	[bflag:$0x3] =	sbarrier.arrive $0xFFFF  }
0x10b: {  	_ =	shalt  }

// kernel: kernel.9.cloned.1.call-start
scs
__scs_entry_jumppad:
0x0: {  	(pc) =	sbr.rel $0x88, $3  }
0x1: {  	(tag) =	ssettag $0x0;
	lr =	simm.s32 $0x1  }
0x2: {  	[smem:$0x3F9B] =	sst lr;
	_ =	strace $0xD0000000  }
0x3: {  	_ = 	snop  }
0x4: {  	_ = 	snop  }
0x5: {  	_ = 	snop  }
0x6: {  	_ = 	snop  }
0x7: {  	_ = 	snop  }
__scs_overlays_trampoline_lowered:
0x8: {  	[smem:$0x3FAA] =	sst s0  }
0x9: {  	[smem:$0x3FAB] =	sst s1  }
0xa: {  	[smem:$0x3FAC] =	sst s2  }
0xb: {  	[smem:$0x3FAD] =	sst s3  }
0xc: {  	[smem:$0x3FAE] =	sst s4  }
0xd: {  	[smem:$0x3FAF] =	sst s5  }
0xe: {  	[smem:$0x3FB0] =	sst s6  }
0xf: {  	[smem:$0x3FB1] =	sst s7  }
0x10: {  	[smem:$0x3FB2] =	sst s8  }
0x11: {  	[smem:$0x3FB3] =	sst s9;
	s0 =	simm.s32 @!p0 $0x0  }
0x12: {  	s1 =	sld [smem:$0x3F99];
	s0 =	simm.s32 @p0 $0x1  }
0x13: {  	[smem:$0x3FB4] =	sst s0;
	s0 =	simm.s32 @!p1 $0x0  }
0x14: {  	s2 =	sld [smem:$0x3F98];
	s0 =	simm.s32 @p1 $0x1  }
0x15: {  	[smem:$0x3FB5] =	sst s0;
	s0 =	simm.s32 @!p2 $0x0  }
0x16: {  	s3 =	sld [smem:$0x3FDB];
	s0 =	simm.s32 @p2 $0x1  }
0x17: {  	s4 =	simm.s32 $0x1BF5;
	[smem:$0x3FB7] =	sst s0  }
0x18: {  	s0 =	sld [smem:$0x3F9A];
	_ =	swait.ge [sflag:s4], $0x0  }
0x19: {  	s7 =	sld [smem:$0x3F9B]  }
0x1a: {  	s8 =	sadd.s32 $0xFFFFE003, lr  }
0x1b: {  	s9 =	sadd.s32 $0xFFFFFEF7, lr;
	s5 =	simm.s32 $0xFFFFFFFF;
	p2 =	slt.u32 s8, $0xFFFFF086  }
0x1c: {  	p1 =	slt.u32 s9, $0xF7A;
	s5 =	simm.s32 @!p2 $0x0  }
0x1d: {  	s5 =	simm.s32 @p1 $0x1;
	p0 =	seq.s32 s7, s2  }
0x1e: {  	s7 =	smul.u32 @!p0 $0xF7A, s2;
	p2 =	seq.s32 @!p0 s5, $0x0  }
0x1f: {  	s9 =	smul.u32 $0xF7A, s1;
	s8 =	simm.s32 @!p0 $0x1BF5;
	p2 =	por !p2, p0  }
0x20: {  	[sflag:s8] =	ssyncset.s32 @!p0 $0xFFFFF086;
	s6 =	sadd.s32 @!p0 s3, s7;
	s7 =	simm.s32 @!p0 $0x108  }
0x21: {  	s3 =	sadd.s32 s3, s9;
	s6 =	sadd.s32 @!p0 $0x88, s6;
	s7 =	simm.s32 @p2 $0x1082  }
0x22: {  	[simem:s7], [sflag:s8] =	dma.local @!p0 [hbm:s6], $0xF7A  }
0x23: {  	s9 =	sor.u32 $0xD0000000, s2;
	s6 =	simm.s32 $0x108;
	_ =	swait.ge @!p0 [sflag:s8], $0x0  }
0x24: {  	s3 =	sadd.s32 $0x88, s3;
	s6 =	simm.s32 @!p1 $0x1082;
	[sflag:s4] =	ssyncset.s32 $0xFFFFF086  }
0x25: {  	[simem:s6], [sflag:s4] =	dma.local [hbm:s3], $0xF7A  }
0x26: {  	[smem:$0x3F9B] =	sst s1;
	(tag) =	ssettag s2;
	_ =	strace s9  }
0x27: {  	s1 =	sld [smem:$0x3FAB]  }
0x28: {  	s2 =	sld [smem:$0x3FAC]  }
0x29: {  	s4 =	sld [smem:$0x3FAE]  }
0x2a: {  	p0 =	seq.s32 s5, $0x0;
	s5 =	sld [smem:$0x3FAF]  }
0x2b: {  	s6 =	sld [smem:$0x3FB0]  }
0x2c: {  	s7 =	sld [smem:$0x3FB1]  }
0x2d: {  	s3 =	simm.s32 $0x108;
	s8 =	sld [smem:$0x3FB2]  }
0x2e: {  	s3 =	simm.s32 @!p0 $0x1082;
	s9 =	sld [smem:$0x3FB3]  }
0x2f: {  	lr =	sadd.s32 s0, s3;
	s0 =	sld [smem:$0x3FAA]  }
0x30: {  	s3 =	sld [smem:$0x3FAD]  }
0x31: {  	[smem:$0x3FB6] =	sst s10  }
0x32: {  	s10 =	sld [smem:$0x3FB4];
	_ =	sdelay $0x3  }
0x33: {  	p0 =	seq.s32 s10, $0x1;
	s10 =	sld [smem:$0x3FB6];
	_ =	sdelay $0x3  }
0x34: {  	[smem:$0x3FB6] =	sst s10  }
0x35: {  	s10 =	sld [smem:$0x3FB5];
	_ =	sdelay $0x3  }
0x36: {  	p1 =	seq.s32 s10, $0x1;
	s10 =	sld [smem:$0x3FB6];
	_ =	sdelay $0x3  }
0x37: {  	[smem:$0x3FB6] =	sst s10  }
0x38: {  	s10 =	sld [smem:$0x3FB7]  }
0x39: {  	_ = 	snop;
	(pc) =	sbr.ind lr, $3  }
0x3a: {  	_ = 	snop  }
0x3b: {  	_ = 	snop  }
0x3c: {  	p2 =	seq.s32 s10, $0x1;
	s10 =	sld [smem:$0x3FB6]  }
0x3d: {  	_ =	shalt  }
0x3e: {  	_ =	shalt  }
0x3f: {  	_ =	shalt  }
0x40: {  	_ =	shalt  }
0x41: {  	_ =	shalt  }
0x42: {  	_ =	shalt  }
0x43: {  	_ =	shalt  }
0x44: {  	_ =	shalt  }
0x45: {  	_ =	shalt  }
0x46: {  	_ =	shalt  }
0x47: {  	_ =	shalt  }
0x48: {  	_ =	shalt  }
0x49: {  	_ =	shalt  }
0x4a: {  	_ =	shalt  }
0x4b: {  	_ =	shalt  }
0x4c: {  	_ =	shalt  }
0x4d: {  	_ =	shalt  }
0x4e: {  	_ =	shalt  }
0x4f: {  	_ =	shalt  }
0x50: {  	_ =	shalt  }
0x51: {  	_ =	shalt  }
0x52: {  	_ =	shalt  }
0x53: {  	_ =	shalt  }
0x54: {  	_ =	shalt  }
0x55: {  	_ =	shalt  }
0x56: {  	_ =	shalt  }
0x57: {  	_ =	shalt  }
0x58: {  	_ =	shalt  }
0x59: {  	_ =	shalt  }
0x5a: {  	_ =	shalt  }
0x5b: {  	_ =	shalt  }
0x5c: {  	_ =	shalt  }
0x5d: {  	_ =	shalt  }
0x5e: {  	_ =	shalt  }
0x5f: {  	_ =	shalt  }
0x60: {  	_ =	shalt  }
0x61: {  	_ =	shalt  }
0x62: {  	_ =	shalt  }
0x63: {  	_ =	shalt  }
0x64: {  	_ =	shalt  }
0x65: {  	_ =	shalt  }
0x66: {  	_ =	shalt  }
0x67: {  	_ =	shalt  }
0x68: {  	_ =	shalt  }
0x69: {  	_ =	shalt  }
0x6a: {  	_ =	shalt  }
0x6b: {  	_ =	shalt  }
0x6c: {  	_ =	shalt  }
0x6d: {  	_ =	shalt  }
0x6e: {  	_ =	shalt  }
0x6f: {  	_ =	shalt  }
0x70: {  	_ =	shalt  }
0x71: {  	_ =	shalt  }
0x72: {  	_ =	shalt  }
0x73: {  	_ =	shalt  }
0x74: {  	_ =	shalt  }
0x75: {  	_ =	shalt  }
0x76: {  	_ =	shalt  }
0x77: {  	_ =	shalt  }
0x78: {  	_ =	shalt  }
0x79: {  	_ =	shalt  }
0x7a: {  	_ =	shalt  }
0x7b: {  	_ =	shalt  }
0x7c: {  	_ =	shalt  }
0x7d: {  	_ =	shalt  }
0x7e: {  	_ =	shalt  }
0x7f: {  	_ =	shalt  }
0x80: {  	_ =	shalt  }
0x81: {  	_ =	shalt  }
0x82: {  	_ =	shalt  }
0x83: {  	_ =	shalt  }
0x84: {  	_ =	shalt  }
0x85: {  	_ =	shalt  }
0x86: {  	_ =	shalt  }
0x87: {  	_ =	shalt  }
.Lfunc_end0:
.L_simem_size_0:
called_computation.1_lowered:
.L_overlay_start_0:
0x88: {  	s2 =	sld [smem:$0x3FD9]  }
0x89: {  	s3 =	sld [smem:$0x3FFE];
	_ =	sdelay $0x1  }
0x8a: {  	s1 =	srdreg.scid  }
0x8b: {  	s0 =	sand.u32 $0x1, s1  }
0x8c: {  	s17 =	sshll.u32 s0, $0xA;
	s2 =	sadd.s32 s3, s2  }
0x8d: {  	s2 =	sadd.s32 s2, s17  }
0x8e: {  	[smem:$0x3FC2] =	sst s2  }
0x8f: {  	_ = 	snop  }
0x90: {  	s2 =	sld [smem:$0x3FD0];
	(tm) =	ssettm $0x1  }
0x91: {  	s18 =	sld [smem:$0x3FFB];
	_ =	sdelay $0x3  }
0x92: {  	_ =	strace s18  }
0x93: {  	s3 =	sld [smem:$0x3FFC];
	_ =	sdelay $0x3  }
0x94: {  	_ =	strace s3  }
0x95: {  	s3 =	sld [smem:$0x3FFD];
	_ =	sdelay $0x3  }
0x96: {  	_ =	strace s3  }
0x97: {  	_ =	strace $0x8FFFFFFF  }
0x98: {  	s19 =	sld [smem:$0x3FDB];
	_ =	sdelay $0x1  }
0x99: {  	s4 =	simm.s32 $_scs_section_size  }
0x9a: {  	s5 =	simm.s32 $_size__tile_overlayer_lowered;
	s6 =	simm.s32 $_tile_overlayer_lowered  }
0x9b: {  	s22 =	simm.s32 $0x1BFF;
	s21 =	sshll.u32 s6, $0x1;
	s3 =	sadd.s32 s4, s19  }
0x9c: {  	s7 =	simm.s32 $0x0;
	s20 =	sshll.u32 s5, $0x1;
	s5 =	sadd.s32 s21, s3  }
0x9d: {  	[timem:s7], [sflag:s22] =	dma.local [hbm:s5], s20  }
0x9e: {  	_ =	swait.ge [sflag:s22], s20  }
0x9f: {  	s4 =	ssub.s32 $0x0, s20;
	[sflag:s22] =	ssyncset.done $0x0  }
0xa0: {  	[sflag:s22] =	ssyncadd.s32 s4;
	_ =	sdelay $0x1  }
0xa1: {  	s23 =	simm.s32 $0x1B8B  }
0xa2: {  	_ =	swait.ge [sflag:s23], $0x1  }
0xa3: {  	[sflag:s23] =	ssyncset.done $0x0  }
0xa4: {  	s25 =	simm.s32 $0x1B8E;
	s24 =	sld [smem:$0x3FFE];
	[sflag:s23] =	ssyncadd.s32 $0xFFFFFFFF  }
0xa5: {  	s26 =	simm.s32 $execute0_lowered;
	[smem:$0x3FD2] =	sst s25  }
0xa6: {  	s5 =	sshll.u32 s26, $0x1;
	_ =	strace $0x80000049;
	[dreg:$0x1] =	wrdreg $0xFFFFFFFF  }
0xa7: {  	s28 =	simm.s32 $_size_execute0_lowered;
	s3 =	sadd.s32 s3, s5;
	[dreg:$0x0] =	wrdreg $0x0  }
0xa8: {  	s5 =	sshll.u32 s28, $0x1;
	[dreg:$0x2] =	wrdreg s3  }
0xa9: {  	[dreg:$0x3] =	wrdreg s5  }
0xaa: {  	[dreg:$0x4] =	wrdreg $0xC0  }
0xab: {  	_ =	task [dreg:s7], $0x5FFFF  }
0xac: {  	[dreg:$0x1] =	wrdreg $0xFFFFFFFF  }
0xad: {  	[dreg:$0x0] =	wrdreg $0x60  }
0xae: {  	[dreg:$0x2] =	wrdreg s2  }
0xaf: {  	[dreg:$0x3] =	wrdreg s24  }
0xb0: {  	[dreg:$0x4] =	wrdreg $0x70000  }
0xb1: {  	[dreg:$0x5] =	wrdreg $0x9  }
0xb2: {  	_ =	task.clear_ibuf [dreg:s7], $0x6FFFF;
	_ =	strace $0x90000049  }
0xb3: {  	s29 =	simm.s32 $0x9;
	_ =	strace $0x8000004B  }
0xb4: {  	_ =	swait.ge [sflag:s29], $0x1  }
0xb5: {  	[sflag:s29] =	ssyncadd.s32 $0xFFFFFFFF  }
0xb6: {  	_ =	strace $0x9000004B  }
0xb7: {  	_ =	sfence  }
0xb8: {  	s30 =	sld [smem:$0x0];
	_ =	sdelay $0x2  }
0xb9: {  	s31 =	sshll.u32 s1, $0xD;
	s1 =	sshrl.u32 s1, $0x2  }
0xba: {  	s3 =	sand.u32 $0x4000, s31;
	s1 =	sadd.s32 s1, s30  }
0xbb: {  	s0 =	sor.u32 s3, s0;
	s1 =	sshll.u32 s1, $0x11  }
0xbc: {  	s0 =	sor.u32 s1, s0  }
0xbd: {  	s0 =	sadd.s32 $0x8F2B, s0  }
0xbe: {  	[sflag:s0] =	ssyncadd.remote.s32 $0x1  }
0xbf: {  	_ =	sfence.sel $0xFFFF  }
0xc0: {  	[dreg:$0x0] =	wrdreg $0xFFFFFFFF;
	(pc) =	sbr.abs _section_cstart, $3  }
0xc1: {  	[dreg:$0x1] =	wrdreg $0xFFFFFFFF  }
0xc2: {  	_ =	task.clear_ibuf [dreg:s7], $0x2FFFF;
	_ =	strace $0x9FFFFFFF  }
0xc3: {  	(tm) =	ssettm $0x7FFFFFFF  }
tec
execute0_lowered:
.L_overlay_start_1:
0x0: {  	(tag) =	ssettag $0x1  }
0x1: {  	s1 =	rddreg [dreg:$0x0]  }
0x2: {  	s0 =	rddreg [dreg:$0x1]  }
0x3: {  	s2 =	rddreg [dreg:$0x2];
	s3 =	srdreg.scid;
	s4 =	simm.s32 $0x0  }
0x4: {  	s11 =	stileid.u32;
	s21 =	simm.s32 $0x480;
	s22 =	simm.s32 $0x600  }
0x5: {  	s23 =	simm.s32 $0x580;
	s24 =	simm.s32 $0x700;
	s25 =	simm.s32 $0x680  }
0x6: {  	s26 =	simm.s32 $0x780;
	s28 =	simm.s32 $0x4;
	s29 =	simm.s32 $0x180  }
0x7: {  	s30 =	simm.s32 $0x300;
	[smem:$0x7FF] =	sst s4;
	s8 =	sadd.s32 $0x1A800, s0  }
0x8: {  	s31 =	simm.s32 $0x280;
	_ =	strace $0x8000004A;
	[dreg:$0xb] =	wrdreg s8  }
0x9: {  	s3 =	sand.u32 $0x1, s3;
	s7 =	smul.u32 $0x14000, s11;
	[dreg:$0x5] =	wrdreg s21  }
0xa: {  	s5 =	sadd.s32 $0x1800, s0;
	s14 =	smul.u32 $0x50000, s11;
	[dreg:$0x6] =	wrdreg s22  }
0xb: {  	s13 =	sshll.u32 s11, $0x1;
	s6 =	smul.u32 $0x140000, s3;
	[dreg:$0x7] =	wrdreg s23  }
0xc: {  	s15 =	ssub.s32 $0x2, s3;
	s21 =	simm.s32 $0x3C00;
	[dreg:$0x8] =	wrdreg s24  }
0xd: {  	s22 =	simm.s32 $0x5;
	s23 =	simm.s32 $0x3;
	[dreg:$0x9] =	wrdreg s25  }
0xe: {  	s24 =	simm.s32 $0x80;
	[dreg:$0xa] =	wrdreg s26;
	s25 =	simm.s32 $0x6  }
0xf: {  	s26 =	simm.s32 $0x200;
	s9 =	sshrl.u32 s15, $0x1;
	s8 =	sshrl.u32 s14, $0x2  }
0x10: {  	s6 =	sadd.s32 s7, s6;
	s7 =	sor.u32 s3, s13;
	s3 =	smul.u32 $0x6400, s3  }
0x11: {  	s8 =	sadd.s32 s8, s2;
	s6 =	sshrl.u32 s6, $0x3;
	s10 =	smul.u32 $0x6400, s7  }
0x12: {  	s7 =	sshll.u32 s11, $0x6;
	s11 =	smul.u32 $0xC800, s11;
	s0 =	sadd.s32 s6, s0  }
0x13: {  	s6 =	ssub.s32 s15, s9;
	s16 =	sor.u32 $0x1C05, s7;
	s15 =	sshrl.u32 s8, $0x3  }
0x14: {  	s8 =	simm.s32 $0x0;
	[dreg:$0xc] =	wrdreg s16;
	s17 =	sshrl.u32 s10, $0x3  }
0x15: {  	s10 =	sadd.s32 $0xC00, s10;
	s0 =	sadd.s32 $0x1D000, s0;
	s19 =	smax.u32 s6, $0x1  }
0x16: {  	s20 =	sadd.s32 s3, s11;
	s16 =	simm.s32 $0x400;
	[dreg:$0x4] =	wrdreg s10  }
0x17: {  	s3 =	simm.s32 $0x380;
	s6 =	simm.s32 $0x500;
	[dreg:$0xf] =	wrdreg s0  }
0x18: {  	s9 =	sadd.s32 s5, s17;
	[dreg:$0x10] =	wrdreg s19;
	s11 =	sadd.s32 $0x800, s20  }
0x19: {  	s17 =	simm.s32 $0x1;
	s19 =	simm.s32 $0x800;
	s12 =	sadd.s32 $0x80, s9  }
0x1a: {  	s20 =	simm.s32 $0x100;
	s18 =	sadd.s32 $0xC00, s9;
	[dreg:$0xd] =	wrdreg s12  }
0x1b: {  	s0 =	simm.s32 $0x2;
	[dreg:$0xe] =	wrdreg s18;
	s18 =	simm.s32 $0x64  }
.LBB2_1:
0x1c: {  	s10 =	rddreg [dreg:$0xb]  }
0x1d: {  	s12 =	rddreg [dreg:$0xc]  }
0x1e: {  	[spmem:s15], [sflag:s12] =	dma.local [hbm:s10], $0x2800  }
0x1f: {  	[tilespmem:s4], [sflag:$0x1] =	stream.linear.gather [hbm4b:s9+s4], $0x400, $0x38;
	[tilespmem:$0x1B000] =	vst v63  }
0x20: {  	s10 =	rddreg [dreg:$0xd]  }
0x21: {  	[tilespmem:s16], [sflag:$0x2] =	stream.linear.gather [hbm4b:s10+s4], $0x400, $0x38;
	[tilespmem:$0x1B000] =	vst v63  }
0x22: {  	_ =	swait.ge [sflag:s17], $0x400  }
0x23: {  	[sflag:s17] =	ssyncset.done $0x0  }
0x24: {  	[sflag:s17] =	ssyncadd.s32 $0xFFFFFC00  }
0x25: {  	[tilespmem:s19], [sflag:$0x3] =	stream.indirect.gather [hbm4b:s1+s18], $0x80, s4, s18, $0xb8;
	[tilespmem:$0x1B000] =	vst v63  }
0x26: {  	_ = 	snop  }
0x27: {  	[tilespmem:s21], [sflag:$0x4] =	stream.indirect.gather [hbm4b:s1+s18], $0x80, s20, s18, $0xb8;
	[tilespmem:$0x1B000] =	vst v63  }
0x28: {  	_ =	swait.ge [sflag:s22], $0x2800  }
0x29: {  	[sflag:s22] =	ssyncset.done $0x0  }
0x2a: {  	[sflag:s22] =	ssyncadd.s32 $0xFFFFD800  }
0x2b: {  	[bflag:$0x0] =	sbarrier.arrive $0xFFFF  }
0x2c: {  	_ =	swait.ge [sflag:s23], $0x3200  }
0x2d: {  	[sflag:s23] =	ssyncset.done $0x0  }
0x2e: {  	[sflag:s23] =	ssyncadd.s32 $0xFFFFCE00  }
0x2f: {  	[spmem:s2] =	stream.indirect.scatter.add.f32 [tilespmem:s19], [sflag:$0x6], $0x80, s24, s18, $0xb8;
	[tilespmem:$0x1B000] =	vst v63  }
0x30: {  	_ =	swait.ge [sflag:s25], $0x3200  }
0x31: {  	[sflag:s25] =	ssyncset.done $0x0  }
0x32: {  	[sflag:s25] =	ssyncadd.s32 $0xFFFFCE00  }
0x33: {  	[tilespmem:s19], [sflag:$0x3] =	stream.indirect.gather [hbm4b:s1+s18], $0x80, s26, s18, $0xb8;
	[tilespmem:$0x1B000] =	vst v63  }
0x34: {  	_ =	swait.ge [sflag:s28], $0x3200  }
0x35: {  	[sflag:s28] =	ssyncset.done $0x0  }
0x36: {  	[sflag:s28] =	ssyncadd.s32 $0xFFFFCE00  }
0x37: {  	[spmem:s2] =	stream.indirect.scatter.add.f32 [tilespmem:s21], [sflag:$0x6], $0x80, s29, s18, $0xb8;
	[tilespmem:$0x1B000] =	vst v63  }
0x38: {  	_ =	swait.ge [sflag:s25], $0x3200  }
0x39: {  	[sflag:s25] =	ssyncset.done $0x0  }
0x3a: {  	[sflag:s25] =	ssyncadd.s32 $0xFFFFCE00  }
0x3b: {  	[tilespmem:s21], [sflag:$0x4] =	stream.indirect.gather [hbm4b:s1+s18], $0x80, s30, s18, $0xb8;
	[tilespmem:$0x1B000] =	vst v63  }
0x3c: {  	_ =	swait.ge [sflag:s23], $0x3200  }
0x3d: {  	[sflag:s23] =	ssyncset.done $0x0  }
0x3e: {  	[sflag:s23] =	ssyncadd.s32 $0xFFFFCE00  }
0x3f: {  	[spmem:s2] =	stream.indirect.scatter.add.f32 [tilespmem:s19], [sflag:$0x6], $0x80, s31, s18, $0xb8;
	[tilespmem:$0x1B000] =	vst v63  }
0x40: {  	_ =	swait.ge [sflag:s25], $0x3200  }
0x41: {  	[sflag:s25] =	ssyncset.done $0x0  }
0x42: {  	[sflag:s25] =	ssyncadd.s32 $0xFFFFCE00  }
0x43: {  	_ =	swait.ge [sflag:s0], $0x400  }
0x44: {  	[sflag:s0] =	ssyncset.done $0x0  }
0x45: {  	[sflag:s0] =	ssyncadd.s32 $0xFFFFFC00  }
0x46: {  	[tilespmem:s19], [sflag:$0x3] =	stream.indirect.gather [hbm4b:s1+s18], $0x80, s16, s18, $0xb8;
	[tilespmem:$0x1B000] =	vst v63  }
0x47: {  	_ =	swait.ge [sflag:s28], $0x3200  }
0x48: {  	[sflag:s28] =	ssyncset.done $0x0  }
0x49: {  	[sflag:s28] =	ssyncadd.s32 $0xFFFFCE00  }
0x4a: {  	[spmem:s2] =	stream.indirect.scatter.add.f32 [tilespmem:s21], [sflag:$0x6], $0x80, s3, s18, $0xb8;
	[tilespmem:$0x1B000] =	vst v63  }
0x4b: {  	_ =	swait.ge [sflag:s25], $0x3200  }
0x4c: {  	[sflag:s25] =	ssyncset.done $0x0  }
0x4d: {  	s12 =	sshrl.u32 s11, $0x3;
	[sflag:s25] =	ssyncadd.s32 $0xFFFFCE00  }
0x4e: {  	[tilespmem:s21], [sflag:$0x4] =	stream.indirect.gather [hbm4b:s1+s18], $0x80, s6, s18, $0xb8;
	[tilespmem:$0x1B000] =	vst v63  }
0x4f: {  	s10 =	sadd.s32 s5, s12  }
0x50: {  	[tilespmem:s4], [sflag:$0x1] =	stream.linear.gather [hbm4b:s10+s4], $0x400, $0x38;
	[tilespmem:$0x1B000] =	vst v63  }
0x51: {  	_ =	swait.ge [sflag:s23], $0x3200  }
0x52: {  	[sflag:s23] =	ssyncset.done $0x0  }
0x53: {  	s13 =	rddreg [dreg:$0x5];
	[sflag:s23] =	ssyncadd.s32 $0xFFFFCE00  }
0x54: {  	[spmem:s2] =	stream.indirect.scatter.add.f32 [tilespmem:s19], [sflag:$0x6], $0x80, s13, s18, $0xb8;
	[tilespmem:$0x1B000] =	vst v63  }
0x55: {  	_ =	swait.ge [sflag:s25], $0x3200  }
0x56: {  	[sflag:s25] =	ssyncset.done $0x0  }
0x57: {  	s14 =	rddreg [dreg:$0x6];
	[sflag:s25] =	ssyncadd.s32 $0xFFFFCE00  }
0x58: {  	[tilespmem:s19], [sflag:$0x3] =	stream.indirect.gather [hbm4b:s1+s18], $0x80, s14, s18, $0xb8;
	[tilespmem:$0x1B000] =	vst v63  }
0x59: {  	_ =	swait.ge [sflag:s28], $0x3200  }
0x5a: {  	[sflag:s28] =	ssyncset.done $0x0  }
0x5b: {  	s12 =	rddreg [dreg:$0x7];
	[sflag:s28] =	ssyncadd.s32 $0xFFFFCE00  }
0x5c: {  	[spmem:s2] =	stream.indirect.scatter.add.f32 [tilespmem:s21], [sflag:$0x6], $0x80, s12, s18, $0xb8;
	[tilespmem:$0x1B000] =	vst v63  }
0x5d: {  	_ =	swait.ge [sflag:s25], $0x3200  }
0x5e: {  	[sflag:s25] =	ssyncset.done $0x0  }
0x5f: {  	s13 =	rddreg [dreg:$0x8];
	[sflag:s25] =	ssyncadd.s32 $0xFFFFCE00  }
0x60: {  	[tilespmem:s21], [sflag:$0x4] =	stream.indirect.gather [hbm4b:s1+s18], $0x80, s13, s18, $0xb8;
	[tilespmem:$0x1B000] =	vst v63  }
0x61: {  	_ =	swait.ge [sflag:s23], $0x3200  }
0x62: {  	[sflag:s23] =	ssyncset.done $0x0  }
0x63: {  	s14 =	rddreg [dreg:$0x9];
	[sflag:s23] =	ssyncadd.s32 $0xFFFFCE00  }
0x64: {  	[spmem:s2] =	stream.indirect.scatter.add.f32 [tilespmem:s19], [sflag:$0x6], $0x80, s14, s18, $0xb8;
	[tilespmem:$0x1B000] =	vst v63  }
0x65: {  	_ =	swait.ge [sflag:s25], $0x3200  }
0x66: {  	[sflag:s25] =	ssyncset.done $0x0  }
0x67: {  	[sflag:s25] =	ssyncadd.s32 $0xFFFFCE00  }
0x68: {  	_ =	swait.ge [sflag:s17], $0x400  }
0x69: {  	[sflag:s17] =	ssyncset.done $0x0  }
0x6a: {  	[sflag:s17] =	ssyncadd.s32 $0xFFFFFC00  }
0x6b: {  	[tilespmem:s19], [sflag:$0x3] =	stream.indirect.gather [hbm4b:s1+s18], $0x80, s4, s18, $0xb8;
	[tilespmem:$0x1B000] =	vst v63  }
0x6c: {  	_ =	swait.ge [sflag:s28], $0x3200  }
0x6d: {  	[sflag:s28] =	ssyncset.done $0x0  }
0x6e: {  	s12 =	rddreg [dreg:$0xa];
	[sflag:s28] =	ssyncadd.s32 $0xFFFFCE00  }
0x6f: {  	[spmem:s2] =	stream.indirect.scatter.add.f32 [tilespmem:s21], [sflag:$0x6], $0x80, s12, s18, $0xb8;
	[tilespmem:$0x1B000] =	vst v63  }
0x70: {  	s14 =	smin.u32 s4, $0x15;
	_ =	swait.ge [sflag:s25], $0x3200  }
0x71: {  	s12 =	sshll.u32 s14, $0xA;
	[sflag:s25] =	ssyncset.done $0x0;
	s13 =	rddreg [dreg:$0x4]  }
0x72: {  	[sflag:s25] =	ssyncadd.s32 $0xFFFFCE00;
	s12 =	sadd.s32 s12, s13  }
0x73: {  	[tilespmem:s21], [sflag:$0x4] =	stream.indirect.gather [hbm4b:s1+s18], $0x80, s20, s18, $0xb8;
	[tilespmem:$0x1B000] =	vst v63  }
0x74: {  	s10 =	simm.s32 $0x2;
	s14 =	smov.u32 s11;
	s12 =	sshrl.u32 s12, $0x3  }
.LBB2_2:
0x75: {  	s12 =	sadd.s32 s5, s12  }
0x76: {  	[tilespmem:s16], [sflag:$0x2] =	stream.linear.gather [hbm4b:s12+s4], $0x400, $0x38;
	[tilespmem:$0x1B000] =	vst v63  }
0x77: {  	_ =	swait.ge [sflag:s23], $0x3200  }
0x78: {  	[sflag:s23] =	ssyncset.done $0x0  }
0x79: {  	[sflag:s23] =	ssyncadd.s32 $0xFFFFCE00  }
0x7a: {  	[spmem:s2] =	stream.indirect.scatter.add.f32 [tilespmem:s19], [sflag:$0x6], $0x80, s24, s18, $0xb8;
	[tilespmem:$0x1B000] =	vst v63  }
0x7b: {  	_ =	swait.ge [sflag:s25], $0x3200  }
0x7c: {  	[sflag:s25] =	ssyncset.done $0x0  }
0x7d: {  	[sflag:s25] =	ssyncadd.s32 $0xFFFFCE00  }
0x7e: {  	[tilespmem:s19], [sflag:$0x3] =	stream.indirect.gather [hbm4b:s1+s18], $0x80, s26, s18, $0xb8;
	[tilespmem:$0x1B000] =	vst v63  }
0x7f: {  	_ =	swait.ge [sflag:s28], $0x3200  }
0x80: {  	[sflag:s28] =	ssyncset.done $0x0  }
0x81: {  	[sflag:s28] =	ssyncadd.s32 $0xFFFFCE00  }
0x82: {  	[spmem:s2] =	stream.indirect.scatter.add.f32 [tilespmem:s21], [sflag:$0x6], $0x80, s29, s18, $0xb8;
	[tilespmem:$0x1B000] =	vst v63  }
0x83: {  	_ =	swait.ge [sflag:s25], $0x3200  }
0x84: {  	[sflag:s25] =	ssyncset.done $0x0  }
0x85: {  	[sflag:s25] =	ssyncadd.s32 $0xFFFFCE00  }
0x86: {  	[tilespmem:s21], [sflag:$0x4] =	stream.indirect.gather [hbm4b:s1+s18], $0x80, s30, s18, $0xb8;
	[tilespmem:$0x1B000] =	vst v63  }
0x87: {  	_ =	swait.ge [sflag:s23], $0x3200  }
0x88: {  	[sflag:s23] =	ssyncset.done $0x0  }
0x89: {  	[sflag:s23] =	ssyncadd.s32 $0xFFFFCE00  }
0x8a: {  	[spmem:s2] =	stream.indirect.scatter.add.f32 [tilespmem:s19], [sflag:$0x6], $0x80, s31, s18, $0xb8;
	[tilespmem:$0x1B000] =	vst v63  }
0x8b: {  	_ =	swait.ge [sflag:s25], $0x3200  }
0x8c: {  	[sflag:s25] =	ssyncset.done $0x0  }
0x8d: {  	[sflag:s25] =	ssyncadd.s32 $0xFFFFCE00  }
0x8e: {  	_ =	swait.ge [sflag:s0], $0x400  }
0x8f: {  	[sflag:s0] =	ssyncset.done $0x0  }
0x90: {  	[sflag:s0] =	ssyncadd.s32 $0xFFFFFC00  }
0x91: {  	[tilespmem:s19], [sflag:$0x3] =	stream.indirect.gather [hbm4b:s1+s18], $0x80, s16, s18, $0xb8;
	[tilespmem:$0x1B000] =	vst v63  }
0x92: {  	_ =	swait.ge [sflag:s28], $0x3200  }
0x93: {  	[sflag:s28] =	ssyncset.done $0x0  }
0x94: {  	[sflag:s28] =	ssyncadd.s32 $0xFFFFCE00  }
0x95: {  	[spmem:s2] =	stream.indirect.scatter.add.f32 [tilespmem:s21], [sflag:$0x6], $0x80, s3, s18, $0xb8;
	[tilespmem:$0x1B000] =	vst v63  }
0x96: {  	_ =	swait.ge [sflag:s25], $0x3200  }
0x97: {  	s14 =	sadd.s32 $0x800, s14;
	[sflag:s25] =	ssyncset.done $0x0  }
0x98: {  	s13 =	sshrl.u32 s14, $0x3;
	[sflag:s25] =	ssyncadd.s32 $0xFFFFCE00  }
0x99: {  	[tilespmem:s21], [sflag:$0x4] =	stream.indirect.gather [hbm4b:s1+s18], $0x80, s6, s18, $0xb8;
	[tilespmem:$0x1B000] =	vst v63  }
0x9a: {  	s13 =	sadd.s32 s5, s13  }
0x9b: {  	[tilespmem:s4], [sflag:$0x1] =	stream.linear.gather [hbm4b:s13+s4], $0x400, $0x38;
	[tilespmem:$0x1B000] =	vst v63  }
0x9c: {  	_ =	swait.ge [sflag:s23], $0x3200  }
0x9d: {  	[sflag:s23] =	ssyncset.done $0x0  }
0x9e: {  	s13 =	rddreg [dreg:$0x5];
	[sflag:s23] =	ssyncadd.s32 $0xFFFFCE00  }
0x9f: {  	[spmem:s2] =	stream.indirect.scatter.add.f32 [tilespmem:s19], [sflag:$0x6], $0x80, s13, s18, $0xb8;
	[tilespmem:$0x1B000] =	vst v63  }
0xa0: {  	_ =	swait.ge [sflag:s25], $0x3200  }
0xa1: {  	[sflag:s25] =	ssyncset.done $0x0  }
0xa2: {  	s13 =	rddreg [dreg:$0x6];
	[sflag:s25] =	ssyncadd.s32 $0xFFFFCE00  }
0xa3: {  	[tilespmem:s19], [sflag:$0x3] =	stream.indirect.gather [hbm4b:s1+s18], $0x80, s13, s18, $0xb8;
	[tilespmem:$0x1B000] =	vst v63  }
0xa4: {  	_ =	swait.ge [sflag:s28], $0x3200  }
0xa5: {  	[sflag:s28] =	ssyncset.done $0x0  }
0xa6: {  	s13 =	rddreg [dreg:$0x7];
	[sflag:s28] =	ssyncadd.s32 $0xFFFFCE00  }
0xa7: {  	[spmem:s2] =	stream.indirect.scatter.add.f32 [tilespmem:s21], [sflag:$0x6], $0x80, s13, s18, $0xb8;
	[tilespmem:$0x1B000] =	vst v63  }
0xa8: {  	_ =	swait.ge [sflag:s25], $0x3200  }
0xa9: {  	[sflag:s25] =	ssyncset.done $0x0  }
0xaa: {  	s13 =	rddreg [dreg:$0x8];
	[sflag:s25] =	ssyncadd.s32 $0xFFFFCE00  }
0xab: {  	[tilespmem:s21], [sflag:$0x4] =	stream.indirect.gather [hbm4b:s1+s18], $0x80, s13, s18, $0xb8;
	[tilespmem:$0x1B000] =	vst v63  }
0xac: {  	_ =	swait.ge [sflag:s23], $0x3200  }
0xad: {  	[sflag:s23] =	ssyncset.done $0x0  }
0xae: {  	s13 =	rddreg [dreg:$0x9];
	[sflag:s23] =	ssyncadd.s32 $0xFFFFCE00  }
0xaf: {  	[spmem:s2] =	stream.indirect.scatter.add.f32 [tilespmem:s19], [sflag:$0x6], $0x80, s13, s18, $0xb8;
	[tilespmem:$0x1B000] =	vst v63  }
0xb0: {  	_ =	swait.ge [sflag:s25], $0x3200  }
0xb1: {  	[sflag:s25] =	ssyncset.done $0x0  }
0xb2: {  	[sflag:s25] =	ssyncadd.s32 $0xFFFFCE00  }
0xb3: {  	_ =	swait.ge [sflag:s17], $0x400  }
0xb4: {  	[sflag:s17] =	ssyncset.done $0x0  }
0xb5: {  	[sflag:s17] =	ssyncadd.s32 $0xFFFFFC00  }
0xb6: {  	[tilespmem:s19], [sflag:$0x3] =	stream.indirect.gather [hbm4b:s1+s18], $0x80, s4, s18, $0xb8;
	[tilespmem:$0x1B000] =	vst v63  }
0xb7: {  	_ =	swait.ge [sflag:s28], $0x3200  }
0xb8: {  	p0 =	sne.s32 s10, $0x16;
	[sflag:s28] =	ssyncset.done $0x0  }
0xb9: {  	s12 =	smov.u32 s10;
	s13 =	rddreg [dreg:$0xa];
	[sflag:s28] =	ssyncadd.s32 $0xFFFFCE00  }
0xba: {  	[spmem:s2] =	stream.indirect.scatter.add.f32 [tilespmem:s21], [sflag:$0x6], $0x80, s13, s18, $0xb8;
	[tilespmem:$0x1B000] =	vst v63  }
.Ltmp0:
0xbb: {  	s12 =	smin.u32 s12, $0x15;
	_ =	swait.ge [sflag:s25], $0x3200;
	(pc) =	sbr.rel @p0 .LBB2_2-.Ltmp0, $4  }
0xbc: {  	s12 =	sshll.u32 s12, $0xA;
	[sflag:s25] =	ssyncset.done $0x0;
	s13 =	rddreg [dreg:$0x4]  }
0xbd: {  	[sflag:s25] =	ssyncadd.s32 $0xFFFFCE00;
	s12 =	sadd.s32 s12, s13  }
0xbe: {  	[tilespmem:s21], [sflag:$0x4] =	stream.indirect.gather [hbm4b:s1+s18], $0x80, s20, s18, $0xb8;
	[tilespmem:$0x1B000] =	vst v63  }
0xbf: {  	s10 =	sadd.s32 $0x2, s10;
	s12 =	sshrl.u32 s12, $0x3  }
0xc0: {  	s10 =	sadd.s32 s5, s12  }
0xc1: {  	[tilespmem:s16], [sflag:$0x2] =	stream.linear.gather [hbm4b:s10+s4], $0x400, $0x38;
	[tilespmem:$0x1B000] =	vst v63  }
0xc2: {  	_ =	swait.ge [sflag:s23], $0x3200  }
0xc3: {  	[sflag:s23] =	ssyncset.done $0x0  }
0xc4: {  	[sflag:s23] =	ssyncadd.s32 $0xFFFFCE00  }
0xc5: {  	[spmem:s2] =	stream.indirect.scatter.add.f32 [tilespmem:s19], [sflag:$0x6], $0x80, s24, s18, $0xb8;
	[tilespmem:$0x1B000] =	vst v63  }
0xc6: {  	_ =	swait.ge [sflag:s25], $0x3200  }
0xc7: {  	[sflag:s25] =	ssyncset.done $0x0  }
0xc8: {  	[sflag:s25] =	ssyncadd.s32 $0xFFFFCE00  }
0xc9: {  	[tilespmem:s19], [sflag:$0x3] =	stream.indirect.gather [hbm4b:s1+s18], $0x80, s26, s18, $0xb8;
	[tilespmem:$0x1B000] =	vst v63  }
0xca: {  	_ =	swait.ge [sflag:s28], $0x3200  }
0xcb: {  	[sflag:s28] =	ssyncset.done $0x0  }
0xcc: {  	[sflag:s28] =	ssyncadd.s32 $0xFFFFCE00  }
0xcd: {  	[spmem:s2] =	stream.indirect.scatter.add.f32 [tilespmem:s21], [sflag:$0x6], $0x80, s29, s18, $0xb8;
	[tilespmem:$0x1B000] =	vst v63  }
0xce: {  	_ =	swait.ge [sflag:s25], $0x3200  }
0xcf: {  	[sflag:s25] =	ssyncset.done $0x0  }
0xd0: {  	[sflag:s25] =	ssyncadd.s32 $0xFFFFCE00  }
0xd1: {  	[tilespmem:s21], [sflag:$0x4] =	stream.indirect.gather [hbm4b:s1+s18], $0x80, s30, s18, $0xb8;
	[tilespmem:$0x1B000] =	vst v63  }
0xd2: {  	_ =	swait.ge [sflag:s23], $0x3200  }
0xd3: {  	[sflag:s23] =	ssyncset.done $0x0  }
0xd4: {  	[sflag:s23] =	ssyncadd.s32 $0xFFFFCE00  }
0xd5: {  	[spmem:s2] =	stream.indirect.scatter.add.f32 [tilespmem:s19], [sflag:$0x6], $0x80, s31, s18, $0xb8;
	[tilespmem:$0x1B000] =	vst v63  }
0xd6: {  	_ =	swait.ge [sflag:s25], $0x3200  }
0xd7: {  	[sflag:s25] =	ssyncset.done $0x0  }
0xd8: {  	[sflag:s25] =	ssyncadd.s32 $0xFFFFCE00  }
0xd9: {  	_ =	swait.ge [sflag:s0], $0x400  }
0xda: {  	[sflag:s0] =	ssyncset.done $0x0  }
0xdb: {  	[sflag:s0] =	ssyncadd.s32 $0xFFFFFC00  }
0xdc: {  	[tilespmem:s19], [sflag:$0x3] =	stream.indirect.gather [hbm4b:s1+s18], $0x80, s16, s18, $0xb8;
	[tilespmem:$0x1B000] =	vst v63  }
0xdd: {  	_ =	swait.ge [sflag:s28], $0x3200  }
0xde: {  	[sflag:s28] =	ssyncset.done $0x0  }
0xdf: {  	[sflag:s28] =	ssyncadd.s32 $0xFFFFCE00  }
0xe0: {  	[spmem:s2] =	stream.indirect.scatter.add.f32 [tilespmem:s21], [sflag:$0x6], $0x80, s3, s18, $0xb8;
	[tilespmem:$0x1B000] =	vst v63  }
0xe1: {  	_ =	swait.ge [sflag:s25], $0x3200  }
0xe2: {  	[sflag:s25] =	ssyncset.done $0x0  }
0xe3: {  	[sflag:s25] =	ssyncadd.s32 $0xFFFFCE00  }
0xe4: {  	[tilespmem:s21], [sflag:$0x4] =	stream.indirect.gather [hbm4b:s1+s18], $0x80, s6, s18, $0xb8;
	[tilespmem:$0x1B000] =	vst v63  }
0xe5: {  	s14 =	rddreg [dreg:$0xe]  }
0xe6: {  	[tilespmem:s4], [sflag:$0x1] =	stream.linear.gather [hbm4b:s14+s4], $0x400, $0x38;
	[tilespmem:$0x1B000] =	vst v63  }
0xe7: {  	_ =	swait.ge [sflag:s23], $0x3200  }
0xe8: {  	[sflag:s23] =	ssyncset.done $0x0  }
0xe9: {  	[sflag:s23] =	ssyncadd.s32 $0xFFFFCE00  }
0xea: {  	_ =	swait.ge [sflag:s28], $0x3200  }
0xeb: {  	[sflag:s28] =	ssyncset.done $0x0  }
0xec: {  	[sflag:s28] =	ssyncadd.s32 $0xFFFFCE00  }
0xed: {  	_ =	swait.ge [sflag:s17], $0x400  }
0xee: {  	[sflag:s17] =	ssyncset.done $0x0  }
0xef: {  	[sflag:s17] =	ssyncadd.s32 $0xFFFFFC00  }
0xf0: {  	[bflag:$0x0] =	sbarrier.arrive $0xFFFF  }
0xf1: {  	s12 =	sor.u32 $0x1C06, s7;
	s13 =	rddreg [dreg:$0xf]  }
0xf2: {  	[hbm:s13], [sflag:s12] =	dma.local [spmem:s15], $0x2800  }
0xf3: {  	_ =	swait.ge [sflag:s25], $0x2800  }
0xf4: {  	s8 =	sadd.s32 $0x1, s8;
	s14 =	rddreg [dreg:$0x10]  }
0xf5: {  	p0 =	sne.s32 s8, s14  }
.Ltmp1:
0xf6: {  	_ = 	snop;
	(pc) =	sbr.rel @p0 .LBB2_1-.Ltmp1, $3  }
0xf7: {  	_ =	sdelay $0x1  }
0xf8: {  	[sflag:s25] =	ssyncset.done $0x0  }
0xf9: {  	[sflag:s25] =	ssyncadd.s32 $0xFFFFD800  }
0xfa: {  	_ =	sfence.sel $0x180000  }
0xfb: {  	[bflag:$0x0] =	sbarrier.arrive $0xFFFF  }
0xfc: {  	_ =	strace $0x9000004A  }
0xfd: {  	s0 =	stileid.u32;
	[bflag:$0x2] =	sbarrier.arrive $0xFFFF  }
0xfe: {  	p0 =	sne.s32 s0, $0x0;
	s0 =	rddreg [dreg:$0x3]  }
0xff: {  	s0 =	sadd.s32 @!p0 $0x100000, s0  }
0x100: {  	[sflag:s0] =	ssyncadd.tile.s32 @!p0 $0x1;
	_ =	shalt  }
.Lfunc_end2:
_tile_overlayer_lowered:
.L_overlay_start_2:
0x101: {  	(tag) =	ssettag $0x2  }
0x102: {  	s0 =	rddreg [dreg:$0x0];
	s2 =	stileid.u32  }
0x103: {  	s1 =	rddreg [dreg:$0x1];
	p0 =	sne.s32 s2, $0x0  }
0x104: {  	s3 =	rddreg [dreg:$0x2];
	[bflag:$0x3] =	sbarrier.arrive $0xFFFF;
	s2 =	simm.s32 @!p0 $0x1C06  }
0x105: {  	[timem:s3], [sflag:s2] =	dma.local @!p0 [hbm:s0], s1  }
0x106: {  	s0 =	simm.s32 @!p0 $0x6  }
0x107: {  	_ =	swait.ge @!p0 [sflag:s0], s1  }
0x108: {  	s1 =	ssub.s32 @!p0 $0x0, s1;
	[sflag:s0] =	ssyncset.done @!p0 $0x0  }
0x109: {  	[sflag:s0] =	ssyncadd.s32 @!p0 s1  }
0x10a: {  	[bflag:$0x3] =	sbarrier.arrive $0xFFFF  }
0x10b: {  	_ =	shalt  }

</sc_bundles>
